<compile_context>
chip_gen: v7x
topology: tpu7x:2x2x1
jax: 0.10.2.dev20260603
libtpu: 0.0.44.dev20260713+nightly
codegen_flags: <defaults>
</compile_context>

<pallas_src>
import functools

import jax
import jax.numpy as jnp
from jax import lax
from jax.experimental import pallas as pl
from jax.experimental.pallas import tpu as pltpu
from jax.experimental.pallas import tpu_sc as plsc

N_NODES = 10000
N_EDGES = 320000
D_FEAT = 128
D_HID = 16
N_CLS = 16

NC = 2
NS = 16
NW = NC * NS
G = 128

N_PAD = 10240
ROWS_PER_TILE = N_PAD // NS
EPW = 10240
K = EPW // G
E_PAD = EPW * NW


def _worker_ids():
    cid = lax.axis_index("c")
    sid = lax.axis_index("s")
    return cid, sid, sid * NC + cid



@functools.cache
def _sc_kernels():
    mesh = plsc.VectorSubcoreMesh(core_axis_name="c", subcore_axis_name="s")
    params = pltpu.CompilerParams(use_tc_tiling_on_sc=False)

    @functools.partial(
        pl.kernel,
        mesh=mesh,
        compiler_params=params,
        out_type=jax.ShapeDtypeStruct((NC, N_PAD, 16), jnp.float32),
        scratch_types=[
            pltpu.VMEM((K, G), jnp.int32),
            pltpu.VMEM((G, 16), jnp.float32),
            pltpu.VMEM_SHARED((N_PAD, 16), jnp.float32),
            pltpu.SemaphoreType.DMA,
        ],
    )
    def deg_kernel(dstp, ones_hbm, zeros_hbm, out, dst_v, ones_v, acc, sem):
        cid, sid, wid = _worker_ids()
        pltpu.sync_copy(dstp.at[wid], dst_v)
        pltpu.sync_copy(ones_hbm, ones_v)
        sl = pl.ds(sid * ROWS_PER_TILE, ROWS_PER_TILE)
        pltpu.sync_copy(zeros_hbm.at[sl], acc.at[sl])
        plsc.subcore_barrier()

        def fire(j, carry):
            pltpu.async_copy(ones_v, acc.at[dst_v.at[j]], sem, add=True)
            return carry

        lax.fori_loop(0, K, fire, 0)

        def drain(j, carry):
            pltpu.make_async_copy(dstp.at[wid], dst_v, sem).wait()
            return carry

        lax.fori_loop(0, (K * G * 16 * 4) // (K * G * 4), drain, 0)
        plsc.subcore_barrier()
        pltpu.sync_copy(acc.at[sl], out.at[cid, sl])

    @functools.partial(
        pl.kernel,
        mesh=mesh,
        compiler_params=params,
        out_type=jax.ShapeDtypeStruct((NC, N_PAD, 16), jnp.float32),
        scratch_types=[
            pltpu.VMEM((K, G), jnp.int32),
            pltpu.VMEM((K, G), jnp.int32),
            pltpu.VMEM((4 * G, 16), jnp.float32),
            pltpu.VMEM((4 * G, 16), jnp.float32),
            pltpu.VMEM((4 * G, 16), jnp.float32),
            pltpu.VMEM((4 * G, 16), jnp.float32),
            pltpu.VMEM_SHARED((N_PAD, 16), jnp.float32),
            pltpu.SemaphoreType.DMA,
            pltpu.SemaphoreType.DMA,
            pltpu.SemaphoreType.DMA,
            pltpu.SemaphoreType.DMA,
            pltpu.SemaphoreType.DMA,
            pltpu.SemaphoreType.DMA,
            pltpu.SemaphoreType.DMA,
            pltpu.SemaphoreType.DMA,
        ],
    )
    def agg_kernel(hp, srcp, dstp, zeros_hbm, out,
                   src_v, dst_v, rows0, rows1, rows2, rows3, acc,
                   gs0, gs1, gs2, gs3, ss0, ss1, ss2, ss3):
        cid, sid, wid = _worker_ids()
        pltpu.sync_copy(srcp.at[wid], src_v)
        pltpu.sync_copy(dstp.at[wid], dst_v)
        sl = pl.ds(sid * ROWS_PER_TILE, ROWS_PER_TILE)
        pltpu.sync_copy(zeros_hbm.at[sl], acc.at[sl])
        plsc.subcore_barrier()

        rows = (rows0, rows1, rows2, rows3)
        gs = (gs0, gs1, gs2, gs3)
        ss = (ss0, ss1, ss2, ss3)
        S = 4
        NI = K // S

        def gatherS(i, b):
            for r in range(S):
                pltpu.async_copy(
                    hp.at[src_v.at[S * i + r]], rows[b].at[pl.ds(r * G, G)],
                    gs[b])

        gatherS(0, 0)
        gatherS(1, 1)

        def grp(g, carry):
            i0 = g * 4
            for b in range(4):
                i = i0 + b
                pltpu.make_async_copy(
                    hp.at[pl.ds(0, S * G)], rows[b], gs[b]).wait()
                for r in range(S):
                    pltpu.async_copy(
                        rows[b].at[pl.ds(r * G, G)],
                        acc.at[dst_v.at[S * i + r]], ss[b], add=True)
                inext = i + 2
                bn = (b + 2) % 4

                @pl.when(inext < NI)
                def _prefetch():
                    @pl.when(i >= 2)
                    def _wait_scatter():
                        pltpu.make_async_copy(
                            hp.at[pl.ds(0, S * G)], rows[bn], ss[bn]).wait()

                    gatherS(inext, bn)
            return carry

        lax.fori_loop(0, NI // 4, grp, 0)
        for b in range(4):
            pltpu.make_async_copy(hp.at[pl.ds(0, S * G)], rows[b], ss[b]).wait()
        plsc.subcore_barrier()
        pltpu.sync_copy(acc.at[sl], out.at[cid, sl])

    return deg_kernel, agg_kernel



NP8 = N_PAD // 8


def _t2_body(deg2_ref, xp8_ref, w1b_ref, hp1_ref, self1_ref, dinv_ref):
    deg = deg2_ref[:NP8, :] + deg2_ref[NP8:, :] + 1.0
    dinv = lax.rsqrt(jnp.maximum(deg, 1.0))
    h1 = jnp.dot(xp8_ref[...], w1b_ref[...], preferred_element_type=jnp.float32)
    hp1_ref[...] = dinv * h1
    self1_ref[...] = dinv * dinv * h1
    dinv_ref[...] = dinv


def _t3_body(agg2_ref, dinv_ref, self1_ref, b1_ref, w2b_ref, hp2_ref, self2_ref):
    agg = agg2_ref[:NP8, :] + agg2_ref[NP8:, :]
    dinv = dinv_ref[...]
    x2 = jnp.maximum(dinv * agg + self1_ref[...] + b1_ref[...], 0.0)
    h2 = jnp.dot(x2, w2b_ref[...], preferred_element_type=jnp.float32)
    hp2_ref[...] = dinv * h2
    self2_ref[...] = dinv * dinv * h2


def _t4_body(agg2_ref, dinv_ref, self2_ref, b2_ref, out_ref):
    agg = agg2_ref[:NP8, :] + agg2_ref[NP8:, :]
    out_ref[...] = dinv_ref[...] * agg + self2_ref[...] + b2_ref[...]


_PK = jax.ShapeDtypeStruct((NP8, 128), jnp.float32)

_t2 = pl.pallas_call(_t2_body, out_shape=(_PK, _PK, _PK))
_t3 = pl.pallas_call(_t3_body, out_shape=(_PK, _PK))
_t4 = pl.pallas_call(_t4_body, out_shape=_PK)



def kernel(x, edge_index, W1, b1, W2, b2):
    src = edge_index[0].astype(jnp.int32)
    dst = edge_index[1].astype(jnp.int32)
    npad = E_PAD - N_EDGES
    pad_ids = jnp.arange(npad, dtype=jnp.int32)
    srcp = jnp.concatenate([src, pad_ids % N_NODES])
    dstp = jnp.concatenate([dst, N_NODES + pad_ids % (N_PAD - N_NODES)])
    srcp = srcp.reshape(NW, K, G)
    dstp = dstp.reshape(NW, K, G)

    ones = jnp.ones((G, 16), jnp.float32)
    zeros = jnp.zeros((N_PAD, 16), jnp.float32)

    xp8 = jnp.pad(x, ((0, N_PAD - N_NODES), (0, 0))).reshape(NP8, 8 * D_FEAT)
    eye8 = jnp.eye(8, dtype=jnp.float32)
    w1b = jnp.kron(eye8, W1)
    w2b = jnp.kron(eye8, W2)
    b1p = jnp.tile(b1, 8).reshape(1, 128)
    b2p = jnp.tile(b2, 8).reshape(1, 128)

    def sc_view(a):
        return a.reshape(2 * NP8, 128)

    def table(a):
        return a.reshape(N_PAD, 16)

    deg_kernel, agg_kernel = _sc_kernels()
    degp = deg_kernel(dstp, ones, zeros)
    hp1, self1, dinv = _t2(sc_view(degp), xp8, w1b)
    agg1 = agg_kernel(table(hp1), srcp, dstp, zeros)
    hp2, self2 = _t3(sc_view(agg1), dinv, self1, b1p, w2b)
    agg2 = agg_kernel(table(hp2), srcp, dstp, zeros)
    outp = _t4(sc_view(agg2), dinv, self2, b2p)
    return outp.reshape(N_PAD, 16)[:N_NODES]

# --- scband reference (transcript-rebuilt; emitter-appended) ---
"""Pipeline reference for scband-gcn-mlc-32478542692725 (READ-ONLY COPY).

The authoritative reference and input builder live on the scoring server;
editing this copy changes nothing except your own understanding.
"""

import jax, jax.numpy as jnp
import numpy as np

N_NODES = 10000
N_EDGES = 320000
D_FEAT = 128
D_HID = 16
N_CLS = 16


def glorot(key, shape):
    fan_in, fan_out = shape[0], shape[1]
    limit = np.sqrt(6.0 / (fan_in + fan_out))
    return jax.random.uniform(key, shape, minval=-limit, maxval=limit, dtype=jnp.float32)


def setup_inputs(seed: int = 0) -> dict:
    key = jax.random.key(seed)
    k_x, k_e, k_w1, k_w2 = jax.random.split(key, 4)
    x = jax.random.normal(k_x, (N_NODES, D_FEAT), dtype=jnp.float32)
    edge_index = jax.random.randint(k_e, (2, N_EDGES), 0, N_NODES, dtype=jnp.int64)
    W1 = glorot(k_w1, (D_FEAT, D_HID))
    b1 = jnp.zeros((D_HID,), dtype=jnp.float32)
    W2 = glorot(k_w2, (D_HID, N_CLS))
    b2 = jnp.zeros((N_CLS,), dtype=jnp.float32)
    return {"x": x, "edge_index": edge_index, "W1": W1, "b1": b1, "W2": W2, "b2": b2}


def gcn_conv(x, src, dst, W, b):
    # PyG GCNConv semantics: add self-loops, symmetric normalization D^-1/2 (A+I) D^-1/2 X W + b
    n = x.shape[0]
    h = x @ W
    ones = jnp.ones(src.shape[0], dtype=jnp.float32)
    deg = jnp.zeros((n,), dtype=jnp.float32).at[dst].add(ones)
    dinv = jax.lax.rsqrt(jnp.maximum(deg, 1.0))
    norm = dinv[src] * dinv[dst]
    msg = jnp.take(h, src, axis=0) * norm[:, None]
    out = jnp.zeros((n, W.shape[1]), dtype=jnp.float32).at[dst].add(msg)
    return out + b


def reference(x, edge_index, W1, b1, W2, b2):
    n = x.shape[0]
    loop = jnp.arange(n, dtype=edge_index.dtype)
    src = jnp.concatenate([edge_index[0], loop])
    dst = jnp.concatenate([edge_index[1], loop])
    h = gcn_conv(x, src, dst, W1, b1)
    h = jax.nn.relu(h)
    # dropout p=0.5 is identity in eval mode (self.training=False)
    out = gcn_conv(h, src, dst, W2, b2)
    return out

if __name__ == "__main__":
    import jax
    _d = setup_inputs()
    print(jax.jit(kernel)(*tuple(_d.values())))

</pallas_src>

<mosaic_0001>
#map = affine_map<(d0, d1) -> (0, 0, 0)>
#map1 = affine_map<(d0, d1) -> (0, 0)>
module attributes {stable_mosaic.version = 14 : i64} {
  func.func @deg_kernel(%arg0: i32, %arg1: i32, %arg2: memref<32x80x128xi32, #tpu.memory_space<hbm>>, %arg3: memref<128x16xf32, #tpu.memory_space<hbm>>, %arg4: memref<10240x16xf32, #tpu.memory_space<hbm>>, %arg5: memref<2x10240x16xf32, #tpu.memory_space<hbm>>, %arg6: memref<80x128xi32, #tpu.memory_space<vmem>>, %arg7: memref<128x16xf32, #tpu.memory_space<vmem>>, %arg8: memref<10240x16xf32, #tpu.memory_space<vmem_shared>>, %arg9: memref<!tpu.dma_semaphore, #tpu.memory_space<semaphore_mem>>) attributes {dimension_semantics = [#tpu.dimension_semantics<core_parallel>, #tpu.dimension_semantics<subcore_parallel>], iteration_bounds = array<i64: 2, 16>, scalar_prefetch = 0 : i64, scratch_operands = 4 : i64, tpu.core_type = #tpu.core_type<sc_vector_subcore>, window_params = [{transform_indices = #map}, {transform_indices = #map1}, {transform_indices = #map1}, {transform_indices = #map}]} {
    %mul3A = arith.constant 2 : i32
    %mul3A_0 = arith.muli %arg1, %mul3A : i32
    %add3A = arith.addi %mul3A_0, %arg0 : i32
    "tpu.region"() ({
      %run_scoped3A = tpu.sem_alloc : memref<!tpu.dma_semaphore, #tpu.memory_space<semaphore_mem>>
      %dma_start3A = arith.constant 0 : i32
      %dma_start3A_15 = arith.constant 0 : i32
      %dma_start3A_16 = tpu.memref_slice %arg2[%add3A, %dma_start3A, %dma_start3A_15] : memref<32x80x128xi32, #tpu.memory_space<hbm>> -> memref<1x80x128xi32, #tpu.memory_space<hbm>>
      %dma_start3A_17 = tpu.memref_squeeze %dma_start3A_16 : memref<1x80x128xi32, #tpu.memory_space<hbm>> -> memref<80x128xi32, #tpu.memory_space<hbm>>
      %dma_start3A_18 = arith.constant 0 : i32
      %dma_start3A_19 = arith.constant 0 : i32
      %dma_start3A_20 = tpu.memref_slice %arg2[%add3A, %dma_start3A_18, %dma_start3A_19] : memref<32x80x128xi32, #tpu.memory_space<hbm>> -> memref<1x80x128xi32, #tpu.memory_space<hbm>>
      %dma_start3A_21 = tpu.memref_squeeze %dma_start3A_20 : memref<1x80x128xi32, #tpu.memory_space<hbm>> -> memref<80x128xi32, #tpu.memory_space<hbm>>
      tpu.enqueue_dma source(%dma_start3A_21 : memref<80x128xi32, #tpu.memory_space<hbm>>) target(%arg6 : memref<80x128xi32, #tpu.memory_space<vmem>>) target_semaphore(%run_scoped3A : memref<!tpu.dma_semaphore, #tpu.memory_space<semaphore_mem>>)
      %dma_wait3A = arith.constant 0 : i32
      %dma_wait3A_22 = arith.constant 0 : i32
      %dma_wait3A_23 = tpu.memref_slice %arg2[%add3A, %dma_wait3A, %dma_wait3A_22] : memref<32x80x128xi32, #tpu.memory_space<hbm>> -> memref<1x80x128xi32, #tpu.memory_space<hbm>>
      %dma_wait3A_24 = tpu.memref_squeeze %dma_wait3A_23 : memref<1x80x128xi32, #tpu.memory_space<hbm>> -> memref<80x128xi32, #tpu.memory_space<hbm>>
      %dma_wait3A_25 = arith.constant 0 : i32
      %dma_wait3A_26 = arith.constant 0 : i32
      %dma_wait3A_27 = tpu.memref_slice %arg2[%add3A, %dma_wait3A_25, %dma_wait3A_26] : memref<32x80x128xi32, #tpu.memory_space<hbm>> -> memref<1x80x128xi32, #tpu.memory_space<hbm>>
      %dma_wait3A_28 = tpu.memref_squeeze %dma_wait3A_27 : memref<1x80x128xi32, #tpu.memory_space<hbm>> -> memref<80x128xi32, #tpu.memory_space<hbm>>
      tpu.wait_dma2 semaphore(%run_scoped3A : memref<!tpu.dma_semaphore, #tpu.memory_space<semaphore_mem>>) src(%dma_wait3A_28 : memref<80x128xi32, #tpu.memory_space<hbm>>) dst(%arg6 : memref<80x128xi32, #tpu.memory_space<vmem>>)
      tpu.yield
    }) : () -> ()
    "tpu.region"() ({
      %run_scoped3A = tpu.sem_alloc : memref<!tpu.dma_semaphore, #tpu.memory_space<semaphore_mem>>
      tpu.enqueue_dma source(%arg3 : memref<128x16xf32, #tpu.memory_space<hbm>>) target(%arg7 : memref<128x16xf32, #tpu.memory_space<vmem>>) target_semaphore(%run_scoped3A : memref<!tpu.dma_semaphore, #tpu.memory_space<semaphore_mem>>)
      tpu.wait_dma2 semaphore(%run_scoped3A : memref<!tpu.dma_semaphore, #tpu.memory_space<semaphore_mem>>) src(%arg3 : memref<128x16xf32, #tpu.memory_space<hbm>>) dst(%arg7 : memref<128x16xf32, #tpu.memory_space<vmem>>)
      tpu.yield
    }) : () -> ()
    %mul3A_1 = arith.constant 640 : i32
    %mul3A_2 = arith.muli %arg1, %mul3A_1 : i32
    "tpu.region"() ({
      %run_scoped3A = tpu.sem_alloc : memref<!tpu.dma_semaphore, #tpu.memory_space<semaphore_mem>>
      %dma_start3A = arith.constant 0 : i32
      %dma_start3A_15 = tpu.memref_slice %arg8[%mul3A_2, %dma_start3A] : memref<10240x16xf32, #tpu.memory_space<vmem_shared>> -> memref<640x16xf32, #tpu.memory_space<vmem_shared>>
      %dma_start3A_16 = arith.constant 0 : i32
      %dma_start3A_17 = tpu.memref_slice %arg4[%mul3A_2, %dma_start3A_16] : memref<10240x16xf32, #tpu.memory_space<hbm>> -> memref<640x16xf32, #tpu.memory_space<hbm>>
      tpu.enqueue_dma source(%dma_start3A_17 : memref<640x16xf32, #tpu.memory_space<hbm>>) target(%dma_start3A_15 : memref<640x16xf32, #tpu.memory_space<vmem_shared>>) target_semaphore(%run_scoped3A : memref<!tpu.dma_semaphore, #tpu.memory_space<semaphore_mem>>)
      %dma_wait3A = arith.constant 0 : i32
      %dma_wait3A_18 = tpu.memref_slice %arg8[%mul3A_2, %dma_wait3A] : memref<10240x16xf32, #tpu.memory_space<vmem_shared>> -> memref<640x16xf32, #tpu.memory_space<vmem_shared>>
      %dma_wait3A_19 = arith.constant 0 : i32
      %dma_wait3A_20 = tpu.memref_slice %arg4[%mul3A_2, %dma_wait3A_19] : memref<10240x16xf32, #tpu.memory_space<hbm>> -> memref<640x16xf32, #tpu.memory_space<hbm>>
      tpu.wait_dma2 semaphore(%run_scoped3A : memref<!tpu.dma_semaphore, #tpu.memory_space<semaphore_mem>>) src(%dma_wait3A_20 : memref<640x16xf32, #tpu.memory_space<hbm>>) dst(%dma_wait3A_18 : memref<640x16xf32, #tpu.memory_space<vmem_shared>>)
      tpu.yield
    }) : () -> ()
    %barrier3A = arith.constant 0 : index
    tpu.barrier barrier_id(%barrier3A)
    %scan3A = arith.constant 0 : i32
    %scan3A_3 = arith.constant 0 : i32
    %scan3A_4 = arith.constant 80 : i32
    %scan3A_5 = arith.addi %scan3A_3, %scan3A_4 : i32
    %scan3A_6 = arith.constant 1 : i32
    scf.for %scan3A_15 = %scan3A_3 to %scan3A_5 step %scan3A_6  : i32 {
      %dma_start3A = arith.constant 0 : i32
      %dma_start3A_16 = tpu.memref_slice %arg6[%scan3A_15, %dma_start3A] : memref<80x128xi32, #tpu.memory_space<vmem>> -> memref<1x128xi32, #tpu.memory_space<vmem>>
      %dma_start3A_17 = tpu.memref_squeeze %dma_start3A_16 : memref<1x128xi32, #tpu.memory_space<vmem>> -> memref<128xi32, #tpu.memory_space<vmem>>
      %dma_start3A_18 = arith.constant 0 : i32
      %dma_start3A_19 = arith.constant 0 : i32
      %dma_start3A_20 = tpu.memref_slice %arg8[%dma_start3A_18, %dma_start3A_19] : memref<10240x16xf32, #tpu.memory_space<vmem_shared>> -> memref<10240x16xf32, #tpu.memory_space<vmem_shared>>
      tpu.enqueue_indirect_dma source(%arg7 : memref<128x16xf32, #tpu.memory_space<vmem>>) target(%dma_start3A_20 : memref<10240x16xf32, #tpu.memory_space<vmem_shared>>) offsets(%dma_start3A_17 : memref<128xi32, #tpu.memory_space<vmem>>) semaphore(%arg9 : memref<!tpu.dma_semaphore, #tpu.memory_space<semaphore_mem>>) {add = true}
    }
    %scan3A_7 = arith.constant 80 : i32
    %scan3A_8 = arith.constant 0 : i32
    %scan3A_9 = arith.constant 0 : i32
    %scan3A_10 = arith.constant 16 : i32
    %scan3A_11 = arith.addi %scan3A_9, %scan3A_10 : i32
    %scan3A_12 = arith.constant 1 : i32
    scf.for %scan3A_15 = %scan3A_9 to %scan3A_11 step %scan3A_12  : i32 {
      %dma_wait3A = arith.constant 0 : i32
      %dma_wait3A_16 = arith.constant 0 : i32
      %dma_wait3A_17 = tpu.memref_slice %arg2[%add3A, %dma_wait3A, %dma_wait3A_16] : memref<32x80x128xi32, #tpu.memory_space<hbm>> -> memref<1x80x128xi32, #tpu.memory_space<hbm>>
      %dma_wait3A_18 = tpu.memref_squeeze %dma_wait3A_17 : memref<1x80x128xi32, #tpu.memory_space<hbm>> -> memref<80x128xi32, #tpu.memory_space<hbm>>
      %dma_wait3A_19 = arith.constant 0 : i32
      %dma_wait3A_20 = arith.constant 0 : i32
      %dma_wait3A_21 = tpu.memref_slice %arg2[%add3A, %dma_wait3A_19, %dma_wait3A_20] : memref<32x80x128xi32, #tpu.memory_space<hbm>> -> memref<1x80x128xi32, #tpu.memory_space<hbm>>
      %dma_wait3A_22 = tpu.memref_squeeze %dma_wait3A_21 : memref<1x80x128xi32, #tpu.memory_space<hbm>> -> memref<80x128xi32, #tpu.memory_space<hbm>>
      tpu.wait_dma2 semaphore(%arg9 : memref<!tpu.dma_semaphore, #tpu.memory_space<semaphore_mem>>) src(%dma_wait3A_22 : memref<80x128xi32, #tpu.memory_space<hbm>>) dst(%arg6 : memref<80x128xi32, #tpu.memory_space<vmem>>)
    }
    %scan3A_13 = arith.constant 16 : i32
    %barrier3A_14 = arith.constant 0 : index
    tpu.barrier barrier_id(%barrier3A_14)
    "tpu.region"() ({
      %run_scoped3A = tpu.sem_alloc : memref<!tpu.dma_semaphore, #tpu.memory_space<semaphore_mem>>
      %dma_start3A = arith.constant 0 : i32
      %dma_start3A_15 = tpu.memref_slice %arg5[%arg0, %mul3A_2, %dma_start3A] : memref<2x10240x16xf32, #tpu.memory_space<hbm>> -> memref<1x640x16xf32, #tpu.memory_space<hbm>>
      %dma_start3A_16 = tpu.memref_squeeze %dma_start3A_15 : memref<1x640x16xf32, #tpu.memory_space<hbm>> -> memref<640x16xf32, #tpu.memory_space<hbm>>
      %dma_start3A_17 = arith.constant 0 : i32
      %dma_start3A_18 = tpu.memref_slice %arg8[%mul3A_2, %dma_start3A_17] : memref<10240x16xf32, #tpu.memory_space<vmem_shared>> -> memref<640x16xf32, #tpu.memory_space<vmem_shared>>
      tpu.enqueue_dma source(%dma_start3A_18 : memref<640x16xf32, #tpu.memory_space<vmem_shared>>) target(%dma_start3A_16 : memref<640x16xf32, #tpu.memory_space<hbm>>) target_semaphore(%run_scoped3A : memref<!tpu.dma_semaphore, #tpu.memory_space<semaphore_mem>>)
      %dma_wait3A = arith.constant 0 : i32
      %dma_wait3A_19 = tpu.memref_slice %arg5[%arg0, %mul3A_2, %dma_wait3A] : memref<2x10240x16xf32, #tpu.memory_space<hbm>> -> memref<1x640x16xf32, #tpu.memory_space<hbm>>
      %dma_wait3A_20 = tpu.memref_squeeze %dma_wait3A_19 : memref<1x640x16xf32, #tpu.memory_space<hbm>> -> memref<640x16xf32, #tpu.memory_space<hbm>>
      %dma_wait3A_21 = arith.constant 0 : i32
      %dma_wait3A_22 = tpu.memref_slice %arg8[%mul3A_2, %dma_wait3A_21] : memref<10240x16xf32, #tpu.memory_space<vmem_shared>> -> memref<640x16xf32, #tpu.memory_space<vmem_shared>>
      tpu.wait_dma2 semaphore(%run_scoped3A : memref<!tpu.dma_semaphore, #tpu.memory_space<semaphore_mem>>) src(%dma_wait3A_22 : memref<640x16xf32, #tpu.memory_space<vmem_shared>>) dst(%dma_wait3A_20 : memref<640x16xf32, #tpu.memory_space<hbm>>)
      tpu.yield
    }) : () -> ()
    return
  }
}

#map = affine_map<(d0, d1) -> (0, 0)>
#map1 = affine_map<(d0, d1) -> (0, 0, 0)>
module attributes {stable_mosaic.version = 14 : i64} {
  func.func @agg_kernel(%arg0: i32, %arg1: i32, %arg2: memref<10240x16xf32, #tpu.memory_space<hbm>>, %arg3: memref<32x80x128xi32, #tpu.memory_space<hbm>>, %arg4: memref<32x80x128xi32, #tpu.memory_space<hbm>>, %arg5: memref<10240x16xf32, #tpu.memory_space<hbm>>, %arg6: memref<2x10240x16xf32, #tpu.memory_space<hbm>>, %arg7: memref<80x128xi32, #tpu.memory_space<vmem>>, %arg8: memref<80x128xi32, #tpu.memory_space<vmem>>, %arg9: memref<512x16xf32, #tpu.memory_space<vmem>>, %arg10: memref<512x16xf32, #tpu.memory_space<vmem>>, %arg11: memref<512x16xf32, #tpu.memory_space<vmem>>, %arg12: memref<512x16xf32, #tpu.memory_space<vmem>>, %arg13: memref<10240x16xf32, #tpu.memory_space<vmem_shared>>, %arg14: memref<!tpu.dma_semaphore, #tpu.memory_space<semaphore_mem>>, %arg15: memref<!tpu.dma_semaphore, #tpu.memory_space<semaphore_mem>>, %arg16: memref<!tpu.dma_semaphore, #tpu.memory_space<semaphore_mem>>, %arg17: memref<!tpu.dma_semaphore, #tpu.memory_space<semaphore_mem>>, %arg18: memref<!tpu.dma_semaphore, #tpu.memory_space<semaphore_mem>>, %arg19: memref<!tpu.dma_semaphore, #tpu.memory_space<semaphore_mem>>, %arg20: memref<!tpu.dma_semaphore, #tpu.memory_space<semaphore_mem>>, %arg21: memref<!tpu.dma_semaphore, #tpu.memory_space<semaphore_mem>>) attributes {dimension_semantics = [#tpu.dimension_semantics<core_parallel>, #tpu.dimension_semantics<subcore_parallel>], iteration_bounds = array<i64: 2, 16>, scalar_prefetch = 0 : i64, scratch_operands = 15 : i64, tpu.core_type = #tpu.core_type<sc_vector_subcore>, window_params = [{transform_indices = #map}, {transform_indices = #map1}, {transform_indices = #map1}, {transform_indices = #map}, {transform_indices = #map1}]} {
    %mul3A = arith.constant 2 : i32
    %mul3A_0 = arith.muli %arg1, %mul3A : i32
    %add3A = arith.addi %mul3A_0, %arg0 : i32
    "tpu.region"() ({
      %run_scoped3A = tpu.sem_alloc : memref<!tpu.dma_semaphore, #tpu.memory_space<semaphore_mem>>
      %dma_start3A_111 = arith.constant 0 : i32
      %dma_start3A_112 = arith.constant 0 : i32
      %dma_start3A_113 = tpu.memref_slice %arg3[%add3A, %dma_start3A_111, %dma_start3A_112] : memref<32x80x128xi32, #tpu.memory_space<hbm>> -> memref<1x80x128xi32, #tpu.memory_space<hbm>>
      %dma_start3A_114 = tpu.memref_squeeze %dma_start3A_113 : memref<1x80x128xi32, #tpu.memory_space<hbm>> -> memref<80x128xi32, #tpu.memory_space<hbm>>
      %dma_start3A_115 = arith.constant 0 : i32
      %dma_start3A_116 = arith.constant 0 : i32
      %dma_start3A_117 = tpu.memref_slice %arg3[%add3A, %dma_start3A_115, %dma_start3A_116] : memref<32x80x128xi32, #tpu.memory_space<hbm>> -> memref<1x80x128xi32, #tpu.memory_space<hbm>>
      %dma_start3A_118 = tpu.memref_squeeze %dma_start3A_117 : memref<1x80x128xi32, #tpu.memory_space<hbm>> -> memref<80x128xi32, #tpu.memory_space<hbm>>
      tpu.enqueue_dma source(%dma_start3A_118 : memref<80x128xi32, #tpu.memory_space<hbm>>) target(%arg7 : memref<80x128xi32, #tpu.memory_space<vmem>>) target_semaphore(%run_scoped3A : memref<!tpu.dma_semaphore, #tpu.memory_space<semaphore_mem>>)
      %dma_wait3A_119 = arith.constant 0 : i32
      %dma_wait3A_120 = arith.constant 0 : i32
      %dma_wait3A_121 = tpu.memref_slice %arg3[%add3A, %dma_wait3A_119, %dma_wait3A_120] : memref<32x80x128xi32, #tpu.memory_space<hbm>> -> memref<1x80x128xi32, #tpu.memory_space<hbm>>
      %dma_wait3A_122 = tpu.memref_squeeze %dma_wait3A_121 : memref<1x80x128xi32, #tpu.memory_space<hbm>> -> memref<80x128xi32, #tpu.memory_space<hbm>>
      %dma_wait3A_123 = arith.constant 0 : i32
      %dma_wait3A_124 = arith.constant 0 : i32
      %dma_wait3A_125 = tpu.memref_slice %arg3[%add3A, %dma_wait3A_123, %dma_wait3A_124] : memref<32x80x128xi32, #tpu.memory_space<hbm>> -> memref<1x80x128xi32, #tpu.memory_space<hbm>>
      %dma_wait3A_126 = tpu.memref_squeeze %dma_wait3A_125 : memref<1x80x128xi32, #tpu.memory_space<hbm>> -> memref<80x128xi32, #tpu.memory_space<hbm>>
      tpu.wait_dma2 semaphore(%run_scoped3A : memref<!tpu.dma_semaphore, #tpu.memory_space<semaphore_mem>>) src(%dma_wait3A_126 : memref<80x128xi32, #tpu.memory_space<hbm>>) dst(%arg7 : memref<80x128xi32, #tpu.memory_space<vmem>>)
      tpu.yield
    }) : () -> ()
    "tpu.region"() ({
      %run_scoped3A = tpu.sem_alloc : memref<!tpu.dma_semaphore, #tpu.memory_space<semaphore_mem>>
      %dma_start3A_111 = arith.constant 0 : i32
      %dma_start3A_112 = arith.constant 0 : i32
      %dma_start3A_113 = tpu.memref_slice %arg4[%add3A, %dma_start3A_111, %dma_start3A_112] : memref<32x80x128xi32, #tpu.memory_space<hbm>> -> memref<1x80x128xi32, #tpu.memory_space<hbm>>
      %dma_start3A_114 = tpu.memref_squeeze %dma_start3A_113 : memref<1x80x128xi32, #tpu.memory_space<hbm>> -> memref<80x128xi32, #tpu.memory_space<hbm>>
      %dma_start3A_115 = arith.constant 0 : i32
      %dma_start3A_116 = arith.constant 0 : i32
      %dma_start3A_117 = tpu.memref_slice %arg4[%add3A, %dma_start3A_115, %dma_start3A_116] : memref<32x80x128xi32, #tpu.memory_space<hbm>> -> memref<1x80x128xi32, #tpu.memory_space<hbm>>
      %dma_start3A_118 = tpu.memref_squeeze %dma_start3A_117 : memref<1x80x128xi32, #tpu.memory_space<hbm>> -> memref<80x128xi32, #tpu.memory_space<hbm>>
      tpu.enqueue_dma source(%dma_start3A_118 : memref<80x128xi32, #tpu.memory_space<hbm>>) target(%arg8 : memref<80x128xi32, #tpu.memory_space<vmem>>) target_semaphore(%run_scoped3A : memref<!tpu.dma_semaphore, #tpu.memory_space<semaphore_mem>>)
      %dma_wait3A_119 = arith.constant 0 : i32
      %dma_wait3A_120 = arith.constant 0 : i32
      %dma_wait3A_121 = tpu.memref_slice %arg4[%add3A, %dma_wait3A_119, %dma_wait3A_120] : memref<32x80x128xi32, #tpu.memory_space<hbm>> -> memref<1x80x128xi32, #tpu.memory_space<hbm>>
      %dma_wait3A_122 = tpu.memref_squeeze %dma_wait3A_121 : memref<1x80x128xi32, #tpu.memory_space<hbm>> -> memref<80x128xi32, #tpu.memory_space<hbm>>
      %dma_wait3A_123 = arith.constant 0 : i32
      %dma_wait3A_124 = arith.constant 0 : i32
      %dma_wait3A_125 = tpu.memref_slice %arg4[%add3A, %dma_wait3A_123, %dma_wait3A_124] : memref<32x80x128xi32, #tpu.memory_space<hbm>> -> memref<1x80x128xi32, #tpu.memory_space<hbm>>
      %dma_wait3A_126 = tpu.memref_squeeze %dma_wait3A_125 : memref<1x80x128xi32, #tpu.memory_space<hbm>> -> memref<80x128xi32, #tpu.memory_space<hbm>>
      tpu.wait_dma2 semaphore(%run_scoped3A : memref<!tpu.dma_semaphore, #tpu.memory_space<semaphore_mem>>) src(%dma_wait3A_126 : memref<80x128xi32, #tpu.memory_space<hbm>>) dst(%arg8 : memref<80x128xi32, #tpu.memory_space<vmem>>)
      tpu.yield
    }) : () -> ()
    %mul3A_1 = arith.constant 640 : i32
    %mul3A_2 = arith.muli %arg1, %mul3A_1 : i32
    "tpu.region"() ({
      %run_scoped3A = tpu.sem_alloc : memref<!tpu.dma_semaphore, #tpu.memory_space<semaphore_mem>>
      %dma_start3A_111 = arith.constant 0 : i32
      %dma_start3A_112 = tpu.memref_slice %arg13[%mul3A_2, %dma_start3A_111] : memref<10240x16xf32, #tpu.memory_space<vmem_shared>> -> memref<640x16xf32, #tpu.memory_space<vmem_shared>>
      %dma_start3A_113 = arith.constant 0 : i32
      %dma_start3A_114 = tpu.memref_slice %arg5[%mul3A_2, %dma_start3A_113] : memref<10240x16xf32, #tpu.memory_space<hbm>> -> memref<640x16xf32, #tpu.memory_space<hbm>>
      tpu.enqueue_dma source(%dma_start3A_114 : memref<640x16xf32, #tpu.memory_space<hbm>>) target(%dma_start3A_112 : memref<640x16xf32, #tpu.memory_space<vmem_shared>>) target_semaphore(%run_scoped3A : memref<!tpu.dma_semaphore, #tpu.memory_space<semaphore_mem>>)
      %dma_wait3A_115 = arith.constant 0 : i32
      %dma_wait3A_116 = tpu.memref_slice %arg13[%mul3A_2, %dma_wait3A_115] : memref<10240x16xf32, #tpu.memory_space<vmem_shared>> -> memref<640x16xf32, #tpu.memory_space<vmem_shared>>
      %dma_wait3A_117 = arith.constant 0 : i32
      %dma_wait3A_118 = tpu.memref_slice %arg5[%mul3A_2, %dma_wait3A_117] : memref<10240x16xf32, #tpu.memory_space<hbm>> -> memref<640x16xf32, #tpu.memory_space<hbm>>
      tpu.wait_dma2 semaphore(%run_scoped3A : memref<!tpu.dma_semaphore, #tpu.memory_space<semaphore_mem>>) src(%dma_wait3A_118 : memref<640x16xf32, #tpu.memory_space<hbm>>) dst(%dma_wait3A_116 : memref<640x16xf32, #tpu.memory_space<vmem_shared>>)
      tpu.yield
    }) : () -> ()
    %barrier3A = arith.constant 0 : index
    tpu.barrier barrier_id(%barrier3A)
    %dma_start3A = arith.constant 0 : i32
    %dma_start3A_3 = arith.constant 0 : i32
    %dma_start3A_4 = arith.constant 0 : i32
    %dma_start3A_5 = tpu.memref_slice %arg9[%dma_start3A_3, %dma_start3A_4] : memref<512x16xf32, #tpu.memory_space<vmem>> -> memref<128x16xf32, #tpu.memory_space<vmem>>
    %dma_start3A_6 = arith.constant 0 : i32
    %dma_start3A_7 = tpu.memref_slice %arg7[%dma_start3A, %dma_start3A_6] : memref<80x128xi32, #tpu.memory_space<vmem>> -> memref<1x128xi32, #tpu.memory_space<vmem>>
    %dma_start3A_8 = tpu.memref_squeeze %dma_start3A_7 : memref<1x128xi32, #tpu.memory_space<vmem>> -> memref<128xi32, #tpu.memory_space<vmem>>
    %dma_start3A_9 = arith.constant 0 : i32
    %dma_start3A_10 = arith.constant 0 : i32
    %dma_start3A_11 = tpu.memref_slice %arg2[%dma_start3A_9, %dma_start3A_10] : memref<10240x16xf32, #tpu.memory_space<hbm>> -> memref<10240x16xf32, #tpu.memory_space<hbm>>
    tpu.enqueue_indirect_dma source(%dma_start3A_11 : memref<10240x16xf32, #tpu.memory_space<hbm>>) target(%dma_start3A_5 : memref<128x16xf32, #tpu.memory_space<vmem>>) offsets(%dma_start3A_8 : memref<128xi32, #tpu.memory_space<vmem>>) semaphore(%arg14 : memref<!tpu.dma_semaphore, #tpu.memory_space<semaphore_mem>>)
    %dma_start3A_12 = arith.constant 1 : i32
    %dma_start3A_13 = arith.constant 128 : i32
    %dma_start3A_14 = arith.constant 0 : i32
    %dma_start3A_15 = tpu.memref_slice %arg9[%dma_start3A_13, %dma_start3A_14] : memref<512x16xf32, #tpu.memory_space<vmem>> -> memref<128x16xf32, #tpu.memory_space<vmem>>
    %dma_start3A_16 = arith.constant 0 : i32
    %dma_start3A_17 = tpu.memref_slice %arg7[%dma_start3A_12, %dma_start3A_16] : memref<80x128xi32, #tpu.memory_space<vmem>> -> memref<1x128xi32, #tpu.memory_space<vmem>>
    %dma_start3A_18 = tpu.memref_squeeze %dma_start3A_17 : memref<1x128xi32, #tpu.memory_space<vmem>> -> memref<128xi32, #tpu.memory_space<vmem>>
    %dma_start3A_19 = arith.constant 0 : i32
    %dma_start3A_20 = arith.constant 0 : i32
    %dma_start3A_21 = tpu.memref_slice %arg2[%dma_start3A_19, %dma_start3A_20] : memref<10240x16xf32, #tpu.memory_space<hbm>> -> memref<10240x16xf32, #tpu.memory_space<hbm>>
    tpu.enqueue_indirect_dma source(%dma_start3A_21 : memref<10240x16xf32, #tpu.memory_space<hbm>>) target(%dma_start3A_15 : memref<128x16xf32, #tpu.memory_space<vmem>>) offsets(%dma_start3A_18 : memref<128xi32, #tpu.memory_space<vmem>>) semaphore(%arg14 : memref<!tpu.dma_semaphore, #tpu.memory_space<semaphore_mem>>)
    %dma_start3A_22 = arith.constant 2 : i32
    %dma_start3A_23 = arith.constant 256 : i32
    %dma_start3A_24 = arith.constant 0 : i32
    %dma_start3A_25 = tpu.memref_slice %arg9[%dma_start3A_23, %dma_start3A_24] : memref<512x16xf32, #tpu.memory_space<vmem>> -> memref<128x16xf32, #tpu.memory_space<vmem>>
    %dma_start3A_26 = arith.constant 0 : i32
    %dma_start3A_27 = tpu.memref_slice %arg7[%dma_start3A_22, %dma_start3A_26] : memref<80x128xi32, #tpu.memory_space<vmem>> -> memref<1x128xi32, #tpu.memory_space<vmem>>
    %dma_start3A_28 = tpu.memref_squeeze %dma_start3A_27 : memref<1x128xi32, #tpu.memory_space<vmem>> -> memref<128xi32, #tpu.memory_space<vmem>>
    %dma_start3A_29 = arith.constant 0 : i32
    %dma_start3A_30 = arith.constant 0 : i32
    %dma_start3A_31 = tpu.memref_slice %arg2[%dma_start3A_29, %dma_start3A_30] : memref<10240x16xf32, #tpu.memory_space<hbm>> -> memref<10240x16xf32, #tpu.memory_space<hbm>>
    tpu.enqueue_indirect_dma source(%dma_start3A_31 : memref<10240x16xf32, #tpu.memory_space<hbm>>) target(%dma_start3A_25 : memref<128x16xf32, #tpu.memory_space<vmem>>) offsets(%dma_start3A_28 : memref<128xi32, #tpu.memory_space<vmem>>) semaphore(%arg14 : memref<!tpu.dma_semaphore, #tpu.memory_space<semaphore_mem>>)
    %dma_start3A_32 = arith.constant 3 : i32
    %dma_start3A_33 = arith.constant 384 : i32
    %dma_start3A_34 = arith.constant 0 : i32
    %dma_start3A_35 = tpu.memref_slice %arg9[%dma_start3A_33, %dma_start3A_34] : memref<512x16xf32, #tpu.memory_space<vmem>> -> memref<128x16xf32, #tpu.memory_space<vmem>>
    %dma_start3A_36 = arith.constant 0 : i32
    %dma_start3A_37 = tpu.memref_slice %arg7[%dma_start3A_32, %dma_start3A_36] : memref<80x128xi32, #tpu.memory_space<vmem>> -> memref<1x128xi32, #tpu.memory_space<vmem>>
    %dma_start3A_38 = tpu.memref_squeeze %dma_start3A_37 : memref<1x128xi32, #tpu.memory_space<vmem>> -> memref<128xi32, #tpu.memory_space<vmem>>
    %dma_start3A_39 = arith.constant 0 : i32
    %dma_start3A_40 = arith.constant 0 : i32
    %dma_start3A_41 = tpu.memref_slice %arg2[%dma_start3A_39, %dma_start3A_40] : memref<10240x16xf32, #tpu.memory_space<hbm>> -> memref<10240x16xf32, #tpu.memory_space<hbm>>
    tpu.enqueue_indirect_dma source(%dma_start3A_41 : memref<10240x16xf32, #tpu.memory_space<hbm>>) target(%dma_start3A_35 : memref<128x16xf32, #tpu.memory_space<vmem>>) offsets(%dma_start3A_38 : memref<128xi32, #tpu.memory_space<vmem>>) semaphore(%arg14 : memref<!tpu.dma_semaphore, #tpu.memory_space<semaphore_mem>>)
    %dma_start3A_42 = arith.constant 4 : i32
    %dma_start3A_43 = arith.constant 0 : i32
    %dma_start3A_44 = arith.constant 0 : i32
    %dma_start3A_45 = tpu.memref_slice %arg10[%dma_start3A_43, %dma_start3A_44] : memref<512x16xf32, #tpu.memory_space<vmem>> -> memref<128x16xf32, #tpu.memory_space<vmem>>
    %dma_start3A_46 = arith.constant 0 : i32
    %dma_start3A_47 = tpu.memref_slice %arg7[%dma_start3A_42, %dma_start3A_46] : memref<80x128xi32, #tpu.memory_space<vmem>> -> memref<1x128xi32, #tpu.memory_space<vmem>>
    %dma_start3A_48 = tpu.memref_squeeze %dma_start3A_47 : memref<1x128xi32, #tpu.memory_space<vmem>> -> memref<128xi32, #tpu.memory_space<vmem>>
    %dma_start3A_49 = arith.constant 0 : i32
    %dma_start3A_50 = arith.constant 0 : i32
    %dma_start3A_51 = tpu.memref_slice %arg2[%dma_start3A_49, %dma_start3A_50] : memref<10240x16xf32, #tpu.memory_space<hbm>> -> memref<10240x16xf32, #tpu.memory_space<hbm>>
    tpu.enqueue_indirect_dma source(%dma_start3A_51 : memref<10240x16xf32, #tpu.memory_space<hbm>>) target(%dma_start3A_45 : memref<128x16xf32, #tpu.memory_space<vmem>>) offsets(%dma_start3A_48 : memref<128xi32, #tpu.memory_space<vmem>>) semaphore(%arg15 : memref<!tpu.dma_semaphore, #tpu.memory_space<semaphore_mem>>)
    %dma_start3A_52 = arith.constant 5 : i32
    %dma_start3A_53 = arith.constant 128 : i32
    %dma_start3A_54 = arith.constant 0 : i32
    %dma_start3A_55 = tpu.memref_slice %arg10[%dma_start3A_53, %dma_start3A_54] : memref<512x16xf32, #tpu.memory_space<vmem>> -> memref<128x16xf32, #tpu.memory_space<vmem>>
    %dma_start3A_56 = arith.constant 0 : i32
    %dma_start3A_57 = tpu.memref_slice %arg7[%dma_start3A_52, %dma_start3A_56] : memref<80x128xi32, #tpu.memory_space<vmem>> -> memref<1x128xi32, #tpu.memory_space<vmem>>
    %dma_start3A_58 = tpu.memref_squeeze %dma_start3A_57 : memref<1x128xi32, #tpu.memory_space<vmem>> -> memref<128xi32, #tpu.memory_space<vmem>>
    %dma_start3A_59 = arith.constant 0 : i32
    %dma_start3A_60 = arith.constant 0 : i32
    %dma_start3A_61 = tpu.memref_slice %arg2[%dma_start3A_59, %dma_start3A_60] : memref<10240x16xf32, #tpu.memory_space<hbm>> -> memref<10240x16xf32, #tpu.memory_space<hbm>>
    tpu.enqueue_indirect_dma source(%dma_start3A_61 : memref<10240x16xf32, #tpu.memory_space<hbm>>) target(%dma_start3A_55 : memref<128x16xf32, #tpu.memory_space<vmem>>) offsets(%dma_start3A_58 : memref<128xi32, #tpu.memory_space<vmem>>) semaphore(%arg15 : memref<!tpu.dma_semaphore, #tpu.memory_space<semaphore_mem>>)
    %dma_start3A_62 = arith.constant 6 : i32
    %dma_start3A_63 = arith.constant 256 : i32
    %dma_start3A_64 = arith.constant 0 : i32
    %dma_start3A_65 = tpu.memref_slice %arg10[%dma_start3A_63, %dma_start3A_64] : memref<512x16xf32, #tpu.memory_space<vmem>> -> memref<128x16xf32, #tpu.memory_space<vmem>>
    %dma_start3A_66 = arith.constant 0 : i32
    %dma_start3A_67 = tpu.memref_slice %arg7[%dma_start3A_62, %dma_start3A_66] : memref<80x128xi32, #tpu.memory_space<vmem>> -> memref<1x128xi32, #tpu.memory_space<vmem>>
    %dma_start3A_68 = tpu.memref_squeeze %dma_start3A_67 : memref<1x128xi32, #tpu.memory_space<vmem>> -> memref<128xi32, #tpu.memory_space<vmem>>
    %dma_start3A_69 = arith.constant 0 : i32
    %dma_start3A_70 = arith.constant 0 : i32
    %dma_start3A_71 = tpu.memref_slice %arg2[%dma_start3A_69, %dma_start3A_70] : memref<10240x16xf32, #tpu.memory_space<hbm>> -> memref<10240x16xf32, #tpu.memory_space<hbm>>
    tpu.enqueue_indirect_dma source(%dma_start3A_71 : memref<10240x16xf32, #tpu.memory_space<hbm>>) target(%dma_start3A_65 : memref<128x16xf32, #tpu.memory_space<vmem>>) offsets(%dma_start3A_68 : memref<128xi32, #tpu.memory_space<vmem>>) semaphore(%arg15 : memref<!tpu.dma_semaphore, #tpu.memory_space<semaphore_mem>>)
    %dma_start3A_72 = arith.constant 7 : i32
    %dma_start3A_73 = arith.constant 384 : i32
    %dma_start3A_74 = arith.constant 0 : i32
    %dma_start3A_75 = tpu.memref_slice %arg10[%dma_start3A_73, %dma_start3A_74] : memref<512x16xf32, #tpu.memory_space<vmem>> -> memref<128x16xf32, #tpu.memory_space<vmem>>
    %dma_start3A_76 = arith.constant 0 : i32
    %dma_start3A_77 = tpu.memref_slice %arg7[%dma_start3A_72, %dma_start3A_76] : memref<80x128xi32, #tpu.memory_space<vmem>> -> memref<1x128xi32, #tpu.memory_space<vmem>>
    %dma_start3A_78 = tpu.memref_squeeze %dma_start3A_77 : memref<1x128xi32, #tpu.memory_space<vmem>> -> memref<128xi32, #tpu.memory_space<vmem>>
    %dma_start3A_79 = arith.constant 0 : i32
    %dma_start3A_80 = arith.constant 0 : i32
    %dma_start3A_81 = tpu.memref_slice %arg2[%dma_start3A_79, %dma_start3A_80] : memref<10240x16xf32, #tpu.memory_space<hbm>> -> memref<10240x16xf32, #tpu.memory_space<hbm>>
    tpu.enqueue_indirect_dma source(%dma_start3A_81 : memref<10240x16xf32, #tpu.memory_space<hbm>>) target(%dma_start3A_75 : memref<128x16xf32, #tpu.memory_space<vmem>>) offsets(%dma_start3A_78 : memref<128xi32, #tpu.memory_space<vmem>>) semaphore(%arg15 : memref<!tpu.dma_semaphore, #tpu.memory_space<semaphore_mem>>)
    %scan3A = arith.constant 0 : i32
    %scan3A_82 = arith.constant 0 : i32
    %scan3A_83 = arith.constant 5 : i32
    %scan3A_84 = arith.addi %scan3A_82, %scan3A_83 : i32
    %scan3A_85 = arith.constant 1 : i32
    scf.for %scan3A_111 = %scan3A_82 to %scan3A_84 step %scan3A_85  : i32 {
      %mul3A_112 = arith.constant 4 : i32
      %mul3A_113 = arith.muli %scan3A_111, %mul3A_112 : i32
      %add3A_114 = arith.constant 0 : i32
      %add3A_115 = arith.addi %mul3A_113, %add3A_114 : i32
      %dma_wait3A_116 = arith.constant 0 : i32
      %dma_wait3A_117 = arith.constant 0 : i32
      %dma_wait3A_118 = tpu.memref_slice %arg2[%dma_wait3A_116, %dma_wait3A_117] : memref<10240x16xf32, #tpu.memory_space<hbm>> -> memref<512x16xf32, #tpu.memory_space<hbm>>
      %dma_wait3A_119 = arith.constant 0 : i32
      %dma_wait3A_120 = arith.constant 0 : i32
      %dma_wait3A_121 = tpu.memref_slice %arg2[%dma_wait3A_119, %dma_wait3A_120] : memref<10240x16xf32, #tpu.memory_space<hbm>> -> memref<512x16xf32, #tpu.memory_space<hbm>>
      tpu.wait_dma2 semaphore(%arg14 : memref<!tpu.dma_semaphore, #tpu.memory_space<semaphore_mem>>) src(%dma_wait3A_121 : memref<512x16xf32, #tpu.memory_space<hbm>>) dst(%arg9 : memref<512x16xf32, #tpu.memory_space<vmem>>)
      %mul3A_122 = arith.constant 4 : i32
      %mul3A_123 = arith.muli %mul3A_122, %add3A_115 : i32
      %add3A_124 = arith.constant 0 : i32
      %add3A_125 = arith.addi %mul3A_123, %add3A_124 : i32
      %dma_start3A_126 = arith.constant 0 : i32
      %dma_start3A_127 = arith.constant 0 : i32
      %dma_start3A_128 = tpu.memref_slice %arg9[%dma_start3A_126, %dma_start3A_127] : memref<512x16xf32, #tpu.memory_space<vmem>> -> memref<128x16xf32, #tpu.memory_space<vmem>>
      %dma_start3A_129 = arith.constant 0 : i32
      %dma_start3A_130 = tpu.memref_slice %arg8[%add3A_125, %dma_start3A_129] : memref<80x128xi32, #tpu.memory_space<vmem>> -> memref<1x128xi32, #tpu.memory_space<vmem>>
      %dma_start3A_131 = tpu.memref_squeeze %dma_start3A_130 : memref<1x128xi32, #tpu.memory_space<vmem>> -> memref<128xi32, #tpu.memory_space<vmem>>
      %dma_start3A_132 = arith.constant 0 : i32
      %dma_start3A_133 = arith.constant 0 : i32
      %dma_start3A_134 = tpu.memref_slice %arg13[%dma_start3A_132, %dma_start3A_133] : memref<10240x16xf32, #tpu.memory_space<vmem_shared>> -> memref<10240x16xf32, #tpu.memory_space<vmem_shared>>
      tpu.enqueue_indirect_dma source(%dma_start3A_128 : memref<128x16xf32, #tpu.memory_space<vmem>>) target(%dma_start3A_134 : memref<10240x16xf32, #tpu.memory_space<vmem_shared>>) offsets(%dma_start3A_131 : memref<128xi32, #tpu.memory_space<vmem>>) semaphore(%arg18 : memref<!tpu.dma_semaphore, #tpu.memory_space<semaphore_mem>>) {add = true}
      %mul3A_135 = arith.constant 4 : i32
      %mul3A_136 = arith.muli %mul3A_135, %add3A_115 : i32
      %add3A_137 = arith.constant 1 : i32
      %add3A_138 = arith.addi %mul3A_136, %add3A_137 : i32
      %dma_start3A_139 = arith.constant 128 : i32
      %dma_start3A_140 = arith.constant 0 : i32
      %dma_start3A_141 = tpu.memref_slice %arg9[%dma_start3A_139, %dma_start3A_140] : memref<512x16xf32, #tpu.memory_space<vmem>> -> memref<128x16xf32, #tpu.memory_space<vmem>>
      %dma_start3A_142 = arith.constant 0 : i32
      %dma_start3A_143 = tpu.memref_slice %arg8[%add3A_138, %dma_start3A_142] : memref<80x128xi32, #tpu.memory_space<vmem>> -> memref<1x128xi32, #tpu.memory_space<vmem>>
      %dma_start3A_144 = tpu.memref_squeeze %dma_start3A_143 : memref<1x128xi32, #tpu.memory_space<vmem>> -> memref<128xi32, #tpu.memory_space<vmem>>
      %dma_start3A_145 = arith.constant 0 : i32
      %dma_start3A_146 = arith.constant 0 : i32
      %dma_start3A_147 = tpu.memref_slice %arg13[%dma_start3A_145, %dma_start3A_146] : memref<10240x16xf32, #tpu.memory_space<vmem_shared>> -> memref<10240x16xf32, #tpu.memory_space<vmem_shared>>
      tpu.enqueue_indirect_dma source(%dma_start3A_141 : memref<128x16xf32, #tpu.memory_space<vmem>>) target(%dma_start3A_147 : memref<10240x16xf32, #tpu.memory_space<vmem_shared>>) offsets(%dma_start3A_144 : memref<128xi32, #tpu.memory_space<vmem>>) semaphore(%arg18 : memref<!tpu.dma_semaphore, #tpu.memory_space<semaphore_mem>>) {add = true}
      %mul3A_148 = arith.constant 4 : i32
      %mul3A_149 = arith.muli %mul3A_148, %add3A_115 : i32
      %add3A_150 = arith.constant 2 : i32
      %add3A_151 = arith.addi %mul3A_149, %add3A_150 : i32
      %dma_start3A_152 = arith.constant 256 : i32
      %dma_start3A_153 = arith.constant 0 : i32
      %dma_start3A_154 = tpu.memref_slice %arg9[%dma_start3A_152, %dma_start3A_153] : memref<512x16xf32, #tpu.memory_space<vmem>> -> memref<128x16xf32, #tpu.memory_space<vmem>>
      %dma_start3A_155 = arith.constant 0 : i32
      %dma_start3A_156 = tpu.memref_slice %arg8[%add3A_151, %dma_start3A_155] : memref<80x128xi32, #tpu.memory_space<vmem>> -> memref<1x128xi32, #tpu.memory_space<vmem>>
      %dma_start3A_157 = tpu.memref_squeeze %dma_start3A_156 : memref<1x128xi32, #tpu.memory_space<vmem>> -> memref<128xi32, #tpu.memory_space<vmem>>
      %dma_start3A_158 = arith.constant 0 : i32
      %dma_start3A_159 = arith.constant 0 : i32
      %dma_start3A_160 = tpu.memref_slice %arg13[%dma_start3A_158, %dma_start3A_159] : memref<10240x16xf32, #tpu.memory_space<vmem_shared>> -> memref<10240x16xf32, #tpu.memory_space<vmem_shared>>
      tpu.enqueue_indirect_dma source(%dma_start3A_154 : memref<128x16xf32, #tpu.memory_space<vmem>>) target(%dma_start3A_160 : memref<10240x16xf32, #tpu.memory_space<vmem_shared>>) offsets(%dma_start3A_157 : memref<128xi32, #tpu.memory_space<vmem>>) semaphore(%arg18 : memref<!tpu.dma_semaphore, #tpu.memory_space<semaphore_mem>>) {add = true}
      %mul3A_161 = arith.constant 4 : i32
      %mul3A_162 = arith.muli %mul3A_161, %add3A_115 : i32
      %add3A_163 = arith.constant 3 : i32
      %add3A_164 = arith.addi %mul3A_162, %add3A_163 : i32
      %dma_start3A_165 = arith.constant 384 : i32
      %dma_start3A_166 = arith.constant 0 : i32
      %dma_start3A_167 = tpu.memref_slice %arg9[%dma_start3A_165, %dma_start3A_166] : memref<512x16xf32, #tpu.memory_space<vmem>> -> memref<128x16xf32, #tpu.memory_space<vmem>>
      %dma_start3A_168 = arith.constant 0 : i32
      %dma_start3A_169 = tpu.memref_slice %arg8[%add3A_164, %dma_start3A_168] : memref<80x128xi32, #tpu.memory_space<vmem>> -> memref<1x128xi32, #tpu.memory_space<vmem>>
      %dma_start3A_170 = tpu.memref_squeeze %dma_start3A_169 : memref<1x128xi32, #tpu.memory_space<vmem>> -> memref<128xi32, #tpu.memory_space<vmem>>
      %dma_start3A_171 = arith.constant 0 : i32
      %dma_start3A_172 = arith.constant 0 : i32
      %dma_start3A_173 = tpu.memref_slice %arg13[%dma_start3A_171, %dma_start3A_172] : memref<10240x16xf32, #tpu.memory_space<vmem_shared>> -> memref<10240x16xf32, #tpu.memory_space<vmem_shared>>
      tpu.enqueue_indirect_dma source(%dma_start3A_167 : memref<128x16xf32, #tpu.memory_space<vmem>>) target(%dma_start3A_173 : memref<10240x16xf32, #tpu.memory_space<vmem_shared>>) offsets(%dma_start3A_170 : memref<128xi32, #tpu.memory_space<vmem>>) semaphore(%arg18 : memref<!tpu.dma_semaphore, #tpu.memory_space<semaphore_mem>>) {add = true}
      %add3A_174 = arith.constant 2 : i32
      %add3A_175 = arith.addi %add3A_115, %add3A_174 : i32
      %lt3A = arith.constant 20 : i32
      %lt3A_176 = arith.cmpi slt, %add3A_175, %lt3A : i32
      %convert_element_type3A = arith.extui %lt3A_176 : i1 to i32
      %cond3A = arith.constant 0 : i32
      %cond3A_177 = arith.cmpi ne, %convert_element_type3A, %cond3A : i32
      scf.if %cond3A_177 {
        %ge3A = arith.constant 2 : i32
        %ge3A_379 = arith.cmpi sge, %add3A_115, %ge3A : i32
        %convert_element_type3A_380 = arith.extui %ge3A_379 : i1 to i32
        %cond3A_381 = arith.constant 0 : i32
        %cond3A_382 = arith.cmpi ne, %convert_element_type3A_380, %cond3A_381 : i32
        scf.if %cond3A_382 {
          %dma_wait3A_435 = arith.constant 0 : i32
          %dma_wait3A_436 = arith.constant 0 : i32
          %dma_wait3A_437 = tpu.memref_slice %arg2[%dma_wait3A_435, %dma_wait3A_436] : memref<10240x16xf32, #tpu.memory_space<hbm>> -> memref<512x16xf32, #tpu.memory_space<hbm>>
          %dma_wait3A_438 = arith.constant 0 : i32
          %dma_wait3A_439 = arith.constant 0 : i32
          %dma_wait3A_440 = tpu.memref_slice %arg2[%dma_wait3A_438, %dma_wait3A_439] : memref<10240x16xf32, #tpu.memory_space<hbm>> -> memref<512x16xf32, #tpu.memory_space<hbm>>
          tpu.wait_dma2 semaphore(%arg20 : memref<!tpu.dma_semaphore, #tpu.memory_space<semaphore_mem>>) src(%dma_wait3A_440 : memref<512x16xf32, #tpu.memory_space<hbm>>) dst(%arg11 : memref<512x16xf32, #tpu.memory_space<vmem>>)
        } else {
        }
        %mul3A_383 = arith.constant 4 : i32
        %mul3A_384 = arith.muli %mul3A_383, %add3A_175 : i32
        %add3A_385 = arith.constant 0 : i32
        %add3A_386 = arith.addi %mul3A_384, %add3A_385 : i32
        %dma_start3A_387 = arith.constant 0 : i32
        %dma_start3A_388 = arith.constant 0 : i32
        %dma_start3A_389 = tpu.memref_slice %arg11[%dma_start3A_387, %dma_start3A_388] : memref<512x16xf32, #tpu.memory_space<vmem>> -> memref<128x16xf32, #tpu.memory_space<vmem>>
        %dma_start3A_390 = arith.constant 0 : i32
        %dma_start3A_391 = tpu.memref_slice %arg7[%add3A_386, %dma_start3A_390] : memref<80x128xi32, #tpu.memory_space<vmem>> -> memref<1x128xi32, #tpu.memory_space<vmem>>
        %dma_start3A_392 = tpu.memref_squeeze %dma_start3A_391 : memref<1x128xi32, #tpu.memory_space<vmem>> -> memref<128xi32, #tpu.memory_space<vmem>>
        %dma_start3A_393 = arith.constant 0 : i32
        %dma_start3A_394 = arith.constant 0 : i32
        %dma_start3A_395 = tpu.memref_slice %arg2[%dma_start3A_393, %dma_start3A_394] : memref<10240x16xf32, #tpu.memory_space<hbm>> -> memref<10240x16xf32, #tpu.memory_space<hbm>>
        tpu.enqueue_indirect_dma source(%dma_start3A_395 : memref<10240x16xf32, #tpu.memory_space<hbm>>) target(%dma_start3A_389 : memref<128x16xf32, #tpu.memory_space<vmem>>) offsets(%dma_start3A_392 : memref<128xi32, #tpu.memory_space<vmem>>) semaphore(%arg16 : memref<!tpu.dma_semaphore, #tpu.memory_space<semaphore_mem>>)
        %mul3A_396 = arith.constant 4 : i32
        %mul3A_397 = arith.muli %mul3A_396, %add3A_175 : i32
        %add3A_398 = arith.constant 1 : i32
        %add3A_399 = arith.addi %mul3A_397, %add3A_398 : i32
        %dma_start3A_400 = arith.constant 128 : i32
        %dma_start3A_401 = arith.constant 0 : i32
        %dma_start3A_402 = tpu.memref_slice %arg11[%dma_start3A_400, %dma_start3A_401] : memref<512x16xf32, #tpu.memory_space<vmem>> -> memref<128x16xf32, #tpu.memory_space<vmem>>
        %dma_start3A_403 = arith.constant 0 : i32
        %dma_start3A_404 = tpu.memref_slice %arg7[%add3A_399, %dma_start3A_403] : memref<80x128xi32, #tpu.memory_space<vmem>> -> memref<1x128xi32, #tpu.memory_space<vmem>>
        %dma_start3A_405 = tpu.memref_squeeze %dma_start3A_404 : memref<1x128xi32, #tpu.memory_space<vmem>> -> memref<128xi32, #tpu.memory_space<vmem>>
        %dma_start3A_406 = arith.constant 0 : i32
        %dma_start3A_407 = arith.constant 0 : i32
        %dma_start3A_408 = tpu.memref_slice %arg2[%dma_start3A_406, %dma_start3A_407] : memref<10240x16xf32, #tpu.memory_space<hbm>> -> memref<10240x16xf32, #tpu.memory_space<hbm>>
        tpu.enqueue_indirect_dma source(%dma_start3A_408 : memref<10240x16xf32, #tpu.memory_space<hbm>>) target(%dma_start3A_402 : memref<128x16xf32, #tpu.memory_space<vmem>>) offsets(%dma_start3A_405 : memref<128xi32, #tpu.memory_space<vmem>>) semaphore(%arg16 : memref<!tpu.dma_semaphore, #tpu.memory_space<semaphore_mem>>)
        %mul3A_409 = arith.constant 4 : i32
        %mul3A_410 = arith.muli %mul3A_409, %add3A_175 : i32
        %add3A_411 = arith.constant 2 : i32
        %add3A_412 = arith.addi %mul3A_410, %add3A_411 : i32
        %dma_start3A_413 = arith.constant 256 : i32
        %dma_start3A_414 = arith.constant 0 : i32
        %dma_start3A_415 = tpu.memref_slice %arg11[%dma_start3A_413, %dma_start3A_414] : memref<512x16xf32, #tpu.memory_space<vmem>> -> memref<128x16xf32, #tpu.memory_space<vmem>>
        %dma_start3A_416 = arith.constant 0 : i32
        %dma_start3A_417 = tpu.memref_slice %arg7[%add3A_412, %dma_start3A_416] : memref<80x128xi32, #tpu.memory_space<vmem>> -> memref<1x128xi32, #tpu.memory_space<vmem>>
        %dma_start3A_418 = tpu.memref_squeeze %dma_start3A_417 : memref<1x128xi32, #tpu.memory_space<vmem>> -> memref<128xi32, #tpu.memory_space<vmem>>
        %dma_start3A_419 = arith.constant 0 : i32
        %dma_start3A_420 = arith.constant 0 : i32
        %dma_start3A_421 = tpu.memref_slice %arg2[%dma_start3A_419, %dma_start3A_420] : memref<10240x16xf32, #tpu.memory_space<hbm>> -> memref<10240x16xf32, #tpu.memory_space<hbm>>
        tpu.enqueue_indirect_dma source(%dma_start3A_421 : memref<10240x16xf32, #tpu.memory_space<hbm>>) target(%dma_start3A_415 : memref<128x16xf32, #tpu.memory_space<vmem>>) offsets(%dma_start3A_418 : memref<128xi32, #tpu.memory_space<vmem>>) semaphore(%arg16 : memref<!tpu.dma_semaphore, #tpu.memory_space<semaphore_mem>>)
        %mul3A_422 = arith.constant 4 : i32
        %mul3A_423 = arith.muli %mul3A_422, %add3A_175 : i32
        %add3A_424 = arith.constant 3 : i32
        %add3A_425 = arith.addi %mul3A_423, %add3A_424 : i32
        %dma_start3A_426 = arith.constant 384 : i32
        %dma_start3A_427 = arith.constant 0 : i32
        %dma_start3A_428 = tpu.memref_slice %arg11[%dma_start3A_426, %dma_start3A_427] : memref<512x16xf32, #tpu.memory_space<vmem>> -> memref<128x16xf32, #tpu.memory_space<vmem>>
        %dma_start3A_429 = arith.constant 0 : i32
        %dma_start3A_430 = tpu.memref_slice %arg7[%add3A_425, %dma_start3A_429] : memref<80x128xi32, #tpu.memory_space<vmem>> -> memref<1x128xi32, #tpu.memory_space<vmem>>
        %dma_start3A_431 = tpu.memref_squeeze %dma_start3A_430 : memref<1x128xi32, #tpu.memory_space<vmem>> -> memref<128xi32, #tpu.memory_space<vmem>>
        %dma_start3A_432 = arith.constant 0 : i32
        %dma_start3A_433 = arith.constant 0 : i32
        %dma_start3A_434 = tpu.memref_slice %arg2[%dma_start3A_432, %dma_start3A_433] : memref<10240x16xf32, #tpu.memory_space<hbm>> -> memref<10240x16xf32, #tpu.memory_space<hbm>>
        tpu.enqueue_indirect_dma source(%dma_start3A_434 : memref<10240x16xf32, #tpu.memory_space<hbm>>) target(%dma_start3A_428 : memref<128x16xf32, #tpu.memory_space<vmem>>) offsets(%dma_start3A_431 : memref<128xi32, #tpu.memory_space<vmem>>) semaphore(%arg16 : memref<!tpu.dma_semaphore, #tpu.memory_space<semaphore_mem>>)
      } else {
      }
      %add3A_178 = arith.constant 1 : i32
      %add3A_179 = arith.addi %mul3A_113, %add3A_178 : i32
      %dma_wait3A_180 = arith.constant 0 : i32
      %dma_wait3A_181 = arith.constant 0 : i32
      %dma_wait3A_182 = tpu.memref_slice %arg2[%dma_wait3A_180, %dma_wait3A_181] : memref<10240x16xf32, #tpu.memory_space<hbm>> -> memref<512x16xf32, #tpu.memory_space<hbm>>
      %dma_wait3A_183 = arith.constant 0 : i32
      %dma_wait3A_184 = arith.constant 0 : i32
      %dma_wait3A_185 = tpu.memref_slice %arg2[%dma_wait3A_183, %dma_wait3A_184] : memref<10240x16xf32, #tpu.memory_space<hbm>> -> memref<512x16xf32, #tpu.memory_space<hbm>>
      tpu.wait_dma2 semaphore(%arg15 : memref<!tpu.dma_semaphore, #tpu.memory_space<semaphore_mem>>) src(%dma_wait3A_185 : memref<512x16xf32, #tpu.memory_space<hbm>>) dst(%arg10 : memref<512x16xf32, #tpu.memory_space<vmem>>)
      %mul3A_186 = arith.constant 4 : i32
      %mul3A_187 = arith.muli %mul3A_186, %add3A_179 : i32
      %add3A_188 = arith.constant 0 : i32
      %add3A_189 = arith.addi %mul3A_187, %add3A_188 : i32
      %dma_start3A_190 = arith.constant 0 : i32
      %dma_start3A_191 = arith.constant 0 : i32
      %dma_start3A_192 = tpu.memref_slice %arg10[%dma_start3A_190, %dma_start3A_191] : memref<512x16xf32, #tpu.memory_space<vmem>> -> memref<128x16xf32, #tpu.memory_space<vmem>>
      %dma_start3A_193 = arith.constant 0 : i32
      %dma_start3A_194 = tpu.memref_slice %arg8[%add3A_189, %dma_start3A_193] : memref<80x128xi32, #tpu.memory_space<vmem>> -> memref<1x128xi32, #tpu.memory_space<vmem>>
      %dma_start3A_195 = tpu.memref_squeeze %dma_start3A_194 : memref<1x128xi32, #tpu.memory_space<vmem>> -> memref<128xi32, #tpu.memory_space<vmem>>
      %dma_start3A_196 = arith.constant 0 : i32
      %dma_start3A_197 = arith.constant 0 : i32
      %dma_start3A_198 = tpu.memref_slice %arg13[%dma_start3A_196, %dma_start3A_197] : memref<10240x16xf32, #tpu.memory_space<vmem_shared>> -> memref<10240x16xf32, #tpu.memory_space<vmem_shared>>
      tpu.enqueue_indirect_dma source(%dma_start3A_192 : memref<128x16xf32, #tpu.memory_space<vmem>>) target(%dma_start3A_198 : memref<10240x16xf32, #tpu.memory_space<vmem_shared>>) offsets(%dma_start3A_195 : memref<128xi32, #tpu.memory_space<vmem>>) semaphore(%arg19 : memref<!tpu.dma_semaphore, #tpu.memory_space<semaphore_mem>>) {add = true}
      %mul3A_199 = arith.constant 4 : i32
      %mul3A_200 = arith.muli %mul3A_199, %add3A_179 : i32
      %add3A_201 = arith.constant 1 : i32
      %add3A_202 = arith.addi %mul3A_200, %add3A_201 : i32
      %dma_start3A_203 = arith.constant 128 : i32
      %dma_start3A_204 = arith.constant 0 : i32
      %dma_start3A_205 = tpu.memref_slice %arg10[%dma_start3A_203, %dma_start3A_204] : memref<512x16xf32, #tpu.memory_space<vmem>> -> memref<128x16xf32, #tpu.memory_space<vmem>>
      %dma_start3A_206 = arith.constant 0 : i32
      %dma_start3A_207 = tpu.memref_slice %arg8[%add3A_202, %dma_start3A_206] : memref<80x128xi32, #tpu.memory_space<vmem>> -> memref<1x128xi32, #tpu.memory_space<vmem>>
      %dma_start3A_208 = tpu.memref_squeeze %dma_start3A_207 : memref<1x128xi32, #tpu.memory_space<vmem>> -> memref<128xi32, #tpu.memory_space<vmem>>
      %dma_start3A_209 = arith.constant 0 : i32
      %dma_start3A_210 = arith.constant 0 : i32
      %dma_start3A_211 = tpu.memref_slice %arg13[%dma_start3A_209, %dma_start3A_210] : memref<10240x16xf32, #tpu.memory_space<vmem_shared>> -> memref<10240x16xf32, #tpu.memory_space<vmem_shared>>
      tpu.enqueue_indirect_dma source(%dma_start3A_205 : memref<128x16xf32, #tpu.memory_space<vmem>>) target(%dma_start3A_211 : memref<10240x16xf32, #tpu.memory_space<vmem_shared>>) offsets(%dma_start3A_208 : memref<128xi32, #tpu.memory_space<vmem>>) semaphore(%arg19 : memref<!tpu.dma_semaphore, #tpu.memory_space<semaphore_mem>>) {add = true}
      %mul3A_212 = arith.constant 4 : i32
      %mul3A_213 = arith.muli %mul3A_212, %add3A_179 : i32
      %add3A_214 = arith.constant 2 : i32
      %add3A_215 = arith.addi %mul3A_213, %add3A_214 : i32
      %dma_start3A_216 = arith.constant 256 : i32
      %dma_start3A_217 = arith.constant 0 : i32
      %dma_start3A_218 = tpu.memref_slice %arg10[%dma_start3A_216, %dma_start3A_217] : memref<512x16xf32, #tpu.memory_space<vmem>> -> memref<128x16xf32, #tpu.memory_space<vmem>>
      %dma_start3A_219 = arith.constant 0 : i32
      %dma_start3A_220 = tpu.memref_slice %arg8[%add3A_215, %dma_start3A_219] : memref<80x128xi32, #tpu.memory_space<vmem>> -> memref<1x128xi32, #tpu.memory_space<vmem>>
      %dma_start3A_221 = tpu.memref_squeeze %dma_start3A_220 : memref<1x128xi32, #tpu.memory_space<vmem>> -> memref<128xi32, #tpu.memory_space<vmem>>
      %dma_start3A_222 = arith.constant 0 : i32
      %dma_start3A_223 = arith.constant 0 : i32
      %dma_start3A_224 = tpu.memref_slice %arg13[%dma_start3A_222, %dma_start3A_223] : memref<10240x16xf32, #tpu.memory_space<vmem_shared>> -> memref<10240x16xf32, #tpu.memory_space<vmem_shared>>
      tpu.enqueue_indirect_dma source(%dma_start3A_218 : memref<128x16xf32, #tpu.memory_space<vmem>>) target(%dma_start3A_224 : memref<10240x16xf32, #tpu.memory_space<vmem_shared>>) offsets(%dma_start3A_221 : memref<128xi32, #tpu.memory_space<vmem>>) semaphore(%arg19 : memref<!tpu.dma_semaphore, #tpu.memory_space<semaphore_mem>>) {add = true}
      %mul3A_225 = arith.constant 4 : i32
      %mul3A_226 = arith.muli %mul3A_225, %add3A_179 : i32
      %add3A_227 = arith.constant 3 : i32
      %add3A_228 = arith.addi %mul3A_226, %add3A_227 : i32
      %dma_start3A_229 = arith.constant 384 : i32
      %dma_start3A_230 = arith.constant 0 : i32
      %dma_start3A_231 = tpu.memref_slice %arg10[%dma_start3A_229, %dma_start3A_230] : memref<512x16xf32, #tpu.memory_space<vmem>> -> memref<128x16xf32, #tpu.memory_space<vmem>>
      %dma_start3A_232 = arith.constant 0 : i32
      %dma_start3A_233 = tpu.memref_slice %arg8[%add3A_228, %dma_start3A_232] : memref<80x128xi32, #tpu.memory_space<vmem>> -> memref<1x128xi32, #tpu.memory_space<vmem>>
      %dma_start3A_234 = tpu.memref_squeeze %dma_start3A_233 : memref<1x128xi32, #tpu.memory_space<vmem>> -> memref<128xi32, #tpu.memory_space<vmem>>
      %dma_start3A_235 = arith.constant 0 : i32
      %dma_start3A_236 = arith.constant 0 : i32
      %dma_start3A_237 = tpu.memref_slice %arg13[%dma_start3A_235, %dma_start3A_236] : memref<10240x16xf32, #tpu.memory_space<vmem_shared>> -> memref<10240x16xf32, #tpu.memory_space<vmem_shared>>
      tpu.enqueue_indirect_dma source(%dma_start3A_231 : memref<128x16xf32, #tpu.memory_space<vmem>>) target(%dma_start3A_237 : memref<10240x16xf32, #tpu.memory_space<vmem_shared>>) offsets(%dma_start3A_234 : memref<128xi32, #tpu.memory_space<vmem>>) semaphore(%arg19 : memref<!tpu.dma_semaphore, #tpu.memory_space<semaphore_mem>>) {add = true}
      %add3A_238 = arith.constant 2 : i32
      %add3A_239 = arith.addi %add3A_179, %add3A_238 : i32
      %lt3A_240 = arith.constant 20 : i32
      %lt3A_241 = arith.cmpi slt, %add3A_239, %lt3A_240 : i32
      %convert_element_type3A_242 = arith.extui %lt3A_241 : i1 to i32
      %cond3A_243 = arith.constant 0 : i32
      %cond3A_244 = arith.cmpi ne, %convert_element_type3A_242, %cond3A_243 : i32
      scf.if %cond3A_244 {
        %ge3A = arith.constant 2 : i32
        %ge3A_379 = arith.cmpi sge, %add3A_179, %ge3A : i32
        %convert_element_type3A_380 = arith.extui %ge3A_379 : i1 to i32
        %cond3A_381 = arith.constant 0 : i32
        %cond3A_382 = arith.cmpi ne, %convert_element_type3A_380, %cond3A_381 : i32
        scf.if %cond3A_382 {
          %dma_wait3A_435 = arith.constant 0 : i32
          %dma_wait3A_436 = arith.constant 0 : i32
          %dma_wait3A_437 = tpu.memref_slice %arg2[%dma_wait3A_435, %dma_wait3A_436] : memref<10240x16xf32, #tpu.memory_space<hbm>> -> memref<512x16xf32, #tpu.memory_space<hbm>>
          %dma_wait3A_438 = arith.constant 0 : i32
          %dma_wait3A_439 = arith.constant 0 : i32
          %dma_wait3A_440 = tpu.memref_slice %arg2[%dma_wait3A_438, %dma_wait3A_439] : memref<10240x16xf32, #tpu.memory_space<hbm>> -> memref<512x16xf32, #tpu.memory_space<hbm>>
          tpu.wait_dma2 semaphore(%arg21 : memref<!tpu.dma_semaphore, #tpu.memory_space<semaphore_mem>>) src(%dma_wait3A_440 : memref<512x16xf32, #tpu.memory_space<hbm>>) dst(%arg12 : memref<512x16xf32, #tpu.memory_space<vmem>>)
        } else {
        }
        %mul3A_383 = arith.constant 4 : i32
        %mul3A_384 = arith.muli %mul3A_383, %add3A_239 : i32
        %add3A_385 = arith.constant 0 : i32
        %add3A_386 = arith.addi %mul3A_384, %add3A_385 : i32
        %dma_start3A_387 = arith.constant 0 : i32
        %dma_start3A_388 = arith.constant 0 : i32
        %dma_start3A_389 = tpu.memref_slice %arg12[%dma_start3A_387, %dma_start3A_388] : memref<512x16xf32, #tpu.memory_space<vmem>> -> memref<128x16xf32, #tpu.memory_space<vmem>>
        %dma_start3A_390 = arith.constant 0 : i32
        %dma_start3A_391 = tpu.memref_slice %arg7[%add3A_386, %dma_start3A_390] : memref<80x128xi32, #tpu.memory_space<vmem>> -> memref<1x128xi32, #tpu.memory_space<vmem>>
        %dma_start3A_392 = tpu.memref_squeeze %dma_start3A_391 : memref<1x128xi32, #tpu.memory_space<vmem>> -> memref<128xi32, #tpu.memory_space<vmem>>
        %dma_start3A_393 = arith.constant 0 : i32
        %dma_start3A_394 = arith.constant 0 : i32
        %dma_start3A_395 = tpu.memref_slice %arg2[%dma_start3A_393, %dma_start3A_394] : memref<10240x16xf32, #tpu.memory_space<hbm>> -> memref<10240x16xf32, #tpu.memory_space<hbm>>
        tpu.enqueue_indirect_dma source(%dma_start3A_395 : memref<10240x16xf32, #tpu.memory_space<hbm>>) target(%dma_start3A_389 : memref<128x16xf32, #tpu.memory_space<vmem>>) offsets(%dma_start3A_392 : memref<128xi32, #tpu.memory_space<vmem>>) semaphore(%arg17 : memref<!tpu.dma_semaphore, #tpu.memory_space<semaphore_mem>>)
        %mul3A_396 = arith.constant 4 : i32
        %mul3A_397 = arith.muli %mul3A_396, %add3A_239 : i32
        %add3A_398 = arith.constant 1 : i32
        %add3A_399 = arith.addi %mul3A_397, %add3A_398 : i32
        %dma_start3A_400 = arith.constant 128 : i32
        %dma_start3A_401 = arith.constant 0 : i32
        %dma_start3A_402 = tpu.memref_slice %arg12[%dma_start3A_400, %dma_start3A_401] : memref<512x16xf32, #tpu.memory_space<vmem>> -> memref<128x16xf32, #tpu.memory_space<vmem>>
        %dma_start3A_403 = arith.constant 0 : i32
        %dma_start3A_404 = tpu.memref_slice %arg7[%add3A_399, %dma_start3A_403] : memref<80x128xi32, #tpu.memory_space<vmem>> -> memref<1x128xi32, #tpu.memory_space<vmem>>
        %dma_start3A_405 = tpu.memref_squeeze %dma_start3A_404 : memref<1x128xi32, #tpu.memory_space<vmem>> -> memref<128xi32, #tpu.memory_space<vmem>>
        %dma_start3A_406 = arith.constant 0 : i32
        %dma_start3A_407 = arith.constant 0 : i32
        %dma_start3A_408 = tpu.memref_slice %arg2[%dma_start3A_406, %dma_start3A_407] : memref<10240x16xf32, #tpu.memory_space<hbm>> -> memref<10240x16xf32, #tpu.memory_space<hbm>>
        tpu.enqueue_indirect_dma source(%dma_start3A_408 : memref<10240x16xf32, #tpu.memory_space<hbm>>) target(%dma_start3A_402 : memref<128x16xf32, #tpu.memory_space<vmem>>) offsets(%dma_start3A_405 : memref<128xi32, #tpu.memory_space<vmem>>) semaphore(%arg17 : memref<!tpu.dma_semaphore, #tpu.memory_space<semaphore_mem>>)
        %mul3A_409 = arith.constant 4 : i32
        %mul3A_410 = arith.muli %mul3A_409, %add3A_239 : i32
        %add3A_411 = arith.constant 2 : i32
        %add3A_412 = arith.addi %mul3A_410, %add3A_411 : i32
        %dma_start3A_413 = arith.constant 256 : i32
        %dma_start3A_414 = arith.constant 0 : i32
        %dma_start3A_415 = tpu.memref_slice %arg12[%dma_start3A_413, %dma_start3A_414] : memref<512x16xf32, #tpu.memory_space<vmem>> -> memref<128x16xf32, #tpu.memory_space<vmem>>
        %dma_start3A_416 = arith.constant 0 : i32
        %dma_start3A_417 = tpu.memref_slice %arg7[%add3A_412, %dma_start3A_416] : memref<80x128xi32, #tpu.memory_space<vmem>> -> memref<1x128xi32, #tpu.memory_space<vmem>>
        %dma_start3A_418 = tpu.memref_squeeze %dma_start3A_417 : memref<1x128xi32, #tpu.memory_space<vmem>> -> memref<128xi32, #tpu.memory_space<vmem>>
        %dma_start3A_419 = arith.constant 0 : i32
        %dma_start3A_420 = arith.constant 0 : i32
        %dma_start3A_421 = tpu.memref_slice %arg2[%dma_start3A_419, %dma_start3A_420] : memref<10240x16xf32, #tpu.memory_space<hbm>> -> memref<10240x16xf32, #tpu.memory_space<hbm>>
        tpu.enqueue_indirect_dma source(%dma_start3A_421 : memref<10240x16xf32, #tpu.memory_space<hbm>>) target(%dma_start3A_415 : memref<128x16xf32, #tpu.memory_space<vmem>>) offsets(%dma_start3A_418 : memref<128xi32, #tpu.memory_space<vmem>>) semaphore(%arg17 : memref<!tpu.dma_semaphore, #tpu.memory_space<semaphore_mem>>)
        %mul3A_422 = arith.constant 4 : i32
        %mul3A_423 = arith.muli %mul3A_422, %add3A_239 : i32
        %add3A_424 = arith.constant 3 : i32
        %add3A_425 = arith.addi %mul3A_423, %add3A_424 : i32
        %dma_start3A_426 = arith.constant 384 : i32
        %dma_start3A_427 = arith.constant 0 : i32
        %dma_start3A_428 = tpu.memref_slice %arg12[%dma_start3A_426, %dma_start3A_427] : memref<512x16xf32, #tpu.memory_space<vmem>> -> memref<128x16xf32, #tpu.memory_space<vmem>>
        %dma_start3A_429 = arith.constant 0 : i32
        %dma_start3A_430 = tpu.memref_slice %arg7[%add3A_425, %dma_start3A_429] : memref<80x128xi32, #tpu.memory_space<vmem>> -> memref<1x128xi32, #tpu.memory_space<vmem>>
        %dma_start3A_431 = tpu.memref_squeeze %dma_start3A_430 : memref<1x128xi32, #tpu.memory_space<vmem>> -> memref<128xi32, #tpu.memory_space<vmem>>
        %dma_start3A_432 = arith.constant 0 : i32
        %dma_start3A_433 = arith.constant 0 : i32
        %dma_start3A_434 = tpu.memref_slice %arg2[%dma_start3A_432, %dma_start3A_433] : memref<10240x16xf32, #tpu.memory_space<hbm>> -> memref<10240x16xf32, #tpu.memory_space<hbm>>
        tpu.enqueue_indirect_dma source(%dma_start3A_434 : memref<10240x16xf32, #tpu.memory_space<hbm>>) target(%dma_start3A_428 : memref<128x16xf32, #tpu.memory_space<vmem>>) offsets(%dma_start3A_431 : memref<128xi32, #tpu.memory_space<vmem>>) semaphore(%arg17 : memref<!tpu.dma_semaphore, #tpu.memory_space<semaphore_mem>>)
      } else {
      }
      %add3A_245 = arith.constant 2 : i32
      %add3A_246 = arith.addi %mul3A_113, %add3A_245 : i32
      %dma_wait3A_247 = arith.constant 0 : i32
      %dma_wait3A_248 = arith.constant 0 : i32
      %dma_wait3A_249 = tpu.memref_slice %arg2[%dma_wait3A_247, %dma_wait3A_248] : memref<10240x16xf32, #tpu.memory_space<hbm>> -> memref<512x16xf32, #tpu.memory_space<hbm>>
      %dma_wait3A_250 = arith.constant 0 : i32
      %dma_wait3A_251 = arith.constant 0 : i32
      %dma_wait3A_252 = tpu.memref_slice %arg2[%dma_wait3A_250, %dma_wait3A_251] : memref<10240x16xf32, #tpu.memory_space<hbm>> -> memref<512x16xf32, #tpu.memory_space<hbm>>
      tpu.wait_dma2 semaphore(%arg16 : memref<!tpu.dma_semaphore, #tpu.memory_space<semaphore_mem>>) src(%dma_wait3A_252 : memref<512x16xf32, #tpu.memory_space<hbm>>) dst(%arg11 : memref<512x16xf32, #tpu.memory_space<vmem>>)
      %mul3A_253 = arith.constant 4 : i32
      %mul3A_254 = arith.muli %mul3A_253, %add3A_246 : i32
      %add3A_255 = arith.constant 0 : i32
      %add3A_256 = arith.addi %mul3A_254, %add3A_255 : i32
      %dma_start3A_257 = arith.constant 0 : i32
      %dma_start3A_258 = arith.constant 0 : i32
      %dma_start3A_259 = tpu.memref_slice %arg11[%dma_start3A_257, %dma_start3A_258] : memref<512x16xf32, #tpu.memory_space<vmem>> -> memref<128x16xf32, #tpu.memory_space<vmem>>
      %dma_start3A_260 = arith.constant 0 : i32
      %dma_start3A_261 = tpu.memref_slice %arg8[%add3A_256, %dma_start3A_260] : memref<80x128xi32, #tpu.memory_space<vmem>> -> memref<1x128xi32, #tpu.memory_space<vmem>>
      %dma_start3A_262 = tpu.memref_squeeze %dma_start3A_261 : memref<1x128xi32, #tpu.memory_space<vmem>> -> memref<128xi32, #tpu.memory_space<vmem>>
      %dma_start3A_263 = arith.constant 0 : i32
      %dma_start3A_264 = arith.constant 0 : i32
      %dma_start3A_265 = tpu.memref_slice %arg13[%dma_start3A_263, %dma_start3A_264] : memref<10240x16xf32, #tpu.memory_space<vmem_shared>> -> memref<10240x16xf32, #tpu.memory_space<vmem_shared>>
      tpu.enqueue_indirect_dma source(%dma_start3A_259 : memref<128x16xf32, #tpu.memory_space<vmem>>) target(%dma_start3A_265 : memref<10240x16xf32, #tpu.memory_space<vmem_shared>>) offsets(%dma_start3A_262 : memref<128xi32, #tpu.memory_space<vmem>>) semaphore(%arg20 : memref<!tpu.dma_semaphore, #tpu.memory_space<semaphore_mem>>) {add = true}
      %mul3A_266 = arith.constant 4 : i32
      %mul3A_267 = arith.muli %mul3A_266, %add3A_246 : i32
      %add3A_268 = arith.constant 1 : i32
      %add3A_269 = arith.addi %mul3A_267, %add3A_268 : i32
      %dma_start3A_270 = arith.constant 128 : i32
      %dma_start3A_271 = arith.constant 0 : i32
      %dma_start3A_272 = tpu.memref_slice %arg11[%dma_start3A_270, %dma_start3A_271] : memref<512x16xf32, #tpu.memory_space<vmem>> -> memref<128x16xf32, #tpu.memory_space<vmem>>
      %dma_start3A_273 = arith.constant 0 : i32
      %dma_start3A_274 = tpu.memref_slice %arg8[%add3A_269, %dma_start3A_273] : memref<80x128xi32, #tpu.memory_space<vmem>> -> memref<1x128xi32, #tpu.memory_space<vmem>>
      %dma_start3A_275 = tpu.memref_squeeze %dma_start3A_274 : memref<1x128xi32, #tpu.memory_space<vmem>> -> memref<128xi32, #tpu.memory_space<vmem>>
      %dma_start3A_276 = arith.constant 0 : i32
      %dma_start3A_277 = arith.constant 0 : i32
      %dma_start3A_278 = tpu.memref_slice %arg13[%dma_start3A_276, %dma_start3A_277] : memref<10240x16xf32, #tpu.memory_space<vmem_shared>> -> memref<10240x16xf32, #tpu.memory_space<vmem_shared>>
      tpu.enqueue_indirect_dma source(%dma_start3A_272 : memref<128x16xf32, #tpu.memory_space<vmem>>) target(%dma_start3A_278 : memref<10240x16xf32, #tpu.memory_space<vmem_shared>>) offsets(%dma_start3A_275 : memref<128xi32, #tpu.memory_space<vmem>>) semaphore(%arg20 : memref<!tpu.dma_semaphore, #tpu.memory_space<semaphore_mem>>) {add = true}
      %mul3A_279 = arith.constant 4 : i32
      %mul3A_280 = arith.muli %mul3A_279, %add3A_246 : i32
      %add3A_281 = arith.constant 2 : i32
      %add3A_282 = arith.addi %mul3A_280, %add3A_281 : i32
      %dma_start3A_283 = arith.constant 256 : i32
      %dma_start3A_284 = arith.constant 0 : i32
      %dma_start3A_285 = tpu.memref_slice %arg11[%dma_start3A_283, %dma_start3A_284] : memref<512x16xf32, #tpu.memory_space<vmem>> -> memref<128x16xf32, #tpu.memory_space<vmem>>
      %dma_start3A_286 = arith.constant 0 : i32
      %dma_start3A_287 = tpu.memref_slice %arg8[%add3A_282, %dma_start3A_286] : memref<80x128xi32, #tpu.memory_space<vmem>> -> memref<1x128xi32, #tpu.memory_space<vmem>>
      %dma_start3A_288 = tpu.memref_squeeze %dma_start3A_287 : memref<1x128xi32, #tpu.memory_space<vmem>> -> memref<128xi32, #tpu.memory_space<vmem>>
      %dma_start3A_289 = arith.constant 0 : i32
      %dma_start3A_290 = arith.constant 0 : i32
      %dma_start3A_291 = tpu.memref_slice %arg13[%dma_start3A_289, %dma_start3A_290] : memref<10240x16xf32, #tpu.memory_space<vmem_shared>> -> memref<10240x16xf32, #tpu.memory_space<vmem_shared>>
      tpu.enqueue_indirect_dma source(%dma_start3A_285 : memref<128x16xf32, #tpu.memory_space<vmem>>) target(%dma_start3A_291 : memref<10240x16xf32, #tpu.memory_space<vmem_shared>>) offsets(%dma_start3A_288 : memref<128xi32, #tpu.memory_space<vmem>>) semaphore(%arg20 : memref<!tpu.dma_semaphore, #tpu.memory_space<semaphore_mem>>) {add = true}
      %mul3A_292 = arith.constant 4 : i32
      %mul3A_293 = arith.muli %mul3A_292, %add3A_246 : i32
      %add3A_294 = arith.constant 3 : i32
      %add3A_295 = arith.addi %mul3A_293, %add3A_294 : i32
      %dma_start3A_296 = arith.constant 384 : i32
      %dma_start3A_297 = arith.constant 0 : i32
      %dma_start3A_298 = tpu.memref_slice %arg11[%dma_start3A_296, %dma_start3A_297] : memref<512x16xf32, #tpu.memory_space<vmem>> -> memref<128x16xf32, #tpu.memory_space<vmem>>
      %dma_start3A_299 = arith.constant 0 : i32
      %dma_start3A_300 = tpu.memref_slice %arg8[%add3A_295, %dma_start3A_299] : memref<80x128xi32, #tpu.memory_space<vmem>> -> memref<1x128xi32, #tpu.memory_space<vmem>>
      %dma_start3A_301 = tpu.memref_squeeze %dma_start3A_300 : memref<1x128xi32, #tpu.memory_space<vmem>> -> memref<128xi32, #tpu.memory_space<vmem>>
      %dma_start3A_302 = arith.constant 0 : i32
      %dma_start3A_303 = arith.constant 0 : i32
      %dma_start3A_304 = tpu.memref_slice %arg13[%dma_start3A_302, %dma_start3A_303] : memref<10240x16xf32, #tpu.memory_space<vmem_shared>> -> memref<10240x16xf32, #tpu.memory_space<vmem_shared>>
      tpu.enqueue_indirect_dma source(%dma_start3A_298 : memref<128x16xf32, #tpu.memory_space<vmem>>) target(%dma_start3A_304 : memref<10240x16xf32, #tpu.memory_space<vmem_shared>>) offsets(%dma_start3A_301 : memref<128xi32, #tpu.memory_space<vmem>>) semaphore(%arg20 : memref<!tpu.dma_semaphore, #tpu.memory_space<semaphore_mem>>) {add = true}
      %add3A_305 = arith.constant 2 : i32
      %add3A_306 = arith.addi %add3A_246, %add3A_305 : i32
      %lt3A_307 = arith.constant 20 : i32
      %lt3A_308 = arith.cmpi slt, %add3A_306, %lt3A_307 : i32
      %convert_element_type3A_309 = arith.extui %lt3A_308 : i1 to i32
      %cond3A_310 = arith.constant 0 : i32
      %cond3A_311 = arith.cmpi ne, %convert_element_type3A_309, %cond3A_310 : i32
      scf.if %cond3A_311 {
        %ge3A = arith.constant 2 : i32
        %ge3A_379 = arith.cmpi sge, %add3A_246, %ge3A : i32
        %convert_element_type3A_380 = arith.extui %ge3A_379 : i1 to i32
        %cond3A_381 = arith.constant 0 : i32
        %cond3A_382 = arith.cmpi ne, %convert_element_type3A_380, %cond3A_381 : i32
        scf.if %cond3A_382 {
          %dma_wait3A_435 = arith.constant 0 : i32
          %dma_wait3A_436 = arith.constant 0 : i32
          %dma_wait3A_437 = tpu.memref_slice %arg2[%dma_wait3A_435, %dma_wait3A_436] : memref<10240x16xf32, #tpu.memory_space<hbm>> -> memref<512x16xf32, #tpu.memory_space<hbm>>
          %dma_wait3A_438 = arith.constant 0 : i32
          %dma_wait3A_439 = arith.constant 0 : i32
          %dma_wait3A_440 = tpu.memref_slice %arg2[%dma_wait3A_438, %dma_wait3A_439] : memref<10240x16xf32, #tpu.memory_space<hbm>> -> memref<512x16xf32, #tpu.memory_space<hbm>>
          tpu.wait_dma2 semaphore(%arg18 : memref<!tpu.dma_semaphore, #tpu.memory_space<semaphore_mem>>) src(%dma_wait3A_440 : memref<512x16xf32, #tpu.memory_space<hbm>>) dst(%arg9 : memref<512x16xf32, #tpu.memory_space<vmem>>)
        } else {
        }
        %mul3A_383 = arith.constant 4 : i32
        %mul3A_384 = arith.muli %mul3A_383, %add3A_306 : i32
        %add3A_385 = arith.constant 0 : i32
        %add3A_386 = arith.addi %mul3A_384, %add3A_385 : i32
        %dma_start3A_387 = arith.constant 0 : i32
        %dma_start3A_388 = arith.constant 0 : i32
        %dma_start3A_389 = tpu.memref_slice %arg9[%dma_start3A_387, %dma_start3A_388] : memref<512x16xf32, #tpu.memory_space<vmem>> -> memref<128x16xf32, #tpu.memory_space<vmem>>
        %dma_start3A_390 = arith.constant 0 : i32
        %dma_start3A_391 = tpu.memref_slice %arg7[%add3A_386, %dma_start3A_390] : memref<80x128xi32, #tpu.memory_space<vmem>> -> memref<1x128xi32, #tpu.memory_space<vmem>>
        %dma_start3A_392 = tpu.memref_squeeze %dma_start3A_391 : memref<1x128xi32, #tpu.memory_space<vmem>> -> memref<128xi32, #tpu.memory_space<vmem>>
        %dma_start3A_393 = arith.constant 0 : i32
        %dma_start3A_394 = arith.constant 0 : i32
        %dma_start3A_395 = tpu.memref_slice %arg2[%dma_start3A_393, %dma_start3A_394] : memref<10240x16xf32, #tpu.memory_space<hbm>> -> memref<10240x16xf32, #tpu.memory_space<hbm>>
        tpu.enqueue_indirect_dma source(%dma_start3A_395 : memref<10240x16xf32, #tpu.memory_space<hbm>>) target(%dma_start3A_389 : memref<128x16xf32, #tpu.memory_space<vmem>>) offsets(%dma_start3A_392 : memref<128xi32, #tpu.memory_space<vmem>>) semaphore(%arg14 : memref<!tpu.dma_semaphore, #tpu.memory_space<semaphore_mem>>)
        %mul3A_396 = arith.constant 4 : i32
        %mul3A_397 = arith.muli %mul3A_396, %add3A_306 : i32
        %add3A_398 = arith.constant 1 : i32
        %add3A_399 = arith.addi %mul3A_397, %add3A_398 : i32
        %dma_start3A_400 = arith.constant 128 : i32
        %dma_start3A_401 = arith.constant 0 : i32
        %dma_start3A_402 = tpu.memref_slice %arg9[%dma_start3A_400, %dma_start3A_401] : memref<512x16xf32, #tpu.memory_space<vmem>> -> memref<128x16xf32, #tpu.memory_space<vmem>>
        %dma_start3A_403 = arith.constant 0 : i32
        %dma_start3A_404 = tpu.memref_slice %arg7[%add3A_399, %dma_start3A_403] : memref<80x128xi32, #tpu.memory_space<vmem>> -> memref<1x128xi32, #tpu.memory_space<vmem>>
        %dma_start3A_405 = tpu.memref_squeeze %dma_start3A_404 : memref<1x128xi32, #tpu.memory_space<vmem>> -> memref<128xi32, #tpu.memory_space<vmem>>
        %dma_start3A_406 = arith.constant 0 : i32
        %dma_start3A_407 = arith.constant 0 : i32
        %dma_start3A_408 = tpu.memref_slice %arg2[%dma_start3A_406, %dma_start3A_407] : memref<10240x16xf32, #tpu.memory_space<hbm>> -> memref<10240x16xf32, #tpu.memory_space<hbm>>
        tpu.enqueue_indirect_dma source(%dma_start3A_408 : memref<10240x16xf32, #tpu.memory_space<hbm>>) target(%dma_start3A_402 : memref<128x16xf32, #tpu.memory_space<vmem>>) offsets(%dma_start3A_405 : memref<128xi32, #tpu.memory_space<vmem>>) semaphore(%arg14 : memref<!tpu.dma_semaphore, #tpu.memory_space<semaphore_mem>>)
        %mul3A_409 = arith.constant 4 : i32
        %mul3A_410 = arith.muli %mul3A_409, %add3A_306 : i32
        %add3A_411 = arith.constant 2 : i32
        %add3A_412 = arith.addi %mul3A_410, %add3A_411 : i32
        %dma_start3A_413 = arith.constant 256 : i32
        %dma_start3A_414 = arith.constant 0 : i32
        %dma_start3A_415 = tpu.memref_slice %arg9[%dma_start3A_413, %dma_start3A_414] : memref<512x16xf32, #tpu.memory_space<vmem>> -> memref<128x16xf32, #tpu.memory_space<vmem>>
        %dma_start3A_416 = arith.constant 0 : i32
        %dma_start3A_417 = tpu.memref_slice %arg7[%add3A_412, %dma_start3A_416] : memref<80x128xi32, #tpu.memory_space<vmem>> -> memref<1x128xi32, #tpu.memory_space<vmem>>
        %dma_start3A_418 = tpu.memref_squeeze %dma_start3A_417 : memref<1x128xi32, #tpu.memory_space<vmem>> -> memref<128xi32, #tpu.memory_space<vmem>>
        %dma_start3A_419 = arith.constant 0 : i32
        %dma_start3A_420 = arith.constant 0 : i32
        %dma_start3A_421 = tpu.memref_slice %arg2[%dma_start3A_419, %dma_start3A_420] : memref<10240x16xf32, #tpu.memory_space<hbm>> -> memref<10240x16xf32, #tpu.memory_space<hbm>>
        tpu.enqueue_indirect_dma source(%dma_start3A_421 : memref<10240x16xf32, #tpu.memory_space<hbm>>) target(%dma_start3A_415 : memref<128x16xf32, #tpu.memory_space<vmem>>) offsets(%dma_start3A_418 : memref<128xi32, #tpu.memory_space<vmem>>) semaphore(%arg14 : memref<!tpu.dma_semaphore, #tpu.memory_space<semaphore_mem>>)
        %mul3A_422 = arith.constant 4 : i32
        %mul3A_423 = arith.muli %mul3A_422, %add3A_306 : i32
        %add3A_424 = arith.constant 3 : i32
        %add3A_425 = arith.addi %mul3A_423, %add3A_424 : i32
        %dma_start3A_426 = arith.constant 384 : i32
        %dma_start3A_427 = arith.constant 0 : i32
        %dma_start3A_428 = tpu.memref_slice %arg9[%dma_start3A_426, %dma_start3A_427] : memref<512x16xf32, #tpu.memory_space<vmem>> -> memref<128x16xf32, #tpu.memory_space<vmem>>
        %dma_start3A_429 = arith.constant 0 : i32
        %dma_start3A_430 = tpu.memref_slice %arg7[%add3A_425, %dma_start3A_429] : memref<80x128xi32, #tpu.memory_space<vmem>> -> memref<1x128xi32, #tpu.memory_space<vmem>>
        %dma_start3A_431 = tpu.memref_squeeze %dma_start3A_430 : memref<1x128xi32, #tpu.memory_space<vmem>> -> memref<128xi32, #tpu.memory_space<vmem>>
        %dma_start3A_432 = arith.constant 0 : i32
        %dma_start3A_433 = arith.constant 0 : i32
        %dma_start3A_434 = tpu.memref_slice %arg2[%dma_start3A_432, %dma_start3A_433] : memref<10240x16xf32, #tpu.memory_space<hbm>> -> memref<10240x16xf32, #tpu.memory_space<hbm>>
        tpu.enqueue_indirect_dma source(%dma_start3A_434 : memref<10240x16xf32, #tpu.memory_space<hbm>>) target(%dma_start3A_428 : memref<128x16xf32, #tpu.memory_space<vmem>>) offsets(%dma_start3A_431 : memref<128xi32, #tpu.memory_space<vmem>>) semaphore(%arg14 : memref<!tpu.dma_semaphore, #tpu.memory_space<semaphore_mem>>)
      } else {
      }
      %add3A_312 = arith.constant 3 : i32
      %add3A_313 = arith.addi %mul3A_113, %add3A_312 : i32
      %dma_wait3A_314 = arith.constant 0 : i32
      %dma_wait3A_315 = arith.constant 0 : i32
      %dma_wait3A_316 = tpu.memref_slice %arg2[%dma_wait3A_314, %dma_wait3A_315] : memref<10240x16xf32, #tpu.memory_space<hbm>> -> memref<512x16xf32, #tpu.memory_space<hbm>>
      %dma_wait3A_317 = arith.constant 0 : i32
      %dma_wait3A_318 = arith.constant 0 : i32
      %dma_wait3A_319 = tpu.memref_slice %arg2[%dma_wait3A_317, %dma_wait3A_318] : memref<10240x16xf32, #tpu.memory_space<hbm>> -> memref<512x16xf32, #tpu.memory_space<hbm>>
      tpu.wait_dma2 semaphore(%arg17 : memref<!tpu.dma_semaphore, #tpu.memory_space<semaphore_mem>>) src(%dma_wait3A_319 : memref<512x16xf32, #tpu.memory_space<hbm>>) dst(%arg12 : memref<512x16xf32, #tpu.memory_space<vmem>>)
      %mul3A_320 = arith.constant 4 : i32
      %mul3A_321 = arith.muli %mul3A_320, %add3A_313 : i32
      %add3A_322 = arith.constant 0 : i32
      %add3A_323 = arith.addi %mul3A_321, %add3A_322 : i32
      %dma_start3A_324 = arith.constant 0 : i32
      %dma_start3A_325 = arith.constant 0 : i32
      %dma_start3A_326 = tpu.memref_slice %arg12[%dma_start3A_324, %dma_start3A_325] : memref<512x16xf32, #tpu.memory_space<vmem>> -> memref<128x16xf32, #tpu.memory_space<vmem>>
      %dma_start3A_327 = arith.constant 0 : i32
      %dma_start3A_328 = tpu.memref_slice %arg8[%add3A_323, %dma_start3A_327] : memref<80x128xi32, #tpu.memory_space<vmem>> -> memref<1x128xi32, #tpu.memory_space<vmem>>
      %dma_start3A_329 = tpu.memref_squeeze %dma_start3A_328 : memref<1x128xi32, #tpu.memory_space<vmem>> -> memref<128xi32, #tpu.memory_space<vmem>>
      %dma_start3A_330 = arith.constant 0 : i32
      %dma_start3A_331 = arith.constant 0 : i32
      %dma_start3A_332 = tpu.memref_slice %arg13[%dma_start3A_330, %dma_start3A_331] : memref<10240x16xf32, #tpu.memory_space<vmem_shared>> -> memref<10240x16xf32, #tpu.memory_space<vmem_shared>>
      tpu.enqueue_indirect_dma source(%dma_start3A_326 : memref<128x16xf32, #tpu.memory_space<vmem>>) target(%dma_start3A_332 : memref<10240x16xf32, #tpu.memory_space<vmem_shared>>) offsets(%dma_start3A_329 : memref<128xi32, #tpu.memory_space<vmem>>) semaphore(%arg21 : memref<!tpu.dma_semaphore, #tpu.memory_space<semaphore_mem>>) {add = true}
      %mul3A_333 = arith.constant 4 : i32
      %mul3A_334 = arith.muli %mul3A_333, %add3A_313 : i32
      %add3A_335 = arith.constant 1 : i32
      %add3A_336 = arith.addi %mul3A_334, %add3A_335 : i32
      %dma_start3A_337 = arith.constant 128 : i32
      %dma_start3A_338 = arith.constant 0 : i32
      %dma_start3A_339 = tpu.memref_slice %arg12[%dma_start3A_337, %dma_start3A_338] : memref<512x16xf32, #tpu.memory_space<vmem>> -> memref<128x16xf32, #tpu.memory_space<vmem>>
      %dma_start3A_340 = arith.constant 0 : i32
      %dma_start3A_341 = tpu.memref_slice %arg8[%add3A_336, %dma_start3A_340] : memref<80x128xi32, #tpu.memory_space<vmem>> -> memref<1x128xi32, #tpu.memory_space<vmem>>
      %dma_start3A_342 = tpu.memref_squeeze %dma_start3A_341 : memref<1x128xi32, #tpu.memory_space<vmem>> -> memref<128xi32, #tpu.memory_space<vmem>>
      %dma_start3A_343 = arith.constant 0 : i32
      %dma_start3A_344 = arith.constant 0 : i32
      %dma_start3A_345 = tpu.memref_slice %arg13[%dma_start3A_343, %dma_start3A_344] : memref<10240x16xf32, #tpu.memory_space<vmem_shared>> -> memref<10240x16xf32, #tpu.memory_space<vmem_shared>>
      tpu.enqueue_indirect_dma source(%dma_start3A_339 : memref<128x16xf32, #tpu.memory_space<vmem>>) target(%dma_start3A_345 : memref<10240x16xf32, #tpu.memory_space<vmem_shared>>) offsets(%dma_start3A_342 : memref<128xi32, #tpu.memory_space<vmem>>) semaphore(%arg21 : memref<!tpu.dma_semaphore, #tpu.memory_space<semaphore_mem>>) {add = true}
      %mul3A_346 = arith.constant 4 : i32
      %mul3A_347 = arith.muli %mul3A_346, %add3A_313 : i32
      %add3A_348 = arith.constant 2 : i32
      %add3A_349 = arith.addi %mul3A_347, %add3A_348 : i32
      %dma_start3A_350 = arith.constant 256 : i32
      %dma_start3A_351 = arith.constant 0 : i32
      %dma_start3A_352 = tpu.memref_slice %arg12[%dma_start3A_350, %dma_start3A_351] : memref<512x16xf32, #tpu.memory_space<vmem>> -> memref<128x16xf32, #tpu.memory_space<vmem>>
      %dma_start3A_353 = arith.constant 0 : i32
      %dma_start3A_354 = tpu.memref_slice %arg8[%add3A_349, %dma_start3A_353] : memref<80x128xi32, #tpu.memory_space<vmem>> -> memref<1x128xi32, #tpu.memory_space<vmem>>
      %dma_start3A_355 = tpu.memref_squeeze %dma_start3A_354 : memref<1x128xi32, #tpu.memory_space<vmem>> -> memref<128xi32, #tpu.memory_space<vmem>>
      %dma_start3A_356 = arith.constant 0 : i32
      %dma_start3A_357 = arith.constant 0 : i32
      %dma_start3A_358 = tpu.memref_slice %arg13[%dma_start3A_356, %dma_start3A_357] : memref<10240x16xf32, #tpu.memory_space<vmem_shared>> -> memref<10240x16xf32, #tpu.memory_space<vmem_shared>>
      tpu.enqueue_indirect_dma source(%dma_start3A_352 : memref<128x16xf32, #tpu.memory_space<vmem>>) target(%dma_start3A_358 : memref<10240x16xf32, #tpu.memory_space<vmem_shared>>) offsets(%dma_start3A_355 : memref<128xi32, #tpu.memory_space<vmem>>) semaphore(%arg21 : memref<!tpu.dma_semaphore, #tpu.memory_space<semaphore_mem>>) {add = true}
      %mul3A_359 = arith.constant 4 : i32
      %mul3A_360 = arith.muli %mul3A_359, %add3A_313 : i32
      %add3A_361 = arith.constant 3 : i32
      %add3A_362 = arith.addi %mul3A_360, %add3A_361 : i32
      %dma_start3A_363 = arith.constant 384 : i32
      %dma_start3A_364 = arith.constant 0 : i32
      %dma_start3A_365 = tpu.memref_slice %arg12[%dma_start3A_363, %dma_start3A_364] : memref<512x16xf32, #tpu.memory_space<vmem>> -> memref<128x16xf32, #tpu.memory_space<vmem>>
      %dma_start3A_366 = arith.constant 0 : i32
      %dma_start3A_367 = tpu.memref_slice %arg8[%add3A_362, %dma_start3A_366] : memref<80x128xi32, #tpu.memory_space<vmem>> -> memref<1x128xi32, #tpu.memory_space<vmem>>
      %dma_start3A_368 = tpu.memref_squeeze %dma_start3A_367 : memref<1x128xi32, #tpu.memory_space<vmem>> -> memref<128xi32, #tpu.memory_space<vmem>>
      %dma_start3A_369 = arith.constant 0 : i32
      %dma_start3A_370 = arith.constant 0 : i32
      %dma_start3A_371 = tpu.memref_slice %arg13[%dma_start3A_369, %dma_start3A_370] : memref<10240x16xf32, #tpu.memory_space<vmem_shared>> -> memref<10240x16xf32, #tpu.memory_space<vmem_shared>>
      tpu.enqueue_indirect_dma source(%dma_start3A_365 : memref<128x16xf32, #tpu.memory_space<vmem>>) target(%dma_start3A_371 : memref<10240x16xf32, #tpu.memory_space<vmem_shared>>) offsets(%dma_start3A_368 : memref<128xi32, #tpu.memory_space<vmem>>) semaphore(%arg21 : memref<!tpu.dma_semaphore, #tpu.memory_space<semaphore_mem>>) {add = true}
      %add3A_372 = arith.constant 2 : i32
      %add3A_373 = arith.addi %add3A_313, %add3A_372 : i32
      %lt3A_374 = arith.constant 20 : i32
      %lt3A_375 = arith.cmpi slt, %add3A_373, %lt3A_374 : i32
      %convert_element_type3A_376 = arith.extui %lt3A_375 : i1 to i32
      %cond3A_377 = arith.constant 0 : i32
      %cond3A_378 = arith.cmpi ne, %convert_element_type3A_376, %cond3A_377 : i32
      scf.if %cond3A_378 {
        %ge3A = arith.constant 2 : i32
        %ge3A_379 = arith.cmpi sge, %add3A_313, %ge3A : i32
        %convert_element_type3A_380 = arith.extui %ge3A_379 : i1 to i32
        %cond3A_381 = arith.constant 0 : i32
        %cond3A_382 = arith.cmpi ne, %convert_element_type3A_380, %cond3A_381 : i32
        scf.if %cond3A_382 {
          %dma_wait3A_435 = arith.constant 0 : i32
          %dma_wait3A_436 = arith.constant 0 : i32
          %dma_wait3A_437 = tpu.memref_slice %arg2[%dma_wait3A_435, %dma_wait3A_436] : memref<10240x16xf32, #tpu.memory_space<hbm>> -> memref<512x16xf32, #tpu.memory_space<hbm>>
          %dma_wait3A_438 = arith.constant 0 : i32
          %dma_wait3A_439 = arith.constant 0 : i32
          %dma_wait3A_440 = tpu.memref_slice %arg2[%dma_wait3A_438, %dma_wait3A_439] : memref<10240x16xf32, #tpu.memory_space<hbm>> -> memref<512x16xf32, #tpu.memory_space<hbm>>
          tpu.wait_dma2 semaphore(%arg19 : memref<!tpu.dma_semaphore, #tpu.memory_space<semaphore_mem>>) src(%dma_wait3A_440 : memref<512x16xf32, #tpu.memory_space<hbm>>) dst(%arg10 : memref<512x16xf32, #tpu.memory_space<vmem>>)
        } else {
        }
        %mul3A_383 = arith.constant 4 : i32
        %mul3A_384 = arith.muli %mul3A_383, %add3A_373 : i32
        %add3A_385 = arith.constant 0 : i32
        %add3A_386 = arith.addi %mul3A_384, %add3A_385 : i32
        %dma_start3A_387 = arith.constant 0 : i32
        %dma_start3A_388 = arith.constant 0 : i32
        %dma_start3A_389 = tpu.memref_slice %arg10[%dma_start3A_387, %dma_start3A_388] : memref<512x16xf32, #tpu.memory_space<vmem>> -> memref<128x16xf32, #tpu.memory_space<vmem>>
        %dma_start3A_390 = arith.constant 0 : i32
        %dma_start3A_391 = tpu.memref_slice %arg7[%add3A_386, %dma_start3A_390] : memref<80x128xi32, #tpu.memory_space<vmem>> -> memref<1x128xi32, #tpu.memory_space<vmem>>
        %dma_start3A_392 = tpu.memref_squeeze %dma_start3A_391 : memref<1x128xi32, #tpu.memory_space<vmem>> -> memref<128xi32, #tpu.memory_space<vmem>>
        %dma_start3A_393 = arith.constant 0 : i32
        %dma_start3A_394 = arith.constant 0 : i32
        %dma_start3A_395 = tpu.memref_slice %arg2[%dma_start3A_393, %dma_start3A_394] : memref<10240x16xf32, #tpu.memory_space<hbm>> -> memref<10240x16xf32, #tpu.memory_space<hbm>>
        tpu.enqueue_indirect_dma source(%dma_start3A_395 : memref<10240x16xf32, #tpu.memory_space<hbm>>) target(%dma_start3A_389 : memref<128x16xf32, #tpu.memory_space<vmem>>) offsets(%dma_start3A_392 : memref<128xi32, #tpu.memory_space<vmem>>) semaphore(%arg15 : memref<!tpu.dma_semaphore, #tpu.memory_space<semaphore_mem>>)
        %mul3A_396 = arith.constant 4 : i32
        %mul3A_397 = arith.muli %mul3A_396, %add3A_373 : i32
        %add3A_398 = arith.constant 1 : i32
        %add3A_399 = arith.addi %mul3A_397, %add3A_398 : i32
        %dma_start3A_400 = arith.constant 128 : i32
        %dma_start3A_401 = arith.constant 0 : i32
        %dma_start3A_402 = tpu.memref_slice %arg10[%dma_start3A_400, %dma_start3A_401] : memref<512x16xf32, #tpu.memory_space<vmem>> -> memref<128x16xf32, #tpu.memory_space<vmem>>
        %dma_start3A_403 = arith.constant 0 : i32
        %dma_start3A_404 = tpu.memref_slice %arg7[%add3A_399, %dma_start3A_403] : memref<80x128xi32, #tpu.memory_space<vmem>> -> memref<1x128xi32, #tpu.memory_space<vmem>>
        %dma_start3A_405 = tpu.memref_squeeze %dma_start3A_404 : memref<1x128xi32, #tpu.memory_space<vmem>> -> memref<128xi32, #tpu.memory_space<vmem>>
        %dma_start3A_406 = arith.constant 0 : i32
        %dma_start3A_407 = arith.constant 0 : i32
        %dma_start3A_408 = tpu.memref_slice %arg2[%dma_start3A_406, %dma_start3A_407] : memref<10240x16xf32, #tpu.memory_space<hbm>> -> memref<10240x16xf32, #tpu.memory_space<hbm>>
        tpu.enqueue_indirect_dma source(%dma_start3A_408 : memref<10240x16xf32, #tpu.memory_space<hbm>>) target(%dma_start3A_402 : memref<128x16xf32, #tpu.memory_space<vmem>>) offsets(%dma_start3A_405 : memref<128xi32, #tpu.memory_space<vmem>>) semaphore(%arg15 : memref<!tpu.dma_semaphore, #tpu.memory_space<semaphore_mem>>)
        %mul3A_409 = arith.constant 4 : i32
        %mul3A_410 = arith.muli %mul3A_409, %add3A_373 : i32
        %add3A_411 = arith.constant 2 : i32
        %add3A_412 = arith.addi %mul3A_410, %add3A_411 : i32
        %dma_start3A_413 = arith.constant 256 : i32
        %dma_start3A_414 = arith.constant 0 : i32
        %dma_start3A_415 = tpu.memref_slice %arg10[%dma_start3A_413, %dma_start3A_414] : memref<512x16xf32, #tpu.memory_space<vmem>> -> memref<128x16xf32, #tpu.memory_space<vmem>>
        %dma_start3A_416 = arith.constant 0 : i32
        %dma_start3A_417 = tpu.memref_slice %arg7[%add3A_412, %dma_start3A_416] : memref<80x128xi32, #tpu.memory_space<vmem>> -> memref<1x128xi32, #tpu.memory_space<vmem>>
        %dma_start3A_418 = tpu.memref_squeeze %dma_start3A_417 : memref<1x128xi32, #tpu.memory_space<vmem>> -> memref<128xi32, #tpu.memory_space<vmem>>
        %dma_start3A_419 = arith.constant 0 : i32
        %dma_start3A_420 = arith.constant 0 : i32
        %dma_start3A_421 = tpu.memref_slice %arg2[%dma_start3A_419, %dma_start3A_420] : memref<10240x16xf32, #tpu.memory_space<hbm>> -> memref<10240x16xf32, #tpu.memory_space<hbm>>
        tpu.enqueue_indirect_dma source(%dma_start3A_421 : memref<10240x16xf32, #tpu.memory_space<hbm>>) target(%dma_start3A_415 : memref<128x16xf32, #tpu.memory_space<vmem>>) offsets(%dma_start3A_418 : memref<128xi32, #tpu.memory_space<vmem>>) semaphore(%arg15 : memref<!tpu.dma_semaphore, #tpu.memory_space<semaphore_mem>>)
        %mul3A_422 = arith.constant 4 : i32
        %mul3A_423 = arith.muli %mul3A_422, %add3A_373 : i32
        %add3A_424 = arith.constant 3 : i32
        %add3A_425 = arith.addi %mul3A_423, %add3A_424 : i32
        %dma_start3A_426 = arith.constant 384 : i32
        %dma_start3A_427 = arith.constant 0 : i32
        %dma_start3A_428 = tpu.memref_slice %arg10[%dma_start3A_426, %dma_start3A_427] : memref<512x16xf32, #tpu.memory_space<vmem>> -> memref<128x16xf32, #tpu.memory_space<vmem>>
        %dma_start3A_429 = arith.constant 0 : i32
        %dma_start3A_430 = tpu.memref_slice %arg7[%add3A_425, %dma_start3A_429] : memref<80x128xi32, #tpu.memory_space<vmem>> -> memref<1x128xi32, #tpu.memory_space<vmem>>
        %dma_start3A_431 = tpu.memref_squeeze %dma_start3A_430 : memref<1x128xi32, #tpu.memory_space<vmem>> -> memref<128xi32, #tpu.memory_space<vmem>>
        %dma_start3A_432 = arith.constant 0 : i32
        %dma_start3A_433 = arith.constant 0 : i32
        %dma_start3A_434 = tpu.memref_slice %arg2[%dma_start3A_432, %dma_start3A_433] : memref<10240x16xf32, #tpu.memory_space<hbm>> -> memref<10240x16xf32, #tpu.memory_space<hbm>>
        tpu.enqueue_indirect_dma source(%dma_start3A_434 : memref<10240x16xf32, #tpu.memory_space<hbm>>) target(%dma_start3A_428 : memref<128x16xf32, #tpu.memory_space<vmem>>) offsets(%dma_start3A_431 : memref<128xi32, #tpu.memory_space<vmem>>) semaphore(%arg15 : memref<!tpu.dma_semaphore, #tpu.memory_space<semaphore_mem>>)
      } else {
      }
    }
    %scan3A_86 = arith.constant 5 : i32
    %dma_wait3A = arith.constant 0 : i32
    %dma_wait3A_87 = arith.constant 0 : i32
    %dma_wait3A_88 = tpu.memref_slice %arg2[%dma_wait3A, %dma_wait3A_87] : memref<10240x16xf32, #tpu.memory_space<hbm>> -> memref<512x16xf32, #tpu.memory_space<hbm>>
    %dma_wait3A_89 = arith.constant 0 : i32
    %dma_wait3A_90 = arith.constant 0 : i32
    %dma_wait3A_91 = tpu.memref_slice %arg2[%dma_wait3A_89, %dma_wait3A_90] : memref<10240x16xf32, #tpu.memory_space<hbm>> -> memref<512x16xf32, #tpu.memory_space<hbm>>
    tpu.wait_dma2 semaphore(%arg18 : memref<!tpu.dma_semaphore, #tpu.memory_space<semaphore_mem>>) src(%dma_wait3A_91 : memref<512x16xf32, #tpu.memory_space<hbm>>) dst(%arg9 : memref<512x16xf32, #tpu.memory_space<vmem>>)
    %dma_wait3A_92 = arith.constant 0 : i32
    %dma_wait3A_93 = arith.constant 0 : i32
    %dma_wait3A_94 = tpu.memref_slice %arg2[%dma_wait3A_92, %dma_wait3A_93] : memref<10240x16xf32, #tpu.memory_space<hbm>> -> memref<512x16xf32, #tpu.memory_space<hbm>>
    %dma_wait3A_95 = arith.constant 0 : i32
    %dma_wait3A_96 = arith.constant 0 : i32
    %dma_wait3A_97 = tpu.memref_slice %arg2[%dma_wait3A_95, %dma_wait3A_96] : memref<10240x16xf32, #tpu.memory_space<hbm>> -> memref<512x16xf32, #tpu.memory_space<hbm>>
    tpu.wait_dma2 semaphore(%arg19 : memref<!tpu.dma_semaphore, #tpu.memory_space<semaphore_mem>>) src(%dma_wait3A_97 : memref<512x16xf32, #tpu.memory_space<hbm>>) dst(%arg10 : memref<512x16xf32, #tpu.memory_space<vmem>>)
    %dma_wait3A_98 = arith.constant 0 : i32
    %dma_wait3A_99 = arith.constant 0 : i32
    %dma_wait3A_100 = tpu.memref_slice %arg2[%dma_wait3A_98, %dma_wait3A_99] : memref<10240x16xf32, #tpu.memory_space<hbm>> -> memref<512x16xf32, #tpu.memory_space<hbm>>
    %dma_wait3A_101 = arith.constant 0 : i32
    %dma_wait3A_102 = arith.constant 0 : i32
    %dma_wait3A_103 = tpu.memref_slice %arg2[%dma_wait3A_101, %dma_wait3A_102] : memref<10240x16xf32, #tpu.memory_space<hbm>> -> memref<512x16xf32, #tpu.memory_space<hbm>>
    tpu.wait_dma2 semaphore(%arg20 : memref<!tpu.dma_semaphore, #tpu.memory_space<semaphore_mem>>) src(%dma_wait3A_103 : memref<512x16xf32, #tpu.memory_space<hbm>>) dst(%arg11 : memref<512x16xf32, #tpu.memory_space<vmem>>)
    %dma_wait3A_104 = arith.constant 0 : i32
    %dma_wait3A_105 = arith.constant 0 : i32
    %dma_wait3A_106 = tpu.memref_slice %arg2[%dma_wait3A_104, %dma_wait3A_105] : memref<10240x16xf32, #tpu.memory_space<hbm>> -> memref<512x16xf32, #tpu.memory_space<hbm>>
    %dma_wait3A_107 = arith.constant 0 : i32
    %dma_wait3A_108 = arith.constant 0 : i32
    %dma_wait3A_109 = tpu.memref_slice %arg2[%dma_wait3A_107, %dma_wait3A_108] : memref<10240x16xf32, #tpu.memory_space<hbm>> -> memref<512x16xf32, #tpu.memory_space<hbm>>
    tpu.wait_dma2 semaphore(%arg21 : memref<!tpu.dma_semaphore, #tpu.memory_space<semaphore_mem>>) src(%dma_wait3A_109 : memref<512x16xf32, #tpu.memory_space<hbm>>) dst(%arg12 : memref<512x16xf32, #tpu.memory_space<vmem>>)
    %barrier3A_110 = arith.constant 0 : index
    tpu.barrier barrier_id(%barrier3A_110)
    "tpu.region"() ({
      %run_scoped3A = tpu.sem_alloc : memref<!tpu.dma_semaphore, #tpu.memory_space<semaphore_mem>>
      %dma_start3A_111 = arith.constant 0 : i32
      %dma_start3A_112 = tpu.memref_slice %arg6[%arg0, %mul3A_2, %dma_start3A_111] : memref<2x10240x16xf32, #tpu.memory_space<hbm>> -> memref<1x640x16xf32, #tpu.memory_space<hbm>>
      %dma_start3A_113 = tpu.memref_squeeze %dma_start3A_112 : memref<1x640x16xf32, #tpu.memory_space<hbm>> -> memref<640x16xf32, #tpu.memory_space<hbm>>
      %dma_start3A_114 = arith.constant 0 : i32
      %dma_start3A_115 = tpu.memref_slice %arg13[%mul3A_2, %dma_start3A_114] : memref<10240x16xf32, #tpu.memory_space<vmem_shared>> -> memref<640x16xf32, #tpu.memory_space<vmem_shared>>
      tpu.enqueue_dma source(%dma_start3A_115 : memref<640x16xf32, #tpu.memory_space<vmem_shared>>) target(%dma_start3A_113 : memref<640x16xf32, #tpu.memory_space<hbm>>) target_semaphore(%run_scoped3A : memref<!tpu.dma_semaphore, #tpu.memory_space<semaphore_mem>>)
      %dma_wait3A_116 = arith.constant 0 : i32
      %dma_wait3A_117 = tpu.memref_slice %arg6[%arg0, %mul3A_2, %dma_wait3A_116] : memref<2x10240x16xf32, #tpu.memory_space<hbm>> -> memref<1x640x16xf32, #tpu.memory_space<hbm>>
      %dma_wait3A_118 = tpu.memref_squeeze %dma_wait3A_117 : memref<1x640x16xf32, #tpu.memory_space<hbm>> -> memref<640x16xf32, #tpu.memory_space<hbm>>
      %dma_wait3A_119 = arith.constant 0 : i32
      %dma_wait3A_120 = tpu.memref_slice %arg13[%mul3A_2, %dma_wait3A_119] : memref<10240x16xf32, #tpu.memory_space<vmem_shared>> -> memref<640x16xf32, #tpu.memory_space<vmem_shared>>
      tpu.wait_dma2 semaphore(%run_scoped3A : memref<!tpu.dma_semaphore, #tpu.memory_space<semaphore_mem>>) src(%dma_wait3A_120 : memref<640x16xf32, #tpu.memory_space<vmem_shared>>) dst(%dma_wait3A_118 : memref<640x16xf32, #tpu.memory_space<hbm>>)
      tpu.yield
    }) : () -> ()
    return
  }
}

#map = affine_map<(d0, d1) -> (0, 0)>
#map1 = affine_map<(d0, d1) -> (0, 0, 0)>
module attributes {stable_mosaic.version = 14 : i64} {
  func.func @agg_kernel(%arg0: i32, %arg1: i32, %arg2: memref<10240x16xf32, #tpu.memory_space<hbm>>, %arg3: memref<32x80x128xi32, #tpu.memory_space<hbm>>, %arg4: memref<32x80x128xi32, #tpu.memory_space<hbm>>, %arg5: memref<10240x16xf32, #tpu.memory_space<hbm>>, %arg6: memref<2x10240x16xf32, #tpu.memory_space<hbm>>, %arg7: memref<80x128xi32, #tpu.memory_space<vmem>>, %arg8: memref<80x128xi32, #tpu.memory_space<vmem>>, %arg9: memref<512x16xf32, #tpu.memory_space<vmem>>, %arg10: memref<512x16xf32, #tpu.memory_space<vmem>>, %arg11: memref<512x16xf32, #tpu.memory_space<vmem>>, %arg12: memref<512x16xf32, #tpu.memory_space<vmem>>, %arg13: memref<10240x16xf32, #tpu.memory_space<vmem_shared>>, %arg14: memref<!tpu.dma_semaphore, #tpu.memory_space<semaphore_mem>>, %arg15: memref<!tpu.dma_semaphore, #tpu.memory_space<semaphore_mem>>, %arg16: memref<!tpu.dma_semaphore, #tpu.memory_space<semaphore_mem>>, %arg17: memref<!tpu.dma_semaphore, #tpu.memory_space<semaphore_mem>>, %arg18: memref<!tpu.dma_semaphore, #tpu.memory_space<semaphore_mem>>, %arg19: memref<!tpu.dma_semaphore, #tpu.memory_space<semaphore_mem>>, %arg20: memref<!tpu.dma_semaphore, #tpu.memory_space<semaphore_mem>>, %arg21: memref<!tpu.dma_semaphore, #tpu.memory_space<semaphore_mem>>) attributes {dimension_semantics = [#tpu.dimension_semantics<core_parallel>, #tpu.dimension_semantics<subcore_parallel>], iteration_bounds = array<i64: 2, 16>, scalar_prefetch = 0 : i64, scratch_operands = 15 : i64, tpu.core_type = #tpu.core_type<sc_vector_subcore>, window_params = [{transform_indices = #map}, {transform_indices = #map1}, {transform_indices = #map1}, {transform_indices = #map}, {transform_indices = #map1}]} {
    %mul3A = arith.constant 2 : i32
    %mul3A_0 = arith.muli %arg1, %mul3A : i32
    %add3A = arith.addi %mul3A_0, %arg0 : i32
    "tpu.region"() ({
      %run_scoped3A = tpu.sem_alloc : memref<!tpu.dma_semaphore, #tpu.memory_space<semaphore_mem>>
      %dma_start3A_111 = arith.constant 0 : i32
      %dma_start3A_112 = arith.constant 0 : i32
      %dma_start3A_113 = tpu.memref_slice %arg3[%add3A, %dma_start3A_111, %dma_start3A_112] : memref<32x80x128xi32, #tpu.memory_space<hbm>> -> memref<1x80x128xi32, #tpu.memory_space<hbm>>
      %dma_start3A_114 = tpu.memref_squeeze %dma_start3A_113 : memref<1x80x128xi32, #tpu.memory_space<hbm>> -> memref<80x128xi32, #tpu.memory_space<hbm>>
      %dma_start3A_115 = arith.constant 0 : i32
      %dma_start3A_116 = arith.constant 0 : i32
      %dma_start3A_117 = tpu.memref_slice %arg3[%add3A, %dma_start3A_115, %dma_start3A_116] : memref<32x80x128xi32, #tpu.memory_space<hbm>> -> memref<1x80x128xi32, #tpu.memory_space<hbm>>
      %dma_start3A_118 = tpu.memref_squeeze %dma_start3A_117 : memref<1x80x128xi32, #tpu.memory_space<hbm>> -> memref<80x128xi32, #tpu.memory_space<hbm>>
      tpu.enqueue_dma source(%dma_start3A_118 : memref<80x128xi32, #tpu.memory_space<hbm>>) target(%arg7 : memref<80x128xi32, #tpu.memory_space<vmem>>) target_semaphore(%run_scoped3A : memref<!tpu.dma_semaphore, #tpu.memory_space<semaphore_mem>>)
      %dma_wait3A_119 = arith.constant 0 : i32
      %dma_wait3A_120 = arith.constant 0 : i32
      %dma_wait3A_121 = tpu.memref_slice %arg3[%add3A, %dma_wait3A_119, %dma_wait3A_120] : memref<32x80x128xi32, #tpu.memory_space<hbm>> -> memref<1x80x128xi32, #tpu.memory_space<hbm>>
      %dma_wait3A_122 = tpu.memref_squeeze %dma_wait3A_121 : memref<1x80x128xi32, #tpu.memory_space<hbm>> -> memref<80x128xi32, #tpu.memory_space<hbm>>
      %dma_wait3A_123 = arith.constant 0 : i32
      %dma_wait3A_124 = arith.constant 0 : i32
      %dma_wait3A_125 = tpu.memref_slice %arg3[%add3A, %dma_wait3A_123, %dma_wait3A_124] : memref<32x80x128xi32, #tpu.memory_space<hbm>> -> memref<1x80x128xi32, #tpu.memory_space<hbm>>
      %dma_wait3A_126 = tpu.memref_squeeze %dma_wait3A_125 : memref<1x80x128xi32, #tpu.memory_space<hbm>> -> memref<80x128xi32, #tpu.memory_space<hbm>>
      tpu.wait_dma2 semaphore(%run_scoped3A : memref<!tpu.dma_semaphore, #tpu.memory_space<semaphore_mem>>) src(%dma_wait3A_126 : memref<80x128xi32, #tpu.memory_space<hbm>>) dst(%arg7 : memref<80x128xi32, #tpu.memory_space<vmem>>)
      tpu.yield
    }) : () -> ()
    "tpu.region"() ({
      %run_scoped3A = tpu.sem_alloc : memref<!tpu.dma_semaphore, #tpu.memory_space<semaphore_mem>>
      %dma_start3A_111 = arith.constant 0 : i32
      %dma_start3A_112 = arith.constant 0 : i32
      %dma_start3A_113 = tpu.memref_slice %arg4[%add3A, %dma_start3A_111, %dma_start3A_112] : memref<32x80x128xi32, #tpu.memory_space<hbm>> -> memref<1x80x128xi32, #tpu.memory_space<hbm>>
      %dma_start3A_114 = tpu.memref_squeeze %dma_start3A_113 : memref<1x80x128xi32, #tpu.memory_space<hbm>> -> memref<80x128xi32, #tpu.memory_space<hbm>>
      %dma_start3A_115 = arith.constant 0 : i32
      %dma_start3A_116 = arith.constant 0 : i32
      %dma_start3A_117 = tpu.memref_slice %arg4[%add3A, %dma_start3A_115, %dma_start3A_116] : memref<32x80x128xi32, #tpu.memory_space<hbm>> -> memref<1x80x128xi32, #tpu.memory_space<hbm>>
      %dma_start3A_118 = tpu.memref_squeeze %dma_start3A_117 : memref<1x80x128xi32, #tpu.memory_space<hbm>> -> memref<80x128xi32, #tpu.memory_space<hbm>>
      tpu.enqueue_dma source(%dma_start3A_118 : memref<80x128xi32, #tpu.memory_space<hbm>>) target(%arg8 : memref<80x128xi32, #tpu.memory_space<vmem>>) target_semaphore(%run_scoped3A : memref<!tpu.dma_semaphore, #tpu.memory_space<semaphore_mem>>)
      %dma_wait3A_119 = arith.constant 0 : i32
      %dma_wait3A_120 = arith.constant 0 : i32
      %dma_wait3A_121 = tpu.memref_slice %arg4[%add3A, %dma_wait3A_119, %dma_wait3A_120] : memref<32x80x128xi32, #tpu.memory_space<hbm>> -> memref<1x80x128xi32, #tpu.memory_space<hbm>>
      %dma_wait3A_122 = tpu.memref_squeeze %dma_wait3A_121 : memref<1x80x128xi32, #tpu.memory_space<hbm>> -> memref<80x128xi32, #tpu.memory_space<hbm>>
      %dma_wait3A_123 = arith.constant 0 : i32
      %dma_wait3A_124 = arith.constant 0 : i32
      %dma_wait3A_125 = tpu.memref_slice %arg4[%add3A, %dma_wait3A_123, %dma_wait3A_124] : memref<32x80x128xi32, #tpu.memory_space<hbm>> -> memref<1x80x128xi32, #tpu.memory_space<hbm>>
      %dma_wait3A_126 = tpu.memref_squeeze %dma_wait3A_125 : memref<1x80x128xi32, #tpu.memory_space<hbm>> -> memref<80x128xi32, #tpu.memory_space<hbm>>
      tpu.wait_dma2 semaphore(%run_scoped3A : memref<!tpu.dma_semaphore, #tpu.memory_space<semaphore_mem>>) src(%dma_wait3A_126 : memref<80x128xi32, #tpu.memory_space<hbm>>) dst(%arg8 : memref<80x128xi32, #tpu.memory_space<vmem>>)
      tpu.yield
    }) : () -> ()
    %mul3A_1 = arith.constant 640 : i32
    %mul3A_2 = arith.muli %arg1, %mul3A_1 : i32
    "tpu.region"() ({
      %run_scoped3A = tpu.sem_alloc : memref<!tpu.dma_semaphore, #tpu.memory_space<semaphore_mem>>
      %dma_start3A_111 = arith.constant 0 : i32
      %dma_start3A_112 = tpu.memref_slice %arg13[%mul3A_2, %dma_start3A_111] : memref<10240x16xf32, #tpu.memory_space<vmem_shared>> -> memref<640x16xf32, #tpu.memory_space<vmem_shared>>
      %dma_start3A_113 = arith.constant 0 : i32
      %dma_start3A_114 = tpu.memref_slice %arg5[%mul3A_2, %dma_start3A_113] : memref<10240x16xf32, #tpu.memory_space<hbm>> -> memref<640x16xf32, #tpu.memory_space<hbm>>
      tpu.enqueue_dma source(%dma_start3A_114 : memref<640x16xf32, #tpu.memory_space<hbm>>) target(%dma_start3A_112 : memref<640x16xf32, #tpu.memory_space<vmem_shared>>) target_semaphore(%run_scoped3A : memref<!tpu.dma_semaphore, #tpu.memory_space<semaphore_mem>>)
      %dma_wait3A_115 = arith.constant 0 : i32
      %dma_wait3A_116 = tpu.memref_slice %arg13[%mul3A_2, %dma_wait3A_115] : memref<10240x16xf32, #tpu.memory_space<vmem_shared>> -> memref<640x16xf32, #tpu.memory_space<vmem_shared>>
      %dma_wait3A_117 = arith.constant 0 : i32
      %dma_wait3A_118 = tpu.memref_slice %arg5[%mul3A_2, %dma_wait3A_117] : memref<10240x16xf32, #tpu.memory_space<hbm>> -> memref<640x16xf32, #tpu.memory_space<hbm>>
      tpu.wait_dma2 semaphore(%run_scoped3A : memref<!tpu.dma_semaphore, #tpu.memory_space<semaphore_mem>>) src(%dma_wait3A_118 : memref<640x16xf32, #tpu.memory_space<hbm>>) dst(%dma_wait3A_116 : memref<640x16xf32, #tpu.memory_space<vmem_shared>>)
      tpu.yield
    }) : () -> ()
    %barrier3A = arith.constant 0 : index
    tpu.barrier barrier_id(%barrier3A)
    %dma_start3A = arith.constant 0 : i32
    %dma_start3A_3 = arith.constant 0 : i32
    %dma_start3A_4 = arith.constant 0 : i32
    %dma_start3A_5 = tpu.memref_slice %arg9[%dma_start3A_3, %dma_start3A_4] : memref<512x16xf32, #tpu.memory_space<vmem>> -> memref<128x16xf32, #tpu.memory_space<vmem>>
    %dma_start3A_6 = arith.constant 0 : i32
    %dma_start3A_7 = tpu.memref_slice %arg7[%dma_start3A, %dma_start3A_6] : memref<80x128xi32, #tpu.memory_space<vmem>> -> memref<1x128xi32, #tpu.memory_space<vmem>>
    %dma_start3A_8 = tpu.memref_squeeze %dma_start3A_7 : memref<1x128xi32, #tpu.memory_space<vmem>> -> memref<128xi32, #tpu.memory_space<vmem>>
    %dma_start3A_9 = arith.constant 0 : i32
    %dma_start3A_10 = arith.constant 0 : i32
    %dma_start3A_11 = tpu.memref_slice %arg2[%dma_start3A_9, %dma_start3A_10] : memref<10240x16xf32, #tpu.memory_space<hbm>> -> memref<10240x16xf32, #tpu.memory_space<hbm>>
    tpu.enqueue_indirect_dma source(%dma_start3A_11 : memref<10240x16xf32, #tpu.memory_space<hbm>>) target(%dma_start3A_5 : memref<128x16xf32, #tpu.memory_space<vmem>>) offsets(%dma_start3A_8 : memref<128xi32, #tpu.memory_space<vmem>>) semaphore(%arg14 : memref<!tpu.dma_semaphore, #tpu.memory_space<semaphore_mem>>)
    %dma_start3A_12 = arith.constant 1 : i32
    %dma_start3A_13 = arith.constant 128 : i32
    %dma_start3A_14 = arith.constant 0 : i32
    %dma_start3A_15 = tpu.memref_slice %arg9[%dma_start3A_13, %dma_start3A_14] : memref<512x16xf32, #tpu.memory_space<vmem>> -> memref<128x16xf32, #tpu.memory_space<vmem>>
    %dma_start3A_16 = arith.constant 0 : i32
    %dma_start3A_17 = tpu.memref_slice %arg7[%dma_start3A_12, %dma_start3A_16] : memref<80x128xi32, #tpu.memory_space<vmem>> -> memref<1x128xi32, #tpu.memory_space<vmem>>
    %dma_start3A_18 = tpu.memref_squeeze %dma_start3A_17 : memref<1x128xi32, #tpu.memory_space<vmem>> -> memref<128xi32, #tpu.memory_space<vmem>>
    %dma_start3A_19 = arith.constant 0 : i32
    %dma_start3A_20 = arith.constant 0 : i32
    %dma_start3A_21 = tpu.memref_slice %arg2[%dma_start3A_19, %dma_start3A_20] : memref<10240x16xf32, #tpu.memory_space<hbm>> -> memref<10240x16xf32, #tpu.memory_space<hbm>>
    tpu.enqueue_indirect_dma source(%dma_start3A_21 : memref<10240x16xf32, #tpu.memory_space<hbm>>) target(%dma_start3A_15 : memref<128x16xf32, #tpu.memory_space<vmem>>) offsets(%dma_start3A_18 : memref<128xi32, #tpu.memory_space<vmem>>) semaphore(%arg14 : memref<!tpu.dma_semaphore, #tpu.memory_space<semaphore_mem>>)
    %dma_start3A_22 = arith.constant 2 : i32
    %dma_start3A_23 = arith.constant 256 : i32
    %dma_start3A_24 = arith.constant 0 : i32
    %dma_start3A_25 = tpu.memref_slice %arg9[%dma_start3A_23, %dma_start3A_24] : memref<512x16xf32, #tpu.memory_space<vmem>> -> memref<128x16xf32, #tpu.memory_space<vmem>>
    %dma_start3A_26 = arith.constant 0 : i32
    %dma_start3A_27 = tpu.memref_slice %arg7[%dma_start3A_22, %dma_start3A_26] : memref<80x128xi32, #tpu.memory_space<vmem>> -> memref<1x128xi32, #tpu.memory_space<vmem>>
    %dma_start3A_28 = tpu.memref_squeeze %dma_start3A_27 : memref<1x128xi32, #tpu.memory_space<vmem>> -> memref<128xi32, #tpu.memory_space<vmem>>
    %dma_start3A_29 = arith.constant 0 : i32
    %dma_start3A_30 = arith.constant 0 : i32
    %dma_start3A_31 = tpu.memref_slice %arg2[%dma_start3A_29, %dma_start3A_30] : memref<10240x16xf32, #tpu.memory_space<hbm>> -> memref<10240x16xf32, #tpu.memory_space<hbm>>
    tpu.enqueue_indirect_dma source(%dma_start3A_31 : memref<10240x16xf32, #tpu.memory_space<hbm>>) target(%dma_start3A_25 : memref<128x16xf32, #tpu.memory_space<vmem>>) offsets(%dma_start3A_28 : memref<128xi32, #tpu.memory_space<vmem>>) semaphore(%arg14 : memref<!tpu.dma_semaphore, #tpu.memory_space<semaphore_mem>>)
    %dma_start3A_32 = arith.constant 3 : i32
    %dma_start3A_33 = arith.constant 384 : i32
    %dma_start3A_34 = arith.constant 0 : i32
    %dma_start3A_35 = tpu.memref_slice %arg9[%dma_start3A_33, %dma_start3A_34] : memref<512x16xf32, #tpu.memory_space<vmem>> -> memref<128x16xf32, #tpu.memory_space<vmem>>
    %dma_start3A_36 = arith.constant 0 : i32
    %dma_start3A_37 = tpu.memref_slice %arg7[%dma_start3A_32, %dma_start3A_36] : memref<80x128xi32, #tpu.memory_space<vmem>> -> memref<1x128xi32, #tpu.memory_space<vmem>>
    %dma_start3A_38 = tpu.memref_squeeze %dma_start3A_37 : memref<1x128xi32, #tpu.memory_space<vmem>> -> memref<128xi32, #tpu.memory_space<vmem>>
    %dma_start3A_39 = arith.constant 0 : i32
    %dma_start3A_40 = arith.constant 0 : i32
    %dma_start3A_41 = tpu.memref_slice %arg2[%dma_start3A_39, %dma_start3A_40] : memref<10240x16xf32, #tpu.memory_space<hbm>> -> memref<10240x16xf32, #tpu.memory_space<hbm>>
    tpu.enqueue_indirect_dma source(%dma_start3A_41 : memref<10240x16xf32, #tpu.memory_space<hbm>>) target(%dma_start3A_35 : memref<128x16xf32, #tpu.memory_space<vmem>>) offsets(%dma_start3A_38 : memref<128xi32, #tpu.memory_space<vmem>>) semaphore(%arg14 : memref<!tpu.dma_semaphore, #tpu.memory_space<semaphore_mem>>)
    %dma_start3A_42 = arith.constant 4 : i32
    %dma_start3A_43 = arith.constant 0 : i32
    %dma_start3A_44 = arith.constant 0 : i32
    %dma_start3A_45 = tpu.memref_slice %arg10[%dma_start3A_43, %dma_start3A_44] : memref<512x16xf32, #tpu.memory_space<vmem>> -> memref<128x16xf32, #tpu.memory_space<vmem>>
    %dma_start3A_46 = arith.constant 0 : i32
    %dma_start3A_47 = tpu.memref_slice %arg7[%dma_start3A_42, %dma_start3A_46] : memref<80x128xi32, #tpu.memory_space<vmem>> -> memref<1x128xi32, #tpu.memory_space<vmem>>
    %dma_start3A_48 = tpu.memref_squeeze %dma_start3A_47 : memref<1x128xi32, #tpu.memory_space<vmem>> -> memref<128xi32, #tpu.memory_space<vmem>>
    %dma_start3A_49 = arith.constant 0 : i32
    %dma_start3A_50 = arith.constant 0 : i32
    %dma_start3A_51 = tpu.memref_slice %arg2[%dma_start3A_49, %dma_start3A_50] : memref<10240x16xf32, #tpu.memory_space<hbm>> -> memref<10240x16xf32, #tpu.memory_space<hbm>>
    tpu.enqueue_indirect_dma source(%dma_start3A_51 : memref<10240x16xf32, #tpu.memory_space<hbm>>) target(%dma_start3A_45 : memref<128x16xf32, #tpu.memory_space<vmem>>) offsets(%dma_start3A_48 : memref<128xi32, #tpu.memory_space<vmem>>) semaphore(%arg15 : memref<!tpu.dma_semaphore, #tpu.memory_space<semaphore_mem>>)
    %dma_start3A_52 = arith.constant 5 : i32
    %dma_start3A_53 = arith.constant 128 : i32
    %dma_start3A_54 = arith.constant 0 : i32
    %dma_start3A_55 = tpu.memref_slice %arg10[%dma_start3A_53, %dma_start3A_54] : memref<512x16xf32, #tpu.memory_space<vmem>> -> memref<128x16xf32, #tpu.memory_space<vmem>>
    %dma_start3A_56 = arith.constant 0 : i32
    %dma_start3A_57 = tpu.memref_slice %arg7[%dma_start3A_52, %dma_start3A_56] : memref<80x128xi32, #tpu.memory_space<vmem>> -> memref<1x128xi32, #tpu.memory_space<vmem>>
    %dma_start3A_58 = tpu.memref_squeeze %dma_start3A_57 : memref<1x128xi32, #tpu.memory_space<vmem>> -> memref<128xi32, #tpu.memory_space<vmem>>
    %dma_start3A_59 = arith.constant 0 : i32
    %dma_start3A_60 = arith.constant 0 : i32
    %dma_start3A_61 = tpu.memref_slice %arg2[%dma_start3A_59, %dma_start3A_60] : memref<10240x16xf32, #tpu.memory_space<hbm>> -> memref<10240x16xf32, #tpu.memory_space<hbm>>
    tpu.enqueue_indirect_dma source(%dma_start3A_61 : memref<10240x16xf32, #tpu.memory_space<hbm>>) target(%dma_start3A_55 : memref<128x16xf32, #tpu.memory_space<vmem>>) offsets(%dma_start3A_58 : memref<128xi32, #tpu.memory_space<vmem>>) semaphore(%arg15 : memref<!tpu.dma_semaphore, #tpu.memory_space<semaphore_mem>>)
    %dma_start3A_62 = arith.constant 6 : i32
    %dma_start3A_63 = arith.constant 256 : i32
    %dma_start3A_64 = arith.constant 0 : i32
    %dma_start3A_65 = tpu.memref_slice %arg10[%dma_start3A_63, %dma_start3A_64] : memref<512x16xf32, #tpu.memory_space<vmem>> -> memref<128x16xf32, #tpu.memory_space<vmem>>
    %dma_start3A_66 = arith.constant 0 : i32
    %dma_start3A_67 = tpu.memref_slice %arg7[%dma_start3A_62, %dma_start3A_66] : memref<80x128xi32, #tpu.memory_space<vmem>> -> memref<1x128xi32, #tpu.memory_space<vmem>>
    %dma_start3A_68 = tpu.memref_squeeze %dma_start3A_67 : memref<1x128xi32, #tpu.memory_space<vmem>> -> memref<128xi32, #tpu.memory_space<vmem>>
    %dma_start3A_69 = arith.constant 0 : i32
    %dma_start3A_70 = arith.constant 0 : i32
    %dma_start3A_71 = tpu.memref_slice %arg2[%dma_start3A_69, %dma_start3A_70] : memref<10240x16xf32, #tpu.memory_space<hbm>> -> memref<10240x16xf32, #tpu.memory_space<hbm>>
    tpu.enqueue_indirect_dma source(%dma_start3A_71 : memref<10240x16xf32, #tpu.memory_space<hbm>>) target(%dma_start3A_65 : memref<128x16xf32, #tpu.memory_space<vmem>>) offsets(%dma_start3A_68 : memref<128xi32, #tpu.memory_space<vmem>>) semaphore(%arg15 : memref<!tpu.dma_semaphore, #tpu.memory_space<semaphore_mem>>)
    %dma_start3A_72 = arith.constant 7 : i32
    %dma_start3A_73 = arith.constant 384 : i32
    %dma_start3A_74 = arith.constant 0 : i32
    %dma_start3A_75 = tpu.memref_slice %arg10[%dma_start3A_73, %dma_start3A_74] : memref<512x16xf32, #tpu.memory_space<vmem>> -> memref<128x16xf32, #tpu.memory_space<vmem>>
    %dma_start3A_76 = arith.constant 0 : i32
    %dma_start3A_77 = tpu.memref_slice %arg7[%dma_start3A_72, %dma_start3A_76] : memref<80x128xi32, #tpu.memory_space<vmem>> -> memref<1x128xi32, #tpu.memory_space<vmem>>
    %dma_start3A_78 = tpu.memref_squeeze %dma_start3A_77 : memref<1x128xi32, #tpu.memory_space<vmem>> -> memref<128xi32, #tpu.memory_space<vmem>>
    %dma_start3A_79 = arith.constant 0 : i32
    %dma_start3A_80 = arith.constant 0 : i32
    %dma_start3A_81 = tpu.memref_slice %arg2[%dma_start3A_79, %dma_start3A_80] : memref<10240x16xf32, #tpu.memory_space<hbm>> -> memref<10240x16xf32, #tpu.memory_space<hbm>>
    tpu.enqueue_indirect_dma source(%dma_start3A_81 : memref<10240x16xf32, #tpu.memory_space<hbm>>) target(%dma_start3A_75 : memref<128x16xf32, #tpu.memory_space<vmem>>) offsets(%dma_start3A_78 : memref<128xi32, #tpu.memory_space<vmem>>) semaphore(%arg15 : memref<!tpu.dma_semaphore, #tpu.memory_space<semaphore_mem>>)
    %scan3A = arith.constant 0 : i32
    %scan3A_82 = arith.constant 0 : i32
    %scan3A_83 = arith.constant 5 : i32
    %scan3A_84 = arith.addi %scan3A_82, %scan3A_83 : i32
    %scan3A_85 = arith.constant 1 : i32
    scf.for %scan3A_111 = %scan3A_82 to %scan3A_84 step %scan3A_85  : i32 {
      %mul3A_112 = arith.constant 4 : i32
      %mul3A_113 = arith.muli %scan3A_111, %mul3A_112 : i32
      %add3A_114 = arith.constant 0 : i32
      %add3A_115 = arith.addi %mul3A_113, %add3A_114 : i32
      %dma_wait3A_116 = arith.constant 0 : i32
      %dma_wait3A_117 = arith.constant 0 : i32
      %dma_wait3A_118 = tpu.memref_slice %arg2[%dma_wait3A_116, %dma_wait3A_117] : memref<10240x16xf32, #tpu.memory_space<hbm>> -> memref<512x16xf32, #tpu.memory_space<hbm>>
      %dma_wait3A_119 = arith.constant 0 : i32
      %dma_wait3A_120 = arith.constant 0 : i32
      %dma_wait3A_121 = tpu.memref_slice %arg2[%dma_wait3A_119, %dma_wait3A_120] : memref<10240x16xf32, #tpu.memory_space<hbm>> -> memref<512x16xf32, #tpu.memory_space<hbm>>
      tpu.wait_dma2 semaphore(%arg14 : memref<!tpu.dma_semaphore, #tpu.memory_space<semaphore_mem>>) src(%dma_wait3A_121 : memref<512x16xf32, #tpu.memory_space<hbm>>) dst(%arg9 : memref<512x16xf32, #tpu.memory_space<vmem>>)
      %mul3A_122 = arith.constant 4 : i32
      %mul3A_123 = arith.muli %mul3A_122, %add3A_115 : i32
      %add3A_124 = arith.constant 0 : i32
      %add3A_125 = arith.addi %mul3A_123, %add3A_124 : i32
      %dma_start3A_126 = arith.constant 0 : i32
      %dma_start3A_127 = arith.constant 0 : i32
      %dma_start3A_128 = tpu.memref_slice %arg9[%dma_start3A_126, %dma_start3A_127] : memref<512x16xf32, #tpu.memory_space<vmem>> -> memref<128x16xf32, #tpu.memory_space<vmem>>
      %dma_start3A_129 = arith.constant 0 : i32
      %dma_start3A_130 = tpu.memref_slice %arg8[%add3A_125, %dma_start3A_129] : memref<80x128xi32, #tpu.memory_space<vmem>> -> memref<1x128xi32, #tpu.memory_space<vmem>>
      %dma_start3A_131 = tpu.memref_squeeze %dma_start3A_130 : memref<1x128xi32, #tpu.memory_space<vmem>> -> memref<128xi32, #tpu.memory_space<vmem>>
      %dma_start3A_132 = arith.constant 0 : i32
      %dma_start3A_133 = arith.constant 0 : i32
      %dma_start3A_134 = tpu.memref_slice %arg13[%dma_start3A_132, %dma_start3A_133] : memref<10240x16xf32, #tpu.memory_space<vmem_shared>> -> memref<10240x16xf32, #tpu.memory_space<vmem_shared>>
      tpu.enqueue_indirect_dma source(%dma_start3A_128 : memref<128x16xf32, #tpu.memory_space<vmem>>) target(%dma_start3A_134 : memref<10240x16xf32, #tpu.memory_space<vmem_shared>>) offsets(%dma_start3A_131 : memref<128xi32, #tpu.memory_space<vmem>>) semaphore(%arg18 : memref<!tpu.dma_semaphore, #tpu.memory_space<semaphore_mem>>) {add = true}
      %mul3A_135 = arith.constant 4 : i32
      %mul3A_136 = arith.muli %mul3A_135, %add3A_115 : i32
      %add3A_137 = arith.constant 1 : i32
      %add3A_138 = arith.addi %mul3A_136, %add3A_137 : i32
      %dma_start3A_139 = arith.constant 128 : i32
      %dma_start3A_140 = arith.constant 0 : i32
      %dma_start3A_141 = tpu.memref_slice %arg9[%dma_start3A_139, %dma_start3A_140] : memref<512x16xf32, #tpu.memory_space<vmem>> -> memref<128x16xf32, #tpu.memory_space<vmem>>
      %dma_start3A_142 = arith.constant 0 : i32
      %dma_start3A_143 = tpu.memref_slice %arg8[%add3A_138, %dma_start3A_142] : memref<80x128xi32, #tpu.memory_space<vmem>> -> memref<1x128xi32, #tpu.memory_space<vmem>>
      %dma_start3A_144 = tpu.memref_squeeze %dma_start3A_143 : memref<1x128xi32, #tpu.memory_space<vmem>> -> memref<128xi32, #tpu.memory_space<vmem>>
      %dma_start3A_145 = arith.constant 0 : i32
      %dma_start3A_146 = arith.constant 0 : i32
      %dma_start3A_147 = tpu.memref_slice %arg13[%dma_start3A_145, %dma_start3A_146] : memref<10240x16xf32, #tpu.memory_space<vmem_shared>> -> memref<10240x16xf32, #tpu.memory_space<vmem_shared>>
      tpu.enqueue_indirect_dma source(%dma_start3A_141 : memref<128x16xf32, #tpu.memory_space<vmem>>) target(%dma_start3A_147 : memref<10240x16xf32, #tpu.memory_space<vmem_shared>>) offsets(%dma_start3A_144 : memref<128xi32, #tpu.memory_space<vmem>>) semaphore(%arg18 : memref<!tpu.dma_semaphore, #tpu.memory_space<semaphore_mem>>) {add = true}
      %mul3A_148 = arith.constant 4 : i32
      %mul3A_149 = arith.muli %mul3A_148, %add3A_115 : i32
      %add3A_150 = arith.constant 2 : i32
      %add3A_151 = arith.addi %mul3A_149, %add3A_150 : i32
      %dma_start3A_152 = arith.constant 256 : i32
      %dma_start3A_153 = arith.constant 0 : i32
      %dma_start3A_154 = tpu.memref_slice %arg9[%dma_start3A_152, %dma_start3A_153] : memref<512x16xf32, #tpu.memory_space<vmem>> -> memref<128x16xf32, #tpu.memory_space<vmem>>
      %dma_start3A_155 = arith.constant 0 : i32
      %dma_start3A_156 = tpu.memref_slice %arg8[%add3A_151, %dma_start3A_155] : memref<80x128xi32, #tpu.memory_space<vmem>> -> memref<1x128xi32, #tpu.memory_space<vmem>>
      %dma_start3A_157 = tpu.memref_squeeze %dma_start3A_156 : memref<1x128xi32, #tpu.memory_space<vmem>> -> memref<128xi32, #tpu.memory_space<vmem>>
      %dma_start3A_158 = arith.constant 0 : i32
      %dma_start3A_159 = arith.constant 0 : i32
      %dma_start3A_160 = tpu.memref_slice %arg13[%dma_start3A_158, %dma_start3A_159] : memref<10240x16xf32, #tpu.memory_space<vmem_shared>> -> memref<10240x16xf32, #tpu.memory_space<vmem_shared>>
      tpu.enqueue_indirect_dma source(%dma_start3A_154 : memref<128x16xf32, #tpu.memory_space<vmem>>) target(%dma_start3A_160 : memref<10240x16xf32, #tpu.memory_space<vmem_shared>>) offsets(%dma_start3A_157 : memref<128xi32, #tpu.memory_space<vmem>>) semaphore(%arg18 : memref<!tpu.dma_semaphore, #tpu.memory_space<semaphore_mem>>) {add = true}
      %mul3A_161 = arith.constant 4 : i32
      %mul3A_162 = arith.muli %mul3A_161, %add3A_115 : i32
      %add3A_163 = arith.constant 3 : i32
      %add3A_164 = arith.addi %mul3A_162, %add3A_163 : i32
      %dma_start3A_165 = arith.constant 384 : i32
      %dma_start3A_166 = arith.constant 0 : i32
      %dma_start3A_167 = tpu.memref_slice %arg9[%dma_start3A_165, %dma_start3A_166] : memref<512x16xf32, #tpu.memory_space<vmem>> -> memref<128x16xf32, #tpu.memory_space<vmem>>
      %dma_start3A_168 = arith.constant 0 : i32
      %dma_start3A_169 = tpu.memref_slice %arg8[%add3A_164, %dma_start3A_168] : memref<80x128xi32, #tpu.memory_space<vmem>> -> memref<1x128xi32, #tpu.memory_space<vmem>>
      %dma_start3A_170 = tpu.memref_squeeze %dma_start3A_169 : memref<1x128xi32, #tpu.memory_space<vmem>> -> memref<128xi32, #tpu.memory_space<vmem>>
      %dma_start3A_171 = arith.constant 0 : i32
      %dma_start3A_172 = arith.constant 0 : i32
      %dma_start3A_173 = tpu.memref_slice %arg13[%dma_start3A_171, %dma_start3A_172] : memref<10240x16xf32, #tpu.memory_space<vmem_shared>> -> memref<10240x16xf32, #tpu.memory_space<vmem_shared>>
      tpu.enqueue_indirect_dma source(%dma_start3A_167 : memref<128x16xf32, #tpu.memory_space<vmem>>) target(%dma_start3A_173 : memref<10240x16xf32, #tpu.memory_space<vmem_shared>>) offsets(%dma_start3A_170 : memref<128xi32, #tpu.memory_space<vmem>>) semaphore(%arg18 : memref<!tpu.dma_semaphore, #tpu.memory_space<semaphore_mem>>) {add = true}
      %add3A_174 = arith.constant 2 : i32
      %add3A_175 = arith.addi %add3A_115, %add3A_174 : i32
      %lt3A = arith.constant 20 : i32
      %lt3A_176 = arith.cmpi slt, %add3A_175, %lt3A : i32
      %convert_element_type3A = arith.extui %lt3A_176 : i1 to i32
      %cond3A = arith.constant 0 : i32
      %cond3A_177 = arith.cmpi ne, %convert_element_type3A, %cond3A : i32
      scf.if %cond3A_177 {
        %ge3A = arith.constant 2 : i32
        %ge3A_379 = arith.cmpi sge, %add3A_115, %ge3A : i32
        %convert_element_type3A_380 = arith.extui %ge3A_379 : i1 to i32
        %cond3A_381 = arith.constant 0 : i32
        %cond3A_382 = arith.cmpi ne, %convert_element_type3A_380, %cond3A_381 : i32
        scf.if %cond3A_382 {
          %dma_wait3A_435 = arith.constant 0 : i32
          %dma_wait3A_436 = arith.constant 0 : i32
          %dma_wait3A_437 = tpu.memref_slice %arg2[%dma_wait3A_435, %dma_wait3A_436] : memref<10240x16xf32, #tpu.memory_space<hbm>> -> memref<512x16xf32, #tpu.memory_space<hbm>>
          %dma_wait3A_438 = arith.constant 0 : i32
          %dma_wait3A_439 = arith.constant 0 : i32
          %dma_wait3A_440 = tpu.memref_slice %arg2[%dma_wait3A_438, %dma_wait3A_439] : memref<10240x16xf32, #tpu.memory_space<hbm>> -> memref<512x16xf32, #tpu.memory_space<hbm>>
          tpu.wait_dma2 semaphore(%arg20 : memref<!tpu.dma_semaphore, #tpu.memory_space<semaphore_mem>>) src(%dma_wait3A_440 : memref<512x16xf32, #tpu.memory_space<hbm>>) dst(%arg11 : memref<512x16xf32, #tpu.memory_space<vmem>>)
        } else {
        }
        %mul3A_383 = arith.constant 4 : i32
        %mul3A_384 = arith.muli %mul3A_383, %add3A_175 : i32
        %add3A_385 = arith.constant 0 : i32
        %add3A_386 = arith.addi %mul3A_384, %add3A_385 : i32
        %dma_start3A_387 = arith.constant 0 : i32
        %dma_start3A_388 = arith.constant 0 : i32
        %dma_start3A_389 = tpu.memref_slice %arg11[%dma_start3A_387, %dma_start3A_388] : memref<512x16xf32, #tpu.memory_space<vmem>> -> memref<128x16xf32, #tpu.memory_space<vmem>>
        %dma_start3A_390 = arith.constant 0 : i32
        %dma_start3A_391 = tpu.memref_slice %arg7[%add3A_386, %dma_start3A_390] : memref<80x128xi32, #tpu.memory_space<vmem>> -> memref<1x128xi32, #tpu.memory_space<vmem>>
        %dma_start3A_392 = tpu.memref_squeeze %dma_start3A_391 : memref<1x128xi32, #tpu.memory_space<vmem>> -> memref<128xi32, #tpu.memory_space<vmem>>
        %dma_start3A_393 = arith.constant 0 : i32
        %dma_start3A_394 = arith.constant 0 : i32
        %dma_start3A_395 = tpu.memref_slice %arg2[%dma_start3A_393, %dma_start3A_394] : memref<10240x16xf32, #tpu.memory_space<hbm>> -> memref<10240x16xf32, #tpu.memory_space<hbm>>
        tpu.enqueue_indirect_dma source(%dma_start3A_395 : memref<10240x16xf32, #tpu.memory_space<hbm>>) target(%dma_start3A_389 : memref<128x16xf32, #tpu.memory_space<vmem>>) offsets(%dma_start3A_392 : memref<128xi32, #tpu.memory_space<vmem>>) semaphore(%arg16 : memref<!tpu.dma_semaphore, #tpu.memory_space<semaphore_mem>>)
        %mul3A_396 = arith.constant 4 : i32
        %mul3A_397 = arith.muli %mul3A_396, %add3A_175 : i32
        %add3A_398 = arith.constant 1 : i32
        %add3A_399 = arith.addi %mul3A_397, %add3A_398 : i32
        %dma_start3A_400 = arith.constant 128 : i32
        %dma_start3A_401 = arith.constant 0 : i32
        %dma_start3A_402 = tpu.memref_slice %arg11[%dma_start3A_400, %dma_start3A_401] : memref<512x16xf32, #tpu.memory_space<vmem>> -> memref<128x16xf32, #tpu.memory_space<vmem>>
        %dma_start3A_403 = arith.constant 0 : i32
        %dma_start3A_404 = tpu.memref_slice %arg7[%add3A_399, %dma_start3A_403] : memref<80x128xi32, #tpu.memory_space<vmem>> -> memref<1x128xi32, #tpu.memory_space<vmem>>
        %dma_start3A_405 = tpu.memref_squeeze %dma_start3A_404 : memref<1x128xi32, #tpu.memory_space<vmem>> -> memref<128xi32, #tpu.memory_space<vmem>>
        %dma_start3A_406 = arith.constant 0 : i32
        %dma_start3A_407 = arith.constant 0 : i32
        %dma_start3A_408 = tpu.memref_slice %arg2[%dma_start3A_406, %dma_start3A_407] : memref<10240x16xf32, #tpu.memory_space<hbm>> -> memref<10240x16xf32, #tpu.memory_space<hbm>>
        tpu.enqueue_indirect_dma source(%dma_start3A_408 : memref<10240x16xf32, #tpu.memory_space<hbm>>) target(%dma_start3A_402 : memref<128x16xf32, #tpu.memory_space<vmem>>) offsets(%dma_start3A_405 : memref<128xi32, #tpu.memory_space<vmem>>) semaphore(%arg16 : memref<!tpu.dma_semaphore, #tpu.memory_space<semaphore_mem>>)
        %mul3A_409 = arith.constant 4 : i32
        %mul3A_410 = arith.muli %mul3A_409, %add3A_175 : i32
        %add3A_411 = arith.constant 2 : i32
        %add3A_412 = arith.addi %mul3A_410, %add3A_411 : i32
        %dma_start3A_413 = arith.constant 256 : i32
        %dma_start3A_414 = arith.constant 0 : i32
        %dma_start3A_415 = tpu.memref_slice %arg11[%dma_start3A_413, %dma_start3A_414] : memref<512x16xf32, #tpu.memory_space<vmem>> -> memref<128x16xf32, #tpu.memory_space<vmem>>
        %dma_start3A_416 = arith.constant 0 : i32
        %dma_start3A_417 = tpu.memref_slice %arg7[%add3A_412, %dma_start3A_416] : memref<80x128xi32, #tpu.memory_space<vmem>> -> memref<1x128xi32, #tpu.memory_space<vmem>>
        %dma_start3A_418 = tpu.memref_squeeze %dma_start3A_417 : memref<1x128xi32, #tpu.memory_space<vmem>> -> memref<128xi32, #tpu.memory_space<vmem>>
        %dma_start3A_419 = arith.constant 0 : i32
        %dma_start3A_420 = arith.constant 0 : i32
        %dma_start3A_421 = tpu.memref_slice %arg2[%dma_start3A_419, %dma_start3A_420] : memref<10240x16xf32, #tpu.memory_space<hbm>> -> memref<10240x16xf32, #tpu.memory_space<hbm>>
        tpu.enqueue_indirect_dma source(%dma_start3A_421 : memref<10240x16xf32, #tpu.memory_space<hbm>>) target(%dma_start3A_415 : memref<128x16xf32, #tpu.memory_space<vmem>>) offsets(%dma_start3A_418 : memref<128xi32, #tpu.memory_space<vmem>>) semaphore(%arg16 : memref<!tpu.dma_semaphore, #tpu.memory_space<semaphore_mem>>)
        %mul3A_422 = arith.constant 4 : i32
        %mul3A_423 = arith.muli %mul3A_422, %add3A_175 : i32
        %add3A_424 = arith.constant 3 : i32
        %add3A_425 = arith.addi %mul3A_423, %add3A_424 : i32
        %dma_start3A_426 = arith.constant 384 : i32
        %dma_start3A_427 = arith.constant 0 : i32
        %dma_start3A_428 = tpu.memref_slice %arg11[%dma_start3A_426, %dma_start3A_427] : memref<512x16xf32, #tpu.memory_space<vmem>> -> memref<128x16xf32, #tpu.memory_space<vmem>>
        %dma_start3A_429 = arith.constant 0 : i32
        %dma_start3A_430 = tpu.memref_slice %arg7[%add3A_425, %dma_start3A_429] : memref<80x128xi32, #tpu.memory_space<vmem>> -> memref<1x128xi32, #tpu.memory_space<vmem>>
        %dma_start3A_431 = tpu.memref_squeeze %dma_start3A_430 : memref<1x128xi32, #tpu.memory_space<vmem>> -> memref<128xi32, #tpu.memory_space<vmem>>
        %dma_start3A_432 = arith.constant 0 : i32
        %dma_start3A_433 = arith.constant 0 : i32
        %dma_start3A_434 = tpu.memref_slice %arg2[%dma_start3A_432, %dma_start3A_433] : memref<10240x16xf32, #tpu.memory_space<hbm>> -> memref<10240x16xf32, #tpu.memory_space<hbm>>
        tpu.enqueue_indirect_dma source(%dma_start3A_434 : memref<10240x16xf32, #tpu.memory_space<hbm>>) target(%dma_start3A_428 : memref<128x16xf32, #tpu.memory_space<vmem>>) offsets(%dma_start3A_431 : memref<128xi32, #tpu.memory_space<vmem>>) semaphore(%arg16 : memref<!tpu.dma_semaphore, #tpu.memory_space<semaphore_mem>>)
      } else {
      }
      %add3A_178 = arith.constant 1 : i32
      %add3A_179 = arith.addi %mul3A_113, %add3A_178 : i32
      %dma_wait3A_180 = arith.constant 0 : i32
      %dma_wait3A_181 = arith.constant 0 : i32
      %dma_wait3A_182 = tpu.memref_slice %arg2[%dma_wait3A_180, %dma_wait3A_181] : memref<10240x16xf32, #tpu.memory_space<hbm>> -> memref<512x16xf32, #tpu.memory_space<hbm>>
      %dma_wait3A_183 = arith.constant 0 : i32
      %dma_wait3A_184 = arith.constant 0 : i32
      %dma_wait3A_185 = tpu.memref_slice %arg2[%dma_wait3A_183, %dma_wait3A_184] : memref<10240x16xf32, #tpu.memory_space<hbm>> -> memref<512x16xf32, #tpu.memory_space<hbm>>
      tpu.wait_dma2 semaphore(%arg15 : memref<!tpu.dma_semaphore, #tpu.memory_space<semaphore_mem>>) src(%dma_wait3A_185 : memref<512x16xf32, #tpu.memory_space<hbm>>) dst(%arg10 : memref<512x16xf32, #tpu.memory_space<vmem>>)
      %mul3A_186 = arith.constant 4 : i32
      %mul3A_187 = arith.muli %mul3A_186, %add3A_179 : i32
      %add3A_188 = arith.constant 0 : i32
      %add3A_189 = arith.addi %mul3A_187, %add3A_188 : i32
      %dma_start3A_190 = arith.constant 0 : i32
      %dma_start3A_191 = arith.constant 0 : i32
      %dma_start3A_192 = tpu.memref_slice %arg10[%dma_start3A_190, %dma_start3A_191] : memref<512x16xf32, #tpu.memory_space<vmem>> -> memref<128x16xf32, #tpu.memory_space<vmem>>
      %dma_start3A_193 = arith.constant 0 : i32
      %dma_start3A_194 = tpu.memref_slice %arg8[%add3A_189, %dma_start3A_193] : memref<80x128xi32, #tpu.memory_space<vmem>> -> memref<1x128xi32, #tpu.memory_space<vmem>>
      %dma_start3A_195 = tpu.memref_squeeze %dma_start3A_194 : memref<1x128xi32, #tpu.memory_space<vmem>> -> memref<128xi32, #tpu.memory_space<vmem>>
      %dma_start3A_196 = arith.constant 0 : i32
      %dma_start3A_197 = arith.constant 0 : i32
      %dma_start3A_198 = tpu.memref_slice %arg13[%dma_start3A_196, %dma_start3A_197] : memref<10240x16xf32, #tpu.memory_space<vmem_shared>> -> memref<10240x16xf32, #tpu.memory_space<vmem_shared>>
      tpu.enqueue_indirect_dma source(%dma_start3A_192 : memref<128x16xf32, #tpu.memory_space<vmem>>) target(%dma_start3A_198 : memref<10240x16xf32, #tpu.memory_space<vmem_shared>>) offsets(%dma_start3A_195 : memref<128xi32, #tpu.memory_space<vmem>>) semaphore(%arg19 : memref<!tpu.dma_semaphore, #tpu.memory_space<semaphore_mem>>) {add = true}
      %mul3A_199 = arith.constant 4 : i32
      %mul3A_200 = arith.muli %mul3A_199, %add3A_179 : i32
      %add3A_201 = arith.constant 1 : i32
      %add3A_202 = arith.addi %mul3A_200, %add3A_201 : i32
      %dma_start3A_203 = arith.constant 128 : i32
      %dma_start3A_204 = arith.constant 0 : i32
      %dma_start3A_205 = tpu.memref_slice %arg10[%dma_start3A_203, %dma_start3A_204] : memref<512x16xf32, #tpu.memory_space<vmem>> -> memref<128x16xf32, #tpu.memory_space<vmem>>
      %dma_start3A_206 = arith.constant 0 : i32
      %dma_start3A_207 = tpu.memref_slice %arg8[%add3A_202, %dma_start3A_206] : memref<80x128xi32, #tpu.memory_space<vmem>> -> memref<1x128xi32, #tpu.memory_space<vmem>>
      %dma_start3A_208 = tpu.memref_squeeze %dma_start3A_207 : memref<1x128xi32, #tpu.memory_space<vmem>> -> memref<128xi32, #tpu.memory_space<vmem>>
      %dma_start3A_209 = arith.constant 0 : i32
      %dma_start3A_210 = arith.constant 0 : i32
      %dma_start3A_211 = tpu.memref_slice %arg13[%dma_start3A_209, %dma_start3A_210] : memref<10240x16xf32, #tpu.memory_space<vmem_shared>> -> memref<10240x16xf32, #tpu.memory_space<vmem_shared>>
      tpu.enqueue_indirect_dma source(%dma_start3A_205 : memref<128x16xf32, #tpu.memory_space<vmem>>) target(%dma_start3A_211 : memref<10240x16xf32, #tpu.memory_space<vmem_shared>>) offsets(%dma_start3A_208 : memref<128xi32, #tpu.memory_space<vmem>>) semaphore(%arg19 : memref<!tpu.dma_semaphore, #tpu.memory_space<semaphore_mem>>) {add = true}
      %mul3A_212 = arith.constant 4 : i32
      %mul3A_213 = arith.muli %mul3A_212, %add3A_179 : i32
      %add3A_214 = arith.constant 2 : i32
      %add3A_215 = arith.addi %mul3A_213, %add3A_214 : i32
      %dma_start3A_216 = arith.constant 256 : i32
      %dma_start3A_217 = arith.constant 0 : i32
      %dma_start3A_218 = tpu.memref_slice %arg10[%dma_start3A_216, %dma_start3A_217] : memref<512x16xf32, #tpu.memory_space<vmem>> -> memref<128x16xf32, #tpu.memory_space<vmem>>
      %dma_start3A_219 = arith.constant 0 : i32
      %dma_start3A_220 = tpu.memref_slice %arg8[%add3A_215, %dma_start3A_219] : memref<80x128xi32, #tpu.memory_space<vmem>> -> memref<1x128xi32, #tpu.memory_space<vmem>>
      %dma_start3A_221 = tpu.memref_squeeze %dma_start3A_220 : memref<1x128xi32, #tpu.memory_space<vmem>> -> memref<128xi32, #tpu.memory_space<vmem>>
      %dma_start3A_222 = arith.constant 0 : i32
      %dma_start3A_223 = arith.constant 0 : i32
      %dma_start3A_224 = tpu.memref_slice %arg13[%dma_start3A_222, %dma_start3A_223] : memref<10240x16xf32, #tpu.memory_space<vmem_shared>> -> memref<10240x16xf32, #tpu.memory_space<vmem_shared>>
      tpu.enqueue_indirect_dma source(%dma_start3A_218 : memref<128x16xf32, #tpu.memory_space<vmem>>) target(%dma_start3A_224 : memref<10240x16xf32, #tpu.memory_space<vmem_shared>>) offsets(%dma_start3A_221 : memref<128xi32, #tpu.memory_space<vmem>>) semaphore(%arg19 : memref<!tpu.dma_semaphore, #tpu.memory_space<semaphore_mem>>) {add = true}
      %mul3A_225 = arith.constant 4 : i32
      %mul3A_226 = arith.muli %mul3A_225, %add3A_179 : i32
      %add3A_227 = arith.constant 3 : i32
      %add3A_228 = arith.addi %mul3A_226, %add3A_227 : i32
      %dma_start3A_229 = arith.constant 384 : i32
      %dma_start3A_230 = arith.constant 0 : i32
      %dma_start3A_231 = tpu.memref_slice %arg10[%dma_start3A_229, %dma_start3A_230] : memref<512x16xf32, #tpu.memory_space<vmem>> -> memref<128x16xf32, #tpu.memory_space<vmem>>
      %dma_start3A_232 = arith.constant 0 : i32
      %dma_start3A_233 = tpu.memref_slice %arg8[%add3A_228, %dma_start3A_232] : memref<80x128xi32, #tpu.memory_space<vmem>> -> memref<1x128xi32, #tpu.memory_space<vmem>>
      %dma_start3A_234 = tpu.memref_squeeze %dma_start3A_233 : memref<1x128xi32, #tpu.memory_space<vmem>> -> memref<128xi32, #tpu.memory_space<vmem>>
      %dma_start3A_235 = arith.constant 0 : i32
      %dma_start3A_236 = arith.constant 0 : i32
      %dma_start3A_237 = tpu.memref_slice %arg13[%dma_start3A_235, %dma_start3A_236] : memref<10240x16xf32, #tpu.memory_space<vmem_shared>> -> memref<10240x16xf32, #tpu.memory_space<vmem_shared>>
      tpu.enqueue_indirect_dma source(%dma_start3A_231 : memref<128x16xf32, #tpu.memory_space<vmem>>) target(%dma_start3A_237 : memref<10240x16xf32, #tpu.memory_space<vmem_shared>>) offsets(%dma_start3A_234 : memref<128xi32, #tpu.memory_space<vmem>>) semaphore(%arg19 : memref<!tpu.dma_semaphore, #tpu.memory_space<semaphore_mem>>) {add = true}
      %add3A_238 = arith.constant 2 : i32
      %add3A_239 = arith.addi %add3A_179, %add3A_238 : i32
      %lt3A_240 = arith.constant 20 : i32
      %lt3A_241 = arith.cmpi slt, %add3A_239, %lt3A_240 : i32
      %convert_element_type3A_242 = arith.extui %lt3A_241 : i1 to i32
      %cond3A_243 = arith.constant 0 : i32
      %cond3A_244 = arith.cmpi ne, %convert_element_type3A_242, %cond3A_243 : i32
      scf.if %cond3A_244 {
        %ge3A = arith.constant 2 : i32
        %ge3A_379 = arith.cmpi sge, %add3A_179, %ge3A : i32
        %convert_element_type3A_380 = arith.extui %ge3A_379 : i1 to i32
        %cond3A_381 = arith.constant 0 : i32
        %cond3A_382 = arith.cmpi ne, %convert_element_type3A_380, %cond3A_381 : i32
        scf.if %cond3A_382 {
          %dma_wait3A_435 = arith.constant 0 : i32
          %dma_wait3A_436 = arith.constant 0 : i32
          %dma_wait3A_437 = tpu.memref_slice %arg2[%dma_wait3A_435, %dma_wait3A_436] : memref<10240x16xf32, #tpu.memory_space<hbm>> -> memref<512x16xf32, #tpu.memory_space<hbm>>
          %dma_wait3A_438 = arith.constant 0 : i32
          %dma_wait3A_439 = arith.constant 0 : i32
          %dma_wait3A_440 = tpu.memref_slice %arg2[%dma_wait3A_438, %dma_wait3A_439] : memref<10240x16xf32, #tpu.memory_space<hbm>> -> memref<512x16xf32, #tpu.memory_space<hbm>>
          tpu.wait_dma2 semaphore(%arg21 : memref<!tpu.dma_semaphore, #tpu.memory_space<semaphore_mem>>) src(%dma_wait3A_440 : memref<512x16xf32, #tpu.memory_space<hbm>>) dst(%arg12 : memref<512x16xf32, #tpu.memory_space<vmem>>)
        } else {
        }
        %mul3A_383 = arith.constant 4 : i32
        %mul3A_384 = arith.muli %mul3A_383, %add3A_239 : i32
        %add3A_385 = arith.constant 0 : i32
        %add3A_386 = arith.addi %mul3A_384, %add3A_385 : i32
        %dma_start3A_387 = arith.constant 0 : i32
        %dma_start3A_388 = arith.constant 0 : i32
        %dma_start3A_389 = tpu.memref_slice %arg12[%dma_start3A_387, %dma_start3A_388] : memref<512x16xf32, #tpu.memory_space<vmem>> -> memref<128x16xf32, #tpu.memory_space<vmem>>
        %dma_start3A_390 = arith.constant 0 : i32
        %dma_start3A_391 = tpu.memref_slice %arg7[%add3A_386, %dma_start3A_390] : memref<80x128xi32, #tpu.memory_space<vmem>> -> memref<1x128xi32, #tpu.memory_space<vmem>>
        %dma_start3A_392 = tpu.memref_squeeze %dma_start3A_391 : memref<1x128xi32, #tpu.memory_space<vmem>> -> memref<128xi32, #tpu.memory_space<vmem>>
        %dma_start3A_393 = arith.constant 0 : i32
        %dma_start3A_394 = arith.constant 0 : i32
        %dma_start3A_395 = tpu.memref_slice %arg2[%dma_start3A_393, %dma_start3A_394] : memref<10240x16xf32, #tpu.memory_space<hbm>> -> memref<10240x16xf32, #tpu.memory_space<hbm>>
        tpu.enqueue_indirect_dma source(%dma_start3A_395 : memref<10240x16xf32, #tpu.memory_space<hbm>>) target(%dma_start3A_389 : memref<128x16xf32, #tpu.memory_space<vmem>>) offsets(%dma_start3A_392 : memref<128xi32, #tpu.memory_space<vmem>>) semaphore(%arg17 : memref<!tpu.dma_semaphore, #tpu.memory_space<semaphore_mem>>)
        %mul3A_396 = arith.constant 4 : i32
        %mul3A_397 = arith.muli %mul3A_396, %add3A_239 : i32
        %add3A_398 = arith.constant 1 : i32
        %add3A_399 = arith.addi %mul3A_397, %add3A_398 : i32
        %dma_start3A_400 = arith.constant 128 : i32
        %dma_start3A_401 = arith.constant 0 : i32
        %dma_start3A_402 = tpu.memref_slice %arg12[%dma_start3A_400, %dma_start3A_401] : memref<512x16xf32, #tpu.memory_space<vmem>> -> memref<128x16xf32, #tpu.memory_space<vmem>>
        %dma_start3A_403 = arith.constant 0 : i32
        %dma_start3A_404 = tpu.memref_slice %arg7[%add3A_399, %dma_start3A_403] : memref<80x128xi32, #tpu.memory_space<vmem>> -> memref<1x128xi32, #tpu.memory_space<vmem>>
        %dma_start3A_405 = tpu.memref_squeeze %dma_start3A_404 : memref<1x128xi32, #tpu.memory_space<vmem>> -> memref<128xi32, #tpu.memory_space<vmem>>
        %dma_start3A_406 = arith.constant 0 : i32
        %dma_start3A_407 = arith.constant 0 : i32
        %dma_start3A_408 = tpu.memref_slice %arg2[%dma_start3A_406, %dma_start3A_407] : memref<10240x16xf32, #tpu.memory_space<hbm>> -> memref<10240x16xf32, #tpu.memory_space<hbm>>
        tpu.enqueue_indirect_dma source(%dma_start3A_408 : memref<10240x16xf32, #tpu.memory_space<hbm>>) target(%dma_start3A_402 : memref<128x16xf32, #tpu.memory_space<vmem>>) offsets(%dma_start3A_405 : memref<128xi32, #tpu.memory_space<vmem>>) semaphore(%arg17 : memref<!tpu.dma_semaphore, #tpu.memory_space<semaphore_mem>>)
        %mul3A_409 = arith.constant 4 : i32
        %mul3A_410 = arith.muli %mul3A_409, %add3A_239 : i32
        %add3A_411 = arith.constant 2 : i32
        %add3A_412 = arith.addi %mul3A_410, %add3A_411 : i32
        %dma_start3A_413 = arith.constant 256 : i32
        %dma_start3A_414 = arith.constant 0 : i32
        %dma_start3A_415 = tpu.memref_slice %arg12[%dma_start3A_413, %dma_start3A_414] : memref<512x16xf32, #tpu.memory_space<vmem>> -> memref<128x16xf32, #tpu.memory_space<vmem>>
        %dma_start3A_416 = arith.constant 0 : i32
        %dma_start3A_417 = tpu.memref_slice %arg7[%add3A_412, %dma_start3A_416] : memref<80x128xi32, #tpu.memory_space<vmem>> -> memref<1x128xi32, #tpu.memory_space<vmem>>
        %dma_start3A_418 = tpu.memref_squeeze %dma_start3A_417 : memref<1x128xi32, #tpu.memory_space<vmem>> -> memref<128xi32, #tpu.memory_space<vmem>>
        %dma_start3A_419 = arith.constant 0 : i32
        %dma_start3A_420 = arith.constant 0 : i32
        %dma_start3A_421 = tpu.memref_slice %arg2[%dma_start3A_419, %dma_start3A_420] : memref<10240x16xf32, #tpu.memory_space<hbm>> -> memref<10240x16xf32, #tpu.memory_space<hbm>>
        tpu.enqueue_indirect_dma source(%dma_start3A_421 : memref<10240x16xf32, #tpu.memory_space<hbm>>) target(%dma_start3A_415 : memref<128x16xf32, #tpu.memory_space<vmem>>) offsets(%dma_start3A_418 : memref<128xi32, #tpu.memory_space<vmem>>) semaphore(%arg17 : memref<!tpu.dma_semaphore, #tpu.memory_space<semaphore_mem>>)
        %mul3A_422 = arith.constant 4 : i32
        %mul3A_423 = arith.muli %mul3A_422, %add3A_239 : i32
        %add3A_424 = arith.constant 3 : i32
        %add3A_425 = arith.addi %mul3A_423, %add3A_424 : i32
        %dma_start3A_426 = arith.constant 384 : i32
        %dma_start3A_427 = arith.constant 0 : i32
        %dma_start3A_428 = tpu.memref_slice %arg12[%dma_start3A_426, %dma_start3A_427] : memref<512x16xf32, #tpu.memory_space<vmem>> -> memref<128x16xf32, #tpu.memory_space<vmem>>
        %dma_start3A_429 = arith.constant 0 : i32
        %dma_start3A_430 = tpu.memref_slice %arg7[%add3A_425, %dma_start3A_429] : memref<80x128xi32, #tpu.memory_space<vmem>> -> memref<1x128xi32, #tpu.memory_space<vmem>>
        %dma_start3A_431 = tpu.memref_squeeze %dma_start3A_430 : memref<1x128xi32, #tpu.memory_space<vmem>> -> memref<128xi32, #tpu.memory_space<vmem>>
        %dma_start3A_432 = arith.constant 0 : i32
        %dma_start3A_433 = arith.constant 0 : i32
        %dma_start3A_434 = tpu.memref_slice %arg2[%dma_start3A_432, %dma_start3A_433] : memref<10240x16xf32, #tpu.memory_space<hbm>> -> memref<10240x16xf32, #tpu.memory_space<hbm>>
        tpu.enqueue_indirect_dma source(%dma_start3A_434 : memref<10240x16xf32, #tpu.memory_space<hbm>>) target(%dma_start3A_428 : memref<128x16xf32, #tpu.memory_space<vmem>>) offsets(%dma_start3A_431 : memref<128xi32, #tpu.memory_space<vmem>>) semaphore(%arg17 : memref<!tpu.dma_semaphore, #tpu.memory_space<semaphore_mem>>)
      } else {
      }
      %add3A_245 = arith.constant 2 : i32
      %add3A_246 = arith.addi %mul3A_113, %add3A_245 : i32
      %dma_wait3A_247 = arith.constant 0 : i32
      %dma_wait3A_248 = arith.constant 0 : i32
      %dma_wait3A_249 = tpu.memref_slice %arg2[%dma_wait3A_247, %dma_wait3A_248] : memref<10240x16xf32, #tpu.memory_space<hbm>> -> memref<512x16xf32, #tpu.memory_space<hbm>>
      %dma_wait3A_250 = arith.constant 0 : i32
      %dma_wait3A_251 = arith.constant 0 : i32
      %dma_wait3A_252 = tpu.memref_slice %arg2[%dma_wait3A_250, %dma_wait3A_251] : memref<10240x16xf32, #tpu.memory_space<hbm>> -> memref<512x16xf32, #tpu.memory_space<hbm>>
      tpu.wait_dma2 semaphore(%arg16 : memref<!tpu.dma_semaphore, #tpu.memory_space<semaphore_mem>>) src(%dma_wait3A_252 : memref<512x16xf32, #tpu.memory_space<hbm>>) dst(%arg11 : memref<512x16xf32, #tpu.memory_space<vmem>>)
      %mul3A_253 = arith.constant 4 : i32
      %mul3A_254 = arith.muli %mul3A_253, %add3A_246 : i32
      %add3A_255 = arith.constant 0 : i32
      %add3A_256 = arith.addi %mul3A_254, %add3A_255 : i32
      %dma_start3A_257 = arith.constant 0 : i32
      %dma_start3A_258 = arith.constant 0 : i32
      %dma_start3A_259 = tpu.memref_slice %arg11[%dma_start3A_257, %dma_start3A_258] : memref<512x16xf32, #tpu.memory_space<vmem>> -> memref<128x16xf32, #tpu.memory_space<vmem>>
      %dma_start3A_260 = arith.constant 0 : i32
      %dma_start3A_261 = tpu.memref_slice %arg8[%add3A_256, %dma_start3A_260] : memref<80x128xi32, #tpu.memory_space<vmem>> -> memref<1x128xi32, #tpu.memory_space<vmem>>
      %dma_start3A_262 = tpu.memref_squeeze %dma_start3A_261 : memref<1x128xi32, #tpu.memory_space<vmem>> -> memref<128xi32, #tpu.memory_space<vmem>>
      %dma_start3A_263 = arith.constant 0 : i32
      %dma_start3A_264 = arith.constant 0 : i32
      %dma_start3A_265 = tpu.memref_slice %arg13[%dma_start3A_263, %dma_start3A_264] : memref<10240x16xf32, #tpu.memory_space<vmem_shared>> -> memref<10240x16xf32, #tpu.memory_space<vmem_shared>>
      tpu.enqueue_indirect_dma source(%dma_start3A_259 : memref<128x16xf32, #tpu.memory_space<vmem>>) target(%dma_start3A_265 : memref<10240x16xf32, #tpu.memory_space<vmem_shared>>) offsets(%dma_start3A_262 : memref<128xi32, #tpu.memory_space<vmem>>) semaphore(%arg20 : memref<!tpu.dma_semaphore, #tpu.memory_space<semaphore_mem>>) {add = true}
      %mul3A_266 = arith.constant 4 : i32
      %mul3A_267 = arith.muli %mul3A_266, %add3A_246 : i32
      %add3A_268 = arith.constant 1 : i32
      %add3A_269 = arith.addi %mul3A_267, %add3A_268 : i32
      %dma_start3A_270 = arith.constant 128 : i32
      %dma_start3A_271 = arith.constant 0 : i32
      %dma_start3A_272 = tpu.memref_slice %arg11[%dma_start3A_270, %dma_start3A_271] : memref<512x16xf32, #tpu.memory_space<vmem>> -> memref<128x16xf32, #tpu.memory_space<vmem>>
      %dma_start3A_273 = arith.constant 0 : i32
      %dma_start3A_274 = tpu.memref_slice %arg8[%add3A_269, %dma_start3A_273] : memref<80x128xi32, #tpu.memory_space<vmem>> -> memref<1x128xi32, #tpu.memory_space<vmem>>
      %dma_start3A_275 = tpu.memref_squeeze %dma_start3A_274 : memref<1x128xi32, #tpu.memory_space<vmem>> -> memref<128xi32, #tpu.memory_space<vmem>>
      %dma_start3A_276 = arith.constant 0 : i32
      %dma_start3A_277 = arith.constant 0 : i32
      %dma_start3A_278 = tpu.memref_slice %arg13[%dma_start3A_276, %dma_start3A_277] : memref<10240x16xf32, #tpu.memory_space<vmem_shared>> -> memref<10240x16xf32, #tpu.memory_space<vmem_shared>>
      tpu.enqueue_indirect_dma source(%dma_start3A_272 : memref<128x16xf32, #tpu.memory_space<vmem>>) target(%dma_start3A_278 : memref<10240x16xf32, #tpu.memory_space<vmem_shared>>) offsets(%dma_start3A_275 : memref<128xi32, #tpu.memory_space<vmem>>) semaphore(%arg20 : memref<!tpu.dma_semaphore, #tpu.memory_space<semaphore_mem>>) {add = true}
      %mul3A_279 = arith.constant 4 : i32
      %mul3A_280 = arith.muli %mul3A_279, %add3A_246 : i32
      %add3A_281 = arith.constant 2 : i32
      %add3A_282 = arith.addi %mul3A_280, %add3A_281 : i32
      %dma_start3A_283 = arith.constant 256 : i32
      %dma_start3A_284 = arith.constant 0 : i32
      %dma_start3A_285 = tpu.memref_slice %arg11[%dma_start3A_283, %dma_start3A_284] : memref<512x16xf32, #tpu.memory_space<vmem>> -> memref<128x16xf32, #tpu.memory_space<vmem>>
      %dma_start3A_286 = arith.constant 0 : i32
      %dma_start3A_287 = tpu.memref_slice %arg8[%add3A_282, %dma_start3A_286] : memref<80x128xi32, #tpu.memory_space<vmem>> -> memref<1x128xi32, #tpu.memory_space<vmem>>
      %dma_start3A_288 = tpu.memref_squeeze %dma_start3A_287 : memref<1x128xi32, #tpu.memory_space<vmem>> -> memref<128xi32, #tpu.memory_space<vmem>>
      %dma_start3A_289 = arith.constant 0 : i32
      %dma_start3A_290 = arith.constant 0 : i32
      %dma_start3A_291 = tpu.memref_slice %arg13[%dma_start3A_289, %dma_start3A_290] : memref<10240x16xf32, #tpu.memory_space<vmem_shared>> -> memref<10240x16xf32, #tpu.memory_space<vmem_shared>>
      tpu.enqueue_indirect_dma source(%dma_start3A_285 : memref<128x16xf32, #tpu.memory_space<vmem>>) target(%dma_start3A_291 : memref<10240x16xf32, #tpu.memory_space<vmem_shared>>) offsets(%dma_start3A_288 : memref<128xi32, #tpu.memory_space<vmem>>) semaphore(%arg20 : memref<!tpu.dma_semaphore, #tpu.memory_space<semaphore_mem>>) {add = true}
      %mul3A_292 = arith.constant 4 : i32
      %mul3A_293 = arith.muli %mul3A_292, %add3A_246 : i32
      %add3A_294 = arith.constant 3 : i32
      %add3A_295 = arith.addi %mul3A_293, %add3A_294 : i32
      %dma_start3A_296 = arith.constant 384 : i32
      %dma_start3A_297 = arith.constant 0 : i32
      %dma_start3A_298 = tpu.memref_slice %arg11[%dma_start3A_296, %dma_start3A_297] : memref<512x16xf32, #tpu.memory_space<vmem>> -> memref<128x16xf32, #tpu.memory_space<vmem>>
      %dma_start3A_299 = arith.constant 0 : i32
      %dma_start3A_300 = tpu.memref_slice %arg8[%add3A_295, %dma_start3A_299] : memref<80x128xi32, #tpu.memory_space<vmem>> -> memref<1x128xi32, #tpu.memory_space<vmem>>
      %dma_start3A_301 = tpu.memref_squeeze %dma_start3A_300 : memref<1x128xi32, #tpu.memory_space<vmem>> -> memref<128xi32, #tpu.memory_space<vmem>>
      %dma_start3A_302 = arith.constant 0 : i32
      %dma_start3A_303 = arith.constant 0 : i32
      %dma_start3A_304 = tpu.memref_slice %arg13[%dma_start3A_302, %dma_start3A_303] : memref<10240x16xf32, #tpu.memory_space<vmem_shared>> -> memref<10240x16xf32, #tpu.memory_space<vmem_shared>>
      tpu.enqueue_indirect_dma source(%dma_start3A_298 : memref<128x16xf32, #tpu.memory_space<vmem>>) target(%dma_start3A_304 : memref<10240x16xf32, #tpu.memory_space<vmem_shared>>) offsets(%dma_start3A_301 : memref<128xi32, #tpu.memory_space<vmem>>) semaphore(%arg20 : memref<!tpu.dma_semaphore, #tpu.memory_space<semaphore_mem>>) {add = true}
      %add3A_305 = arith.constant 2 : i32
      %add3A_306 = arith.addi %add3A_246, %add3A_305 : i32
      %lt3A_307 = arith.constant 20 : i32
      %lt3A_308 = arith.cmpi slt, %add3A_306, %lt3A_307 : i32
      %convert_element_type3A_309 = arith.extui %lt3A_308 : i1 to i32
      %cond3A_310 = arith.constant 0 : i32
      %cond3A_311 = arith.cmpi ne, %convert_element_type3A_309, %cond3A_310 : i32
      scf.if %cond3A_311 {
        %ge3A = arith.constant 2 : i32
        %ge3A_379 = arith.cmpi sge, %add3A_246, %ge3A : i32
        %convert_element_type3A_380 = arith.extui %ge3A_379 : i1 to i32
        %cond3A_381 = arith.constant 0 : i32
        %cond3A_382 = arith.cmpi ne, %convert_element_type3A_380, %cond3A_381 : i32
        scf.if %cond3A_382 {
          %dma_wait3A_435 = arith.constant 0 : i32
          %dma_wait3A_436 = arith.constant 0 : i32
          %dma_wait3A_437 = tpu.memref_slice %arg2[%dma_wait3A_435, %dma_wait3A_436] : memref<10240x16xf32, #tpu.memory_space<hbm>> -> memref<512x16xf32, #tpu.memory_space<hbm>>
          %dma_wait3A_438 = arith.constant 0 : i32
          %dma_wait3A_439 = arith.constant 0 : i32
          %dma_wait3A_440 = tpu.memref_slice %arg2[%dma_wait3A_438, %dma_wait3A_439] : memref<10240x16xf32, #tpu.memory_space<hbm>> -> memref<512x16xf32, #tpu.memory_space<hbm>>
          tpu.wait_dma2 semaphore(%arg18 : memref<!tpu.dma_semaphore, #tpu.memory_space<semaphore_mem>>) src(%dma_wait3A_440 : memref<512x16xf32, #tpu.memory_space<hbm>>) dst(%arg9 : memref<512x16xf32, #tpu.memory_space<vmem>>)
        } else {
        }
        %mul3A_383 = arith.constant 4 : i32
        %mul3A_384 = arith.muli %mul3A_383, %add3A_306 : i32
        %add3A_385 = arith.constant 0 : i32
        %add3A_386 = arith.addi %mul3A_384, %add3A_385 : i32
        %dma_start3A_387 = arith.constant 0 : i32
        %dma_start3A_388 = arith.constant 0 : i32
        %dma_start3A_389 = tpu.memref_slice %arg9[%dma_start3A_387, %dma_start3A_388] : memref<512x16xf32, #tpu.memory_space<vmem>> -> memref<128x16xf32, #tpu.memory_space<vmem>>
        %dma_start3A_390 = arith.constant 0 : i32
        %dma_start3A_391 = tpu.memref_slice %arg7[%add3A_386, %dma_start3A_390] : memref<80x128xi32, #tpu.memory_space<vmem>> -> memref<1x128xi32, #tpu.memory_space<vmem>>
        %dma_start3A_392 = tpu.memref_squeeze %dma_start3A_391 : memref<1x128xi32, #tpu.memory_space<vmem>> -> memref<128xi32, #tpu.memory_space<vmem>>
        %dma_start3A_393 = arith.constant 0 : i32
        %dma_start3A_394 = arith.constant 0 : i32
        %dma_start3A_395 = tpu.memref_slice %arg2[%dma_start3A_393, %dma_start3A_394] : memref<10240x16xf32, #tpu.memory_space<hbm>> -> memref<10240x16xf32, #tpu.memory_space<hbm>>
        tpu.enqueue_indirect_dma source(%dma_start3A_395 : memref<10240x16xf32, #tpu.memory_space<hbm>>) target(%dma_start3A_389 : memref<128x16xf32, #tpu.memory_space<vmem>>) offsets(%dma_start3A_392 : memref<128xi32, #tpu.memory_space<vmem>>) semaphore(%arg14 : memref<!tpu.dma_semaphore, #tpu.memory_space<semaphore_mem>>)
        %mul3A_396 = arith.constant 4 : i32
        %mul3A_397 = arith.muli %mul3A_396, %add3A_306 : i32
        %add3A_398 = arith.constant 1 : i32
        %add3A_399 = arith.addi %mul3A_397, %add3A_398 : i32
        %dma_start3A_400 = arith.constant 128 : i32
        %dma_start3A_401 = arith.constant 0 : i32
        %dma_start3A_402 = tpu.memref_slice %arg9[%dma_start3A_400, %dma_start3A_401] : memref<512x16xf32, #tpu.memory_space<vmem>> -> memref<128x16xf32, #tpu.memory_space<vmem>>
        %dma_start3A_403 = arith.constant 0 : i32
        %dma_start3A_404 = tpu.memref_slice %arg7[%add3A_399, %dma_start3A_403] : memref<80x128xi32, #tpu.memory_space<vmem>> -> memref<1x128xi32, #tpu.memory_space<vmem>>
        %dma_start3A_405 = tpu.memref_squeeze %dma_start3A_404 : memref<1x128xi32, #tpu.memory_space<vmem>> -> memref<128xi32, #tpu.memory_space<vmem>>
        %dma_start3A_406 = arith.constant 0 : i32
        %dma_start3A_407 = arith.constant 0 : i32
        %dma_start3A_408 = tpu.memref_slice %arg2[%dma_start3A_406, %dma_start3A_407] : memref<10240x16xf32, #tpu.memory_space<hbm>> -> memref<10240x16xf32, #tpu.memory_space<hbm>>
        tpu.enqueue_indirect_dma source(%dma_start3A_408 : memref<10240x16xf32, #tpu.memory_space<hbm>>) target(%dma_start3A_402 : memref<128x16xf32, #tpu.memory_space<vmem>>) offsets(%dma_start3A_405 : memref<128xi32, #tpu.memory_space<vmem>>) semaphore(%arg14 : memref<!tpu.dma_semaphore, #tpu.memory_space<semaphore_mem>>)
        %mul3A_409 = arith.constant 4 : i32
        %mul3A_410 = arith.muli %mul3A_409, %add3A_306 : i32
        %add3A_411 = arith.constant 2 : i32
        %add3A_412 = arith.addi %mul3A_410, %add3A_411 : i32
        %dma_start3A_413 = arith.constant 256 : i32
        %dma_start3A_414 = arith.constant 0 : i32
        %dma_start3A_415 = tpu.memref_slice %arg9[%dma_start3A_413, %dma_start3A_414] : memref<512x16xf32, #tpu.memory_space<vmem>> -> memref<128x16xf32, #tpu.memory_space<vmem>>
        %dma_start3A_416 = arith.constant 0 : i32
        %dma_start3A_417 = tpu.memref_slice %arg7[%add3A_412, %dma_start3A_416] : memref<80x128xi32, #tpu.memory_space<vmem>> -> memref<1x128xi32, #tpu.memory_space<vmem>>
        %dma_start3A_418 = tpu.memref_squeeze %dma_start3A_417 : memref<1x128xi32, #tpu.memory_space<vmem>> -> memref<128xi32, #tpu.memory_space<vmem>>
        %dma_start3A_419 = arith.constant 0 : i32
        %dma_start3A_420 = arith.constant 0 : i32
        %dma_start3A_421 = tpu.memref_slice %arg2[%dma_start3A_419, %dma_start3A_420] : memref<10240x16xf32, #tpu.memory_space<hbm>> -> memref<10240x16xf32, #tpu.memory_space<hbm>>
        tpu.enqueue_indirect_dma source(%dma_start3A_421 : memref<10240x16xf32, #tpu.memory_space<hbm>>) target(%dma_start3A_415 : memref<128x16xf32, #tpu.memory_space<vmem>>) offsets(%dma_start3A_418 : memref<128xi32, #tpu.memory_space<vmem>>) semaphore(%arg14 : memref<!tpu.dma_semaphore, #tpu.memory_space<semaphore_mem>>)
        %mul3A_422 = arith.constant 4 : i32
        %mul3A_423 = arith.muli %mul3A_422, %add3A_306 : i32
        %add3A_424 = arith.constant 3 : i32
        %add3A_425 = arith.addi %mul3A_423, %add3A_424 : i32
        %dma_start3A_426 = arith.constant 384 : i32
        %dma_start3A_427 = arith.constant 0 : i32
        %dma_start3A_428 = tpu.memref_slice %arg9[%dma_start3A_426, %dma_start3A_427] : memref<512x16xf32, #tpu.memory_space<vmem>> -> memref<128x16xf32, #tpu.memory_space<vmem>>
        %dma_start3A_429 = arith.constant 0 : i32
        %dma_start3A_430 = tpu.memref_slice %arg7[%add3A_425, %dma_start3A_429] : memref<80x128xi32, #tpu.memory_space<vmem>> -> memref<1x128xi32, #tpu.memory_space<vmem>>
        %dma_start3A_431 = tpu.memref_squeeze %dma_start3A_430 : memref<1x128xi32, #tpu.memory_space<vmem>> -> memref<128xi32, #tpu.memory_space<vmem>>
        %dma_start3A_432 = arith.constant 0 : i32
        %dma_start3A_433 = arith.constant 0 : i32
        %dma_start3A_434 = tpu.memref_slice %arg2[%dma_start3A_432, %dma_start3A_433] : memref<10240x16xf32, #tpu.memory_space<hbm>> -> memref<10240x16xf32, #tpu.memory_space<hbm>>
        tpu.enqueue_indirect_dma source(%dma_start3A_434 : memref<10240x16xf32, #tpu.memory_space<hbm>>) target(%dma_start3A_428 : memref<128x16xf32, #tpu.memory_space<vmem>>) offsets(%dma_start3A_431 : memref<128xi32, #tpu.memory_space<vmem>>) semaphore(%arg14 : memref<!tpu.dma_semaphore, #tpu.memory_space<semaphore_mem>>)
      } else {
      }
      %add3A_312 = arith.constant 3 : i32
      %add3A_313 = arith.addi %mul3A_113, %add3A_312 : i32
      %dma_wait3A_314 = arith.constant 0 : i32
      %dma_wait3A_315 = arith.constant 0 : i32
      %dma_wait3A_316 = tpu.memref_slice %arg2[%dma_wait3A_314, %dma_wait3A_315] : memref<10240x16xf32, #tpu.memory_space<hbm>> -> memref<512x16xf32, #tpu.memory_space<hbm>>
      %dma_wait3A_317 = arith.constant 0 : i32
      %dma_wait3A_318 = arith.constant 0 : i32
      %dma_wait3A_319 = tpu.memref_slice %arg2[%dma_wait3A_317, %dma_wait3A_318] : memref<10240x16xf32, #tpu.memory_space<hbm>> -> memref<512x16xf32, #tpu.memory_space<hbm>>
      tpu.wait_dma2 semaphore(%arg17 : memref<!tpu.dma_semaphore, #tpu.memory_space<semaphore_mem>>) src(%dma_wait3A_319 : memref<512x16xf32, #tpu.memory_space<hbm>>) dst(%arg12 : memref<512x16xf32, #tpu.memory_space<vmem>>)
      %mul3A_320 = arith.constant 4 : i32
      %mul3A_321 = arith.muli %mul3A_320, %add3A_313 : i32
      %add3A_322 = arith.constant 0 : i32
      %add3A_323 = arith.addi %mul3A_321, %add3A_322 : i32
      %dma_start3A_324 = arith.constant 0 : i32
      %dma_start3A_325 = arith.constant 0 : i32
      %dma_start3A_326 = tpu.memref_slice %arg12[%dma_start3A_324, %dma_start3A_325] : memref<512x16xf32, #tpu.memory_space<vmem>> -> memref<128x16xf32, #tpu.memory_space<vmem>>
      %dma_start3A_327 = arith.constant 0 : i32
      %dma_start3A_328 = tpu.memref_slice %arg8[%add3A_323, %dma_start3A_327] : memref<80x128xi32, #tpu.memory_space<vmem>> -> memref<1x128xi32, #tpu.memory_space<vmem>>
      %dma_start3A_329 = tpu.memref_squeeze %dma_start3A_328 : memref<1x128xi32, #tpu.memory_space<vmem>> -> memref<128xi32, #tpu.memory_space<vmem>>
      %dma_start3A_330 = arith.constant 0 : i32
      %dma_start3A_331 = arith.constant 0 : i32
      %dma_start3A_332 = tpu.memref_slice %arg13[%dma_start3A_330, %dma_start3A_331] : memref<10240x16xf32, #tpu.memory_space<vmem_shared>> -> memref<10240x16xf32, #tpu.memory_space<vmem_shared>>
      tpu.enqueue_indirect_dma source(%dma_start3A_326 : memref<128x16xf32, #tpu.memory_space<vmem>>) target(%dma_start3A_332 : memref<10240x16xf32, #tpu.memory_space<vmem_shared>>) offsets(%dma_start3A_329 : memref<128xi32, #tpu.memory_space<vmem>>) semaphore(%arg21 : memref<!tpu.dma_semaphore, #tpu.memory_space<semaphore_mem>>) {add = true}
      %mul3A_333 = arith.constant 4 : i32
      %mul3A_334 = arith.muli %mul3A_333, %add3A_313 : i32
      %add3A_335 = arith.constant 1 : i32
      %add3A_336 = arith.addi %mul3A_334, %add3A_335 : i32
      %dma_start3A_337 = arith.constant 128 : i32
      %dma_start3A_338 = arith.constant 0 : i32
      %dma_start3A_339 = tpu.memref_slice %arg12[%dma_start3A_337, %dma_start3A_338] : memref<512x16xf32, #tpu.memory_space<vmem>> -> memref<128x16xf32, #tpu.memory_space<vmem>>
      %dma_start3A_340 = arith.constant 0 : i32
      %dma_start3A_341 = tpu.memref_slice %arg8[%add3A_336, %dma_start3A_340] : memref<80x128xi32, #tpu.memory_space<vmem>> -> memref<1x128xi32, #tpu.memory_space<vmem>>
      %dma_start3A_342 = tpu.memref_squeeze %dma_start3A_341 : memref<1x128xi32, #tpu.memory_space<vmem>> -> memref<128xi32, #tpu.memory_space<vmem>>
      %dma_start3A_343 = arith.constant 0 : i32
      %dma_start3A_344 = arith.constant 0 : i32
      %dma_start3A_345 = tpu.memref_slice %arg13[%dma_start3A_343, %dma_start3A_344] : memref<10240x16xf32, #tpu.memory_space<vmem_shared>> -> memref<10240x16xf32, #tpu.memory_space<vmem_shared>>
      tpu.enqueue_indirect_dma source(%dma_start3A_339 : memref<128x16xf32, #tpu.memory_space<vmem>>) target(%dma_start3A_345 : memref<10240x16xf32, #tpu.memory_space<vmem_shared>>) offsets(%dma_start3A_342 : memref<128xi32, #tpu.memory_space<vmem>>) semaphore(%arg21 : memref<!tpu.dma_semaphore, #tpu.memory_space<semaphore_mem>>) {add = true}
      %mul3A_346 = arith.constant 4 : i32
      %mul3A_347 = arith.muli %mul3A_346, %add3A_313 : i32
      %add3A_348 = arith.constant 2 : i32
      %add3A_349 = arith.addi %mul3A_347, %add3A_348 : i32
      %dma_start3A_350 = arith.constant 256 : i32
      %dma_start3A_351 = arith.constant 0 : i32
      %dma_start3A_352 = tpu.memref_slice %arg12[%dma_start3A_350, %dma_start3A_351] : memref<512x16xf32, #tpu.memory_space<vmem>> -> memref<128x16xf32, #tpu.memory_space<vmem>>
      %dma_start3A_353 = arith.constant 0 : i32
      %dma_start3A_354 = tpu.memref_slice %arg8[%add3A_349, %dma_start3A_353] : memref<80x128xi32, #tpu.memory_space<vmem>> -> memref<1x128xi32, #tpu.memory_space<vmem>>
      %dma_start3A_355 = tpu.memref_squeeze %dma_start3A_354 : memref<1x128xi32, #tpu.memory_space<vmem>> -> memref<128xi32, #tpu.memory_space<vmem>>
      %dma_start3A_356 = arith.constant 0 : i32
      %dma_start3A_357 = arith.constant 0 : i32
      %dma_start3A_358 = tpu.memref_slice %arg13[%dma_start3A_356, %dma_start3A_357] : memref<10240x16xf32, #tpu.memory_space<vmem_shared>> -> memref<10240x16xf32, #tpu.memory_space<vmem_shared>>
      tpu.enqueue_indirect_dma source(%dma_start3A_352 : memref<128x16xf32, #tpu.memory_space<vmem>>) target(%dma_start3A_358 : memref<10240x16xf32, #tpu.memory_space<vmem_shared>>) offsets(%dma_start3A_355 : memref<128xi32, #tpu.memory_space<vmem>>) semaphore(%arg21 : memref<!tpu.dma_semaphore, #tpu.memory_space<semaphore_mem>>) {add = true}
      %mul3A_359 = arith.constant 4 : i32
      %mul3A_360 = arith.muli %mul3A_359, %add3A_313 : i32
      %add3A_361 = arith.constant 3 : i32
      %add3A_362 = arith.addi %mul3A_360, %add3A_361 : i32
      %dma_start3A_363 = arith.constant 384 : i32
      %dma_start3A_364 = arith.constant 0 : i32
      %dma_start3A_365 = tpu.memref_slice %arg12[%dma_start3A_363, %dma_start3A_364] : memref<512x16xf32, #tpu.memory_space<vmem>> -> memref<128x16xf32, #tpu.memory_space<vmem>>
      %dma_start3A_366 = arith.constant 0 : i32
      %dma_start3A_367 = tpu.memref_slice %arg8[%add3A_362, %dma_start3A_366] : memref<80x128xi32, #tpu.memory_space<vmem>> -> memref<1x128xi32, #tpu.memory_space<vmem>>
      %dma_start3A_368 = tpu.memref_squeeze %dma_start3A_367 : memref<1x128xi32, #tpu.memory_space<vmem>> -> memref<128xi32, #tpu.memory_space<vmem>>
      %dma_start3A_369 = arith.constant 0 : i32
      %dma_start3A_370 = arith.constant 0 : i32
      %dma_start3A_371 = tpu.memref_slice %arg13[%dma_start3A_369, %dma_start3A_370] : memref<10240x16xf32, #tpu.memory_space<vmem_shared>> -> memref<10240x16xf32, #tpu.memory_space<vmem_shared>>
      tpu.enqueue_indirect_dma source(%dma_start3A_365 : memref<128x16xf32, #tpu.memory_space<vmem>>) target(%dma_start3A_371 : memref<10240x16xf32, #tpu.memory_space<vmem_shared>>) offsets(%dma_start3A_368 : memref<128xi32, #tpu.memory_space<vmem>>) semaphore(%arg21 : memref<!tpu.dma_semaphore, #tpu.memory_space<semaphore_mem>>) {add = true}
      %add3A_372 = arith.constant 2 : i32
      %add3A_373 = arith.addi %add3A_313, %add3A_372 : i32
      %lt3A_374 = arith.constant 20 : i32
      %lt3A_375 = arith.cmpi slt, %add3A_373, %lt3A_374 : i32
      %convert_element_type3A_376 = arith.extui %lt3A_375 : i1 to i32
      %cond3A_377 = arith.constant 0 : i32
      %cond3A_378 = arith.cmpi ne, %convert_element_type3A_376, %cond3A_377 : i32
      scf.if %cond3A_378 {
        %ge3A = arith.constant 2 : i32
        %ge3A_379 = arith.cmpi sge, %add3A_313, %ge3A : i32
        %convert_element_type3A_380 = arith.extui %ge3A_379 : i1 to i32
        %cond3A_381 = arith.constant 0 : i32
        %cond3A_382 = arith.cmpi ne, %convert_element_type3A_380, %cond3A_381 : i32
        scf.if %cond3A_382 {
          %dma_wait3A_435 = arith.constant 0 : i32
          %dma_wait3A_436 = arith.constant 0 : i32
          %dma_wait3A_437 = tpu.memref_slice %arg2[%dma_wait3A_435, %dma_wait3A_436] : memref<10240x16xf32, #tpu.memory_space<hbm>> -> memref<512x16xf32, #tpu.memory_space<hbm>>
          %dma_wait3A_438 = arith.constant 0 : i32
          %dma_wait3A_439 = arith.constant 0 : i32
          %dma_wait3A_440 = tpu.memref_slice %arg2[%dma_wait3A_438, %dma_wait3A_439] : memref<10240x16xf32, #tpu.memory_space<hbm>> -> memref<512x16xf32, #tpu.memory_space<hbm>>
          tpu.wait_dma2 semaphore(%arg19 : memref<!tpu.dma_semaphore, #tpu.memory_space<semaphore_mem>>) src(%dma_wait3A_440 : memref<512x16xf32, #tpu.memory_space<hbm>>) dst(%arg10 : memref<512x16xf32, #tpu.memory_space<vmem>>)
        } else {
        }
        %mul3A_383 = arith.constant 4 : i32
        %mul3A_384 = arith.muli %mul3A_383, %add3A_373 : i32
        %add3A_385 = arith.constant 0 : i32
        %add3A_386 = arith.addi %mul3A_384, %add3A_385 : i32
        %dma_start3A_387 = arith.constant 0 : i32
        %dma_start3A_388 = arith.constant 0 : i32
        %dma_start3A_389 = tpu.memref_slice %arg10[%dma_start3A_387, %dma_start3A_388] : memref<512x16xf32, #tpu.memory_space<vmem>> -> memref<128x16xf32, #tpu.memory_space<vmem>>
        %dma_start3A_390 = arith.constant 0 : i32
        %dma_start3A_391 = tpu.memref_slice %arg7[%add3A_386, %dma_start3A_390] : memref<80x128xi32, #tpu.memory_space<vmem>> -> memref<1x128xi32, #tpu.memory_space<vmem>>
        %dma_start3A_392 = tpu.memref_squeeze %dma_start3A_391 : memref<1x128xi32, #tpu.memory_space<vmem>> -> memref<128xi32, #tpu.memory_space<vmem>>
        %dma_start3A_393 = arith.constant 0 : i32
        %dma_start3A_394 = arith.constant 0 : i32
        %dma_start3A_395 = tpu.memref_slice %arg2[%dma_start3A_393, %dma_start3A_394] : memref<10240x16xf32, #tpu.memory_space<hbm>> -> memref<10240x16xf32, #tpu.memory_space<hbm>>
        tpu.enqueue_indirect_dma source(%dma_start3A_395 : memref<10240x16xf32, #tpu.memory_space<hbm>>) target(%dma_start3A_389 : memref<128x16xf32, #tpu.memory_space<vmem>>) offsets(%dma_start3A_392 : memref<128xi32, #tpu.memory_space<vmem>>) semaphore(%arg15 : memref<!tpu.dma_semaphore, #tpu.memory_space<semaphore_mem>>)
        %mul3A_396 = arith.constant 4 : i32
        %mul3A_397 = arith.muli %mul3A_396, %add3A_373 : i32
        %add3A_398 = arith.constant 1 : i32
        %add3A_399 = arith.addi %mul3A_397, %add3A_398 : i32
        %dma_start3A_400 = arith.constant 128 : i32
        %dma_start3A_401 = arith.constant 0 : i32
        %dma_start3A_402 = tpu.memref_slice %arg10[%dma_start3A_400, %dma_start3A_401] : memref<512x16xf32, #tpu.memory_space<vmem>> -> memref<128x16xf32, #tpu.memory_space<vmem>>
        %dma_start3A_403 = arith.constant 0 : i32
        %dma_start3A_404 = tpu.memref_slice %arg7[%add3A_399, %dma_start3A_403] : memref<80x128xi32, #tpu.memory_space<vmem>> -> memref<1x128xi32, #tpu.memory_space<vmem>>
        %dma_start3A_405 = tpu.memref_squeeze %dma_start3A_404 : memref<1x128xi32, #tpu.memory_space<vmem>> -> memref<128xi32, #tpu.memory_space<vmem>>
        %dma_start3A_406 = arith.constant 0 : i32
        %dma_start3A_407 = arith.constant 0 : i32
        %dma_start3A_408 = tpu.memref_slice %arg2[%dma_start3A_406, %dma_start3A_407] : memref<10240x16xf32, #tpu.memory_space<hbm>> -> memref<10240x16xf32, #tpu.memory_space<hbm>>
        tpu.enqueue_indirect_dma source(%dma_start3A_408 : memref<10240x16xf32, #tpu.memory_space<hbm>>) target(%dma_start3A_402 : memref<128x16xf32, #tpu.memory_space<vmem>>) offsets(%dma_start3A_405 : memref<128xi32, #tpu.memory_space<vmem>>) semaphore(%arg15 : memref<!tpu.dma_semaphore, #tpu.memory_space<semaphore_mem>>)
        %mul3A_409 = arith.constant 4 : i32
        %mul3A_410 = arith.muli %mul3A_409, %add3A_373 : i32
        %add3A_411 = arith.constant 2 : i32
        %add3A_412 = arith.addi %mul3A_410, %add3A_411 : i32
        %dma_start3A_413 = arith.constant 256 : i32
        %dma_start3A_414 = arith.constant 0 : i32
        %dma_start3A_415 = tpu.memref_slice %arg10[%dma_start3A_413, %dma_start3A_414] : memref<512x16xf32, #tpu.memory_space<vmem>> -> memref<128x16xf32, #tpu.memory_space<vmem>>
        %dma_start3A_416 = arith.constant 0 : i32
        %dma_start3A_417 = tpu.memref_slice %arg7[%add3A_412, %dma_start3A_416] : memref<80x128xi32, #tpu.memory_space<vmem>> -> memref<1x128xi32, #tpu.memory_space<vmem>>
        %dma_start3A_418 = tpu.memref_squeeze %dma_start3A_417 : memref<1x128xi32, #tpu.memory_space<vmem>> -> memref<128xi32, #tpu.memory_space<vmem>>
        %dma_start3A_419 = arith.constant 0 : i32
        %dma_start3A_420 = arith.constant 0 : i32
        %dma_start3A_421 = tpu.memref_slice %arg2[%dma_start3A_419, %dma_start3A_420] : memref<10240x16xf32, #tpu.memory_space<hbm>> -> memref<10240x16xf32, #tpu.memory_space<hbm>>
        tpu.enqueue_indirect_dma source(%dma_start3A_421 : memref<10240x16xf32, #tpu.memory_space<hbm>>) target(%dma_start3A_415 : memref<128x16xf32, #tpu.memory_space<vmem>>) offsets(%dma_start3A_418 : memref<128xi32, #tpu.memory_space<vmem>>) semaphore(%arg15 : memref<!tpu.dma_semaphore, #tpu.memory_space<semaphore_mem>>)
        %mul3A_422 = arith.constant 4 : i32
        %mul3A_423 = arith.muli %mul3A_422, %add3A_373 : i32
        %add3A_424 = arith.constant 3 : i32
        %add3A_425 = arith.addi %mul3A_423, %add3A_424 : i32
        %dma_start3A_426 = arith.constant 384 : i32
        %dma_start3A_427 = arith.constant 0 : i32
        %dma_start3A_428 = tpu.memref_slice %arg10[%dma_start3A_426, %dma_start3A_427] : memref<512x16xf32, #tpu.memory_space<vmem>> -> memref<128x16xf32, #tpu.memory_space<vmem>>
        %dma_start3A_429 = arith.constant 0 : i32
        %dma_start3A_430 = tpu.memref_slice %arg7[%add3A_425, %dma_start3A_429] : memref<80x128xi32, #tpu.memory_space<vmem>> -> memref<1x128xi32, #tpu.memory_space<vmem>>
        %dma_start3A_431 = tpu.memref_squeeze %dma_start3A_430 : memref<1x128xi32, #tpu.memory_space<vmem>> -> memref<128xi32, #tpu.memory_space<vmem>>
        %dma_start3A_432 = arith.constant 0 : i32
        %dma_start3A_433 = arith.constant 0 : i32
        %dma_start3A_434 = tpu.memref_slice %arg2[%dma_start3A_432, %dma_start3A_433] : memref<10240x16xf32, #tpu.memory_space<hbm>> -> memref<10240x16xf32, #tpu.memory_space<hbm>>
        tpu.enqueue_indirect_dma source(%dma_start3A_434 : memref<10240x16xf32, #tpu.memory_space<hbm>>) target(%dma_start3A_428 : memref<128x16xf32, #tpu.memory_space<vmem>>) offsets(%dma_start3A_431 : memref<128xi32, #tpu.memory_space<vmem>>) semaphore(%arg15 : memref<!tpu.dma_semaphore, #tpu.memory_space<semaphore_mem>>)
      } else {
      }
    }
    %scan3A_86 = arith.constant 5 : i32
    %dma_wait3A = arith.constant 0 : i32
    %dma_wait3A_87 = arith.constant 0 : i32
    %dma_wait3A_88 = tpu.memref_slice %arg2[%dma_wait3A, %dma_wait3A_87] : memref<10240x16xf32, #tpu.memory_space<hbm>> -> memref<512x16xf32, #tpu.memory_space<hbm>>
    %dma_wait3A_89 = arith.constant 0 : i32
    %dma_wait3A_90 = arith.constant 0 : i32
    %dma_wait3A_91 = tpu.memref_slice %arg2[%dma_wait3A_89, %dma_wait3A_90] : memref<10240x16xf32, #tpu.memory_space<hbm>> -> memref<512x16xf32, #tpu.memory_space<hbm>>
    tpu.wait_dma2 semaphore(%arg18 : memref<!tpu.dma_semaphore, #tpu.memory_space<semaphore_mem>>) src(%dma_wait3A_91 : memref<512x16xf32, #tpu.memory_space<hbm>>) dst(%arg9 : memref<512x16xf32, #tpu.memory_space<vmem>>)
    %dma_wait3A_92 = arith.constant 0 : i32
    %dma_wait3A_93 = arith.constant 0 : i32
    %dma_wait3A_94 = tpu.memref_slice %arg2[%dma_wait3A_92, %dma_wait3A_93] : memref<10240x16xf32, #tpu.memory_space<hbm>> -> memref<512x16xf32, #tpu.memory_space<hbm>>
    %dma_wait3A_95 = arith.constant 0 : i32
    %dma_wait3A_96 = arith.constant 0 : i32
    %dma_wait3A_97 = tpu.memref_slice %arg2[%dma_wait3A_95, %dma_wait3A_96] : memref<10240x16xf32, #tpu.memory_space<hbm>> -> memref<512x16xf32, #tpu.memory_space<hbm>>
    tpu.wait_dma2 semaphore(%arg19 : memref<!tpu.dma_semaphore, #tpu.memory_space<semaphore_mem>>) src(%dma_wait3A_97 : memref<512x16xf32, #tpu.memory_space<hbm>>) dst(%arg10 : memref<512x16xf32, #tpu.memory_space<vmem>>)
    %dma_wait3A_98 = arith.constant 0 : i32
    %dma_wait3A_99 = arith.constant 0 : i32
    %dma_wait3A_100 = tpu.memref_slice %arg2[%dma_wait3A_98, %dma_wait3A_99] : memref<10240x16xf32, #tpu.memory_space<hbm>> -> memref<512x16xf32, #tpu.memory_space<hbm>>
    %dma_wait3A_101 = arith.constant 0 : i32
    %dma_wait3A_102 = arith.constant 0 : i32
    %dma_wait3A_103 = tpu.memref_slice %arg2[%dma_wait3A_101, %dma_wait3A_102] : memref<10240x16xf32, #tpu.memory_space<hbm>> -> memref<512x16xf32, #tpu.memory_space<hbm>>
    tpu.wait_dma2 semaphore(%arg20 : memref<!tpu.dma_semaphore, #tpu.memory_space<semaphore_mem>>) src(%dma_wait3A_103 : memref<512x16xf32, #tpu.memory_space<hbm>>) dst(%arg11 : memref<512x16xf32, #tpu.memory_space<vmem>>)
    %dma_wait3A_104 = arith.constant 0 : i32
    %dma_wait3A_105 = arith.constant 0 : i32
    %dma_wait3A_106 = tpu.memref_slice %arg2[%dma_wait3A_104, %dma_wait3A_105] : memref<10240x16xf32, #tpu.memory_space<hbm>> -> memref<512x16xf32, #tpu.memory_space<hbm>>
    %dma_wait3A_107 = arith.constant 0 : i32
    %dma_wait3A_108 = arith.constant 0 : i32
    %dma_wait3A_109 = tpu.memref_slice %arg2[%dma_wait3A_107, %dma_wait3A_108] : memref<10240x16xf32, #tpu.memory_space<hbm>> -> memref<512x16xf32, #tpu.memory_space<hbm>>
    tpu.wait_dma2 semaphore(%arg21 : memref<!tpu.dma_semaphore, #tpu.memory_space<semaphore_mem>>) src(%dma_wait3A_109 : memref<512x16xf32, #tpu.memory_space<hbm>>) dst(%arg12 : memref<512x16xf32, #tpu.memory_space<vmem>>)
    %barrier3A_110 = arith.constant 0 : index
    tpu.barrier barrier_id(%barrier3A_110)
    "tpu.region"() ({
      %run_scoped3A = tpu.sem_alloc : memref<!tpu.dma_semaphore, #tpu.memory_space<semaphore_mem>>
      %dma_start3A_111 = arith.constant 0 : i32
      %dma_start3A_112 = tpu.memref_slice %arg6[%arg0, %mul3A_2, %dma_start3A_111] : memref<2x10240x16xf32, #tpu.memory_space<hbm>> -> memref<1x640x16xf32, #tpu.memory_space<hbm>>
      %dma_start3A_113 = tpu.memref_squeeze %dma_start3A_112 : memref<1x640x16xf32, #tpu.memory_space<hbm>> -> memref<640x16xf32, #tpu.memory_space<hbm>>
      %dma_start3A_114 = arith.constant 0 : i32
      %dma_start3A_115 = tpu.memref_slice %arg13[%mul3A_2, %dma_start3A_114] : memref<10240x16xf32, #tpu.memory_space<vmem_shared>> -> memref<640x16xf32, #tpu.memory_space<vmem_shared>>
      tpu.enqueue_dma source(%dma_start3A_115 : memref<640x16xf32, #tpu.memory_space<vmem_shared>>) target(%dma_start3A_113 : memref<640x16xf32, #tpu.memory_space<hbm>>) target_semaphore(%run_scoped3A : memref<!tpu.dma_semaphore, #tpu.memory_space<semaphore_mem>>)
      %dma_wait3A_116 = arith.constant 0 : i32
      %dma_wait3A_117 = tpu.memref_slice %arg6[%arg0, %mul3A_2, %dma_wait3A_116] : memref<2x10240x16xf32, #tpu.memory_space<hbm>> -> memref<1x640x16xf32, #tpu.memory_space<hbm>>
      %dma_wait3A_118 = tpu.memref_squeeze %dma_wait3A_117 : memref<1x640x16xf32, #tpu.memory_space<hbm>> -> memref<640x16xf32, #tpu.memory_space<hbm>>
      %dma_wait3A_119 = arith.constant 0 : i32
      %dma_wait3A_120 = tpu.memref_slice %arg13[%mul3A_2, %dma_wait3A_119] : memref<10240x16xf32, #tpu.memory_space<vmem_shared>> -> memref<640x16xf32, #tpu.memory_space<vmem_shared>>
      tpu.wait_dma2 semaphore(%run_scoped3A : memref<!tpu.dma_semaphore, #tpu.memory_space<semaphore_mem>>) src(%dma_wait3A_120 : memref<640x16xf32, #tpu.memory_space<vmem_shared>>) dst(%dma_wait3A_118 : memref<640x16xf32, #tpu.memory_space<hbm>>)
      tpu.yield
    }) : () -> ()
    return
  }
}

module attributes {stable_mosaic.version = 14 : i64} {
  func.func @_t2_body(%arg0: memref<2560x128xf32, #tpu.memory_space<vmem>>, %arg1: memref<1280x1024xf32, #tpu.memory_space<vmem>>, %arg2: memref<1024x128xf32, #tpu.memory_space<vmem>>, %arg3: memref<1280x128xf32, #tpu.memory_space<vmem>>, %arg4: memref<1280x128xf32, #tpu.memory_space<vmem>>, %arg5: memref<1280x128xf32, #tpu.memory_space<vmem>>) attributes {dimension_semantics = [], scalar_prefetch = 0 : i64, scratch_operands = 0 : i64, tpu.core_type = #tpu.core_type<tc>} {
    %get3A = arith.constant 0 : index
    %get3A_0 = arith.constant 0 : index
    %get3A_1 = vector.load %arg0[%get3A, %get3A_0] : memref<2560x128xf32, #tpu.memory_space<vmem>>, vector<1280x128xf32>
    %get3A_2 = arith.constant 1280 : index
    %get3A_3 = arith.constant 0 : index
    %get3A_4 = vector.load %arg0[%get3A_2, %get3A_3] : memref<2560x128xf32, #tpu.memory_space<vmem>>, vector<1280x128xf32>
    %add3A = arith.addf %get3A_1, %get3A_4 : vector<1280x128xf32>
    %add3A_5 = arith.constant 1.000000e+00 : f32
    %add3A_6 = vector.broadcast %add3A_5 : f32 to vector<1280x128xf32>
    %add3A_7 = arith.addf %add3A, %add3A_6 : vector<1280x128xf32>
    %max3A = arith.constant 1.000000e+00 : f32
    %max3A_8 = vector.broadcast %max3A : f32 to vector<1280x128xf32>
    %max3A_9 = arith.maximumf %add3A_7, %max3A_8 : vector<1280x128xf32>
    %rsqrt3A = math.rsqrt %max3A_9 : vector<1280x128xf32>
    %get3A_10 = arith.constant 0 : index
    %get3A_11 = arith.constant 0 : index
    %get3A_12 = vector.load %arg1[%get3A_10, %get3A_11] : memref<1280x1024xf32, #tpu.memory_space<vmem>>, vector<1280x1024xf32>
    %get3A_13 = arith.constant 0 : index
    %get3A_14 = arith.constant 0 : index
    %get3A_15 = vector.load %arg2[%get3A_13, %get3A_14] : memref<1024x128xf32, #tpu.memory_space<vmem>>, vector<1024x128xf32>
    %dot_general3A = arith.constant dense<0.000000e+00> : vector<1280x128xf32>
    %dot_general3A_16 = tpu.matmul %get3A_12, %get3A_15, %dot_general3A {dimension_numbers = #tpu.dot_dimension_numbers<[1], [0], [0], [1], [0, 0, 1, 1], [], []>, transpose_lhs_hint = false} : vector<1280x1024xf32>, vector<1024x128xf32>, vector<1280x128xf32> -> vector<1280x128xf32>
    %mul3A = arith.mulf %rsqrt3A, %dot_general3A_16 : vector<1280x128xf32>
    %swap3A = arith.constant 0 : index
    %swap3A_17 = arith.constant 0 : index
    %swap3A_18 = vector.load %arg3[%swap3A, %swap3A_17] : memref<1280x128xf32, #tpu.memory_space<vmem>>, vector<1280x128xf32>
    tpu.vector_store %arg3[%swap3A, %swap3A_17], %mul3A {strides = array<i32>} : memref<1280x128xf32, #tpu.memory_space<vmem>>, vector<1280x128xf32>,
    %mul3A_19 = arith.mulf %rsqrt3A, %rsqrt3A : vector<1280x128xf32>
    %mul3A_20 = arith.mulf %mul3A_19, %dot_general3A_16 : vector<1280x128xf32>
    %swap3A_21 = arith.constant 0 : index
    %swap3A_22 = arith.constant 0 : index
    %swap3A_23 = vector.load %arg4[%swap3A_21, %swap3A_22] : memref<1280x128xf32, #tpu.memory_space<vmem>>, vector<1280x128xf32>
    tpu.vector_store %arg4[%swap3A_21, %swap3A_22], %mul3A_20 {strides = array<i32>} : memref<1280x128xf32, #tpu.memory_space<vmem>>, vector<1280x128xf32>,
    %swap3A_24 = arith.constant 0 : index
    %swap3A_25 = arith.constant 0 : index
    %swap3A_26 = vector.load %arg5[%swap3A_24, %swap3A_25] : memref<1280x128xf32, #tpu.memory_space<vmem>>, vector<1280x128xf32>
    tpu.vector_store %arg5[%swap3A_24, %swap3A_25], %rsqrt3A {strides = array<i32>} : memref<1280x128xf32, #tpu.memory_space<vmem>>, vector<1280x128xf32>,
    return
  }
}

module attributes {stable_mosaic.version = 14 : i64} {
  func.func @_t3_body(%arg0: memref<2560x128xf32, #tpu.memory_space<vmem>>, %arg1: memref<1280x128xf32, #tpu.memory_space<vmem>>, %arg2: memref<1280x128xf32, #tpu.memory_space<vmem>>, %arg3: memref<1x128xf32, #tpu.memory_space<vmem>>, %arg4: memref<128x128xf32, #tpu.memory_space<vmem>>, %arg5: memref<1280x128xf32, #tpu.memory_space<vmem>>, %arg6: memref<1280x128xf32, #tpu.memory_space<vmem>>) attributes {dimension_semantics = [], scalar_prefetch = 0 : i64, scratch_operands = 0 : i64, tpu.core_type = #tpu.core_type<tc>} {
    %get3A = arith.constant 0 : index
    %get3A_0 = arith.constant 0 : index
    %get3A_1 = vector.load %arg0[%get3A, %get3A_0] : memref<2560x128xf32, #tpu.memory_space<vmem>>, vector<1280x128xf32>
    %get3A_2 = arith.constant 1280 : index
    %get3A_3 = arith.constant 0 : index
    %get3A_4 = vector.load %arg0[%get3A_2, %get3A_3] : memref<2560x128xf32, #tpu.memory_space<vmem>>, vector<1280x128xf32>
    %add3A = arith.addf %get3A_1, %get3A_4 : vector<1280x128xf32>
    %get3A_5 = arith.constant 0 : index
    %get3A_6 = arith.constant 0 : index
    %get3A_7 = vector.load %arg1[%get3A_5, %get3A_6] : memref<1280x128xf32, #tpu.memory_space<vmem>>, vector<1280x128xf32>
    %mul3A = arith.mulf %get3A_7, %add3A : vector<1280x128xf32>
    %get3A_8 = arith.constant 0 : index
    %get3A_9 = arith.constant 0 : index
    %get3A_10 = vector.load %arg2[%get3A_8, %get3A_9] : memref<1280x128xf32, #tpu.memory_space<vmem>>, vector<1280x128xf32>
    %add3A_11 = arith.addf %mul3A, %get3A_10 : vector<1280x128xf32>
    %get3A_12 = arith.constant 0 : index
    %get3A_13 = arith.constant 0 : index
    %get3A_14 = vector.load %arg3[%get3A_12, %get3A_13] : memref<1x128xf32, #tpu.memory_space<vmem>>, vector<1x128xf32>
    %add3A_15 = vector.broadcast %get3A_14 : vector<1x128xf32> to vector<1280x128xf32>
    %add3A_16 = arith.addf %add3A_11, %add3A_15 : vector<1280x128xf32>
    %max3A = arith.constant 0.000000e+00 : f32
    %max3A_17 = vector.broadcast %max3A : f32 to vector<1280x128xf32>
    %max3A_18 = arith.maximumf %add3A_16, %max3A_17 : vector<1280x128xf32>
    %get3A_19 = arith.constant 0 : index
    %get3A_20 = arith.constant 0 : index
    %get3A_21 = vector.load %arg4[%get3A_19, %get3A_20] : memref<128x128xf32, #tpu.memory_space<vmem>>, vector<128x128xf32>
    %dot_general3A = arith.constant dense<0.000000e+00> : vector<1280x128xf32>
    %dot_general3A_22 = tpu.matmul %max3A_18, %get3A_21, %dot_general3A {dimension_numbers = #tpu.dot_dimension_numbers<[1], [0], [0], [1], [0, 0, 1, 1], [], []>, transpose_lhs_hint = false} : vector<1280x128xf32>, vector<128x128xf32>, vector<1280x128xf32> -> vector<1280x128xf32>
    %mul3A_23 = arith.mulf %get3A_7, %dot_general3A_22 : vector<1280x128xf32>
    %swap3A = arith.constant 0 : index
    %swap3A_24 = arith.constant 0 : index
    %swap3A_25 = vector.load %arg5[%swap3A, %swap3A_24] : memref<1280x128xf32, #tpu.memory_space<vmem>>, vector<1280x128xf32>
    tpu.vector_store %arg5[%swap3A, %swap3A_24], %mul3A_23 {strides = array<i32>} : memref<1280x128xf32, #tpu.memory_space<vmem>>, vector<1280x128xf32>,
    %mul3A_26 = arith.mulf %get3A_7, %get3A_7 : vector<1280x128xf32>
    %mul3A_27 = arith.mulf %mul3A_26, %dot_general3A_22 : vector<1280x128xf32>
    %swap3A_28 = arith.constant 0 : index
    %swap3A_29 = arith.constant 0 : index
    %swap3A_30 = vector.load %arg6[%swap3A_28, %swap3A_29] : memref<1280x128xf32, #tpu.memory_space<vmem>>, vector<1280x128xf32>
    tpu.vector_store %arg6[%swap3A_28, %swap3A_29], %mul3A_27 {strides = array<i32>} : memref<1280x128xf32, #tpu.memory_space<vmem>>, vector<1280x128xf32>,
    return
  }
}

module attributes {stable_mosaic.version = 14 : i64} {
  func.func @_t4_body(%arg0: memref<2560x128xf32, #tpu.memory_space<vmem>>, %arg1: memref<1280x128xf32, #tpu.memory_space<vmem>>, %arg2: memref<1280x128xf32, #tpu.memory_space<vmem>>, %arg3: memref<1x128xf32, #tpu.memory_space<vmem>>, %arg4: memref<1280x128xf32, #tpu.memory_space<vmem>>) attributes {dimension_semantics = [], scalar_prefetch = 0 : i64, scratch_operands = 0 : i64, tpu.core_type = #tpu.core_type<tc>} {
    %get3A = arith.constant 0 : index
    %get3A_0 = arith.constant 0 : index
    %get3A_1 = vector.load %arg0[%get3A, %get3A_0] : memref<2560x128xf32, #tpu.memory_space<vmem>>, vector<1280x128xf32>
    %get3A_2 = arith.constant 1280 : index
    %get3A_3 = arith.constant 0 : index
    %get3A_4 = vector.load %arg0[%get3A_2, %get3A_3] : memref<2560x128xf32, #tpu.memory_space<vmem>>, vector<1280x128xf32>
    %add3A = arith.addf %get3A_1, %get3A_4 : vector<1280x128xf32>
    %get3A_5 = arith.constant 0 : index
    %get3A_6 = arith.constant 0 : index
    %get3A_7 = vector.load %arg1[%get3A_5, %get3A_6] : memref<1280x128xf32, #tpu.memory_space<vmem>>, vector<1280x128xf32>
    %mul3A = arith.mulf %get3A_7, %add3A : vector<1280x128xf32>
    %get3A_8 = arith.constant 0 : index
    %get3A_9 = arith.constant 0 : index
    %get3A_10 = vector.load %arg2[%get3A_8, %get3A_9] : memref<1280x128xf32, #tpu.memory_space<vmem>>, vector<1280x128xf32>
    %add3A_11 = arith.addf %mul3A, %get3A_10 : vector<1280x128xf32>
    %get3A_12 = arith.constant 0 : index
    %get3A_13 = arith.constant 0 : index
    %get3A_14 = vector.load %arg3[%get3A_12, %get3A_13] : memref<1x128xf32, #tpu.memory_space<vmem>>, vector<1x128xf32>
    %add3A_15 = vector.broadcast %get3A_14 : vector<1x128xf32> to vector<1280x128xf32>
    %add3A_16 = arith.addf %add3A_11, %add3A_15 : vector<1280x128xf32>
    %swap3A = arith.constant 0 : index
    %swap3A_17 = arith.constant 0 : index
    %swap3A_18 = vector.load %arg4[%swap3A, %swap3A_17] : memref<1280x128xf32, #tpu.memory_space<vmem>>, vector<1280x128xf32>
    tpu.vector_store %arg4[%swap3A, %swap3A_17], %add3A_16 {strides = array<i32>} : memref<1280x128xf32, #tpu.memory_space<vmem>>, vector<1280x128xf32>,
    return
  }
}

</mosaic_0001>

<sc_bundles>
// kernel: kernel.11.cloned.1.call-start
scs
__scs_entry_jumppad:
0x0: {  	(pc) =	sbr.rel $0x88, $3  }
0x1: {  	(tag) =	ssettag $0x0;
	lr =	simm.s32 $0x1  }
0x2: {  	[smem:$0x3F9B] =	sst lr;
	_ =	strace $0xD0000000  }
0x3: {  	_ = 	snop  }
0x4: {  	_ = 	snop  }
0x5: {  	_ = 	snop  }
0x6: {  	_ = 	snop  }
0x7: {  	_ = 	snop  }
__scs_overlays_trampoline_lowered:
0x8: {  	[smem:$0x3FAA] =	sst s0  }
0x9: {  	[smem:$0x3FAB] =	sst s1  }
0xa: {  	[smem:$0x3FAC] =	sst s2  }
0xb: {  	[smem:$0x3FAD] =	sst s3  }
0xc: {  	[smem:$0x3FAE] =	sst s4  }
0xd: {  	[smem:$0x3FAF] =	sst s5  }
0xe: {  	[smem:$0x3FB0] =	sst s6  }
0xf: {  	[smem:$0x3FB1] =	sst s7  }
0x10: {  	[smem:$0x3FB2] =	sst s8  }
0x11: {  	[smem:$0x3FB3] =	sst s9;
	s0 =	simm.s32 @!p0 $0x0  }
0x12: {  	s1 =	sld [smem:$0x3F99];
	s0 =	simm.s32 @p0 $0x1  }
0x13: {  	[smem:$0x3FB4] =	sst s0;
	s0 =	simm.s32 @!p1 $0x0  }
0x14: {  	s2 =	sld [smem:$0x3F98];
	s0 =	simm.s32 @p1 $0x1  }
0x15: {  	[smem:$0x3FB5] =	sst s0;
	s0 =	simm.s32 @!p2 $0x0  }
0x16: {  	s3 =	sld [smem:$0x3FDB];
	s0 =	simm.s32 @p2 $0x1  }
0x17: {  	s4 =	simm.s32 $0x1BF5;
	[smem:$0x3FB7] =	sst s0  }
0x18: {  	s0 =	sld [smem:$0x3F9A];
	_ =	swait.ge [sflag:s4], $0x0  }
0x19: {  	s7 =	sld [smem:$0x3F9B]  }
0x1a: {  	s8 =	sadd.s32 $0xFFFFE003, lr  }
0x1b: {  	s9 =	sadd.s32 $0xFFFFFEF7, lr;
	s5 =	simm.s32 $0xFFFFFFFF;
	p2 =	slt.u32 s8, $0xFFFFF086  }
0x1c: {  	p1 =	slt.u32 s9, $0xF7A;
	s5 =	simm.s32 @!p2 $0x0  }
0x1d: {  	s5 =	simm.s32 @p1 $0x1;
	p0 =	seq.s32 s7, s2  }
0x1e: {  	s7 =	smul.u32 @!p0 $0xF7A, s2;
	p2 =	seq.s32 @!p0 s5, $0x0  }
0x1f: {  	s9 =	smul.u32 $0xF7A, s1;
	s8 =	simm.s32 @!p0 $0x1BF5;
	p2 =	por !p2, p0  }
0x20: {  	[sflag:s8] =	ssyncset.s32 @!p0 $0xFFFFF086;
	s6 =	sadd.s32 @!p0 s3, s7;
	s7 =	simm.s32 @!p0 $0x108  }
0x21: {  	s3 =	sadd.s32 s3, s9;
	s6 =	sadd.s32 @!p0 $0x88, s6;
	s7 =	simm.s32 @p2 $0x1082  }
0x22: {  	[simem:s7], [sflag:s8] =	dma.local @!p0 [hbm:s6], $0xF7A  }
0x23: {  	s9 =	sor.u32 $0xD0000000, s2;
	s6 =	simm.s32 $0x108;
	_ =	swait.ge @!p0 [sflag:s8], $0x0  }
0x24: {  	s3 =	sadd.s32 $0x88, s3;
	s6 =	simm.s32 @!p1 $0x1082;
	[sflag:s4] =	ssyncset.s32 $0xFFFFF086  }
0x25: {  	[simem:s6], [sflag:s4] =	dma.local [hbm:s3], $0xF7A  }
0x26: {  	[smem:$0x3F9B] =	sst s1;
	(tag) =	ssettag s2;
	_ =	strace s9  }
0x27: {  	s1 =	sld [smem:$0x3FAB]  }
0x28: {  	s2 =	sld [smem:$0x3FAC]  }
0x29: {  	s4 =	sld [smem:$0x3FAE]  }
0x2a: {  	p0 =	seq.s32 s5, $0x0;
	s5 =	sld [smem:$0x3FAF]  }
0x2b: {  	s6 =	sld [smem:$0x3FB0]  }
0x2c: {  	s7 =	sld [smem:$0x3FB1]  }
0x2d: {  	s3 =	simm.s32 $0x108;
	s8 =	sld [smem:$0x3FB2]  }
0x2e: {  	s3 =	simm.s32 @!p0 $0x1082;
	s9 =	sld [smem:$0x3FB3]  }
0x2f: {  	lr =	sadd.s32 s0, s3;
	s0 =	sld [smem:$0x3FAA]  }
0x30: {  	s3 =	sld [smem:$0x3FAD]  }
0x31: {  	[smem:$0x3FB6] =	sst s10  }
0x32: {  	s10 =	sld [smem:$0x3FB4];
	_ =	sdelay $0x3  }
0x33: {  	p0 =	seq.s32 s10, $0x1;
	s10 =	sld [smem:$0x3FB6];
	_ =	sdelay $0x3  }
0x34: {  	[smem:$0x3FB6] =	sst s10  }
0x35: {  	s10 =	sld [smem:$0x3FB5];
	_ =	sdelay $0x3  }
0x36: {  	p1 =	seq.s32 s10, $0x1;
	s10 =	sld [smem:$0x3FB6];
	_ =	sdelay $0x3  }
0x37: {  	[smem:$0x3FB6] =	sst s10  }
0x38: {  	s10 =	sld [smem:$0x3FB7]  }
0x39: {  	_ = 	snop;
	(pc) =	sbr.ind lr, $3  }
0x3a: {  	_ = 	snop  }
0x3b: {  	_ = 	snop  }
0x3c: {  	p2 =	seq.s32 s10, $0x1;
	s10 =	sld [smem:$0x3FB6]  }
0x3d: {  	_ =	shalt  }
0x3e: {  	_ =	shalt  }
0x3f: {  	_ =	shalt  }
0x40: {  	_ =	shalt  }
0x41: {  	_ =	shalt  }
0x42: {  	_ =	shalt  }
0x43: {  	_ =	shalt  }
0x44: {  	_ =	shalt  }
0x45: {  	_ =	shalt  }
0x46: {  	_ =	shalt  }
0x47: {  	_ =	shalt  }
0x48: {  	_ =	shalt  }
0x49: {  	_ =	shalt  }
0x4a: {  	_ =	shalt  }
0x4b: {  	_ =	shalt  }
0x4c: {  	_ =	shalt  }
0x4d: {  	_ =	shalt  }
0x4e: {  	_ =	shalt  }
0x4f: {  	_ =	shalt  }
0x50: {  	_ =	shalt  }
0x51: {  	_ =	shalt  }
0x52: {  	_ =	shalt  }
0x53: {  	_ =	shalt  }
0x54: {  	_ =	shalt  }
0x55: {  	_ =	shalt  }
0x56: {  	_ =	shalt  }
0x57: {  	_ =	shalt  }
0x58: {  	_ =	shalt  }
0x59: {  	_ =	shalt  }
0x5a: {  	_ =	shalt  }
0x5b: {  	_ =	shalt  }
0x5c: {  	_ =	shalt  }
0x5d: {  	_ =	shalt  }
0x5e: {  	_ =	shalt  }
0x5f: {  	_ =	shalt  }
0x60: {  	_ =	shalt  }
0x61: {  	_ =	shalt  }
0x62: {  	_ =	shalt  }
0x63: {  	_ =	shalt  }
0x64: {  	_ =	shalt  }
0x65: {  	_ =	shalt  }
0x66: {  	_ =	shalt  }
0x67: {  	_ =	shalt  }
0x68: {  	_ =	shalt  }
0x69: {  	_ =	shalt  }
0x6a: {  	_ =	shalt  }
0x6b: {  	_ =	shalt  }
0x6c: {  	_ =	shalt  }
0x6d: {  	_ =	shalt  }
0x6e: {  	_ =	shalt  }
0x6f: {  	_ =	shalt  }
0x70: {  	_ =	shalt  }
0x71: {  	_ =	shalt  }
0x72: {  	_ =	shalt  }
0x73: {  	_ =	shalt  }
0x74: {  	_ =	shalt  }
0x75: {  	_ =	shalt  }
0x76: {  	_ =	shalt  }
0x77: {  	_ =	shalt  }
0x78: {  	_ =	shalt  }
0x79: {  	_ =	shalt  }
0x7a: {  	_ =	shalt  }
0x7b: {  	_ =	shalt  }
0x7c: {  	_ =	shalt  }
0x7d: {  	_ =	shalt  }
0x7e: {  	_ =	shalt  }
0x7f: {  	_ =	shalt  }
0x80: {  	_ =	shalt  }
0x81: {  	_ =	shalt  }
0x82: {  	_ =	shalt  }
0x83: {  	_ =	shalt  }
0x84: {  	_ =	shalt  }
0x85: {  	_ =	shalt  }
0x86: {  	_ =	shalt  }
0x87: {  	_ =	shalt  }
.Lfunc_end0:
.L_simem_size_0:
called_computation.1_lowered:
.L_overlay_start_0:
0x88: {  	s2 =	sld [smem:$0x3FD9]  }
0x89: {  	s3 =	sld [smem:$0x3FFE];
	_ =	sdelay $0x1  }
0x8a: {  	s1 =	srdreg.scid  }
0x8b: {  	s0 =	sand.u32 $0x1, s1  }
0x8c: {  	s16 =	sshll.u32 s0, $0xA;
	s2 =	sadd.s32 s3, s2  }
0x8d: {  	s2 =	sadd.s32 s2, s16  }
0x8e: {  	[smem:$0x3FC2] =	sst s2  }
0x8f: {  	_ = 	snop  }
0x90: {  	(tm) =	ssettm $0x1  }
0x91: {  	s17 =	sld [smem:$0x3FFB];
	_ =	sdelay $0x3  }
0x92: {  	_ =	strace s17  }
0x93: {  	s2 =	sld [smem:$0x3FFC];
	_ =	sdelay $0x3  }
0x94: {  	_ =	strace s2  }
0x95: {  	s2 =	sld [smem:$0x3FFD];
	_ =	sdelay $0x3  }
0x96: {  	_ =	strace s2  }
0x97: {  	_ =	strace $0x8FFFFFFF  }
0x98: {  	s18 =	sld [smem:$0x3FDB];
	_ =	sdelay $0x1  }
0x99: {  	s19 =	simm.s32 $_scs_section_size  }
0x9a: {  	s4 =	simm.s32 $_size__tile_overlayer_lowered;
	s5 =	simm.s32 $_tile_overlayer_lowered  }
0x9b: {  	s22 =	simm.s32 $0x1BFF;
	s21 =	sshll.u32 s5, $0x1;
	s2 =	sadd.s32 s19, s18  }
0x9c: {  	s6 =	simm.s32 $0x0;
	s20 =	sshll.u32 s4, $0x1;
	s4 =	sadd.s32 s21, s2  }
0x9d: {  	[timem:s6], [sflag:s22] =	dma.local [hbm:s4], s20  }
0x9e: {  	_ =	swait.ge [sflag:s22], s20  }
0x9f: {  	s3 =	ssub.s32 $0x0, s20;
	[sflag:s22] =	ssyncset.done $0x0  }
0xa0: {  	[sflag:s22] =	ssyncadd.s32 s3;
	_ =	sdelay $0x1  }
0xa1: {  	s23 =	simm.s32 $0x1B8B  }
0xa2: {  	_ =	swait.ge [sflag:s23], $0x1  }
0xa3: {  	[sflag:s23] =	ssyncset.done $0x0  }
0xa4: {  	s25 =	simm.s32 $0x1B8E;
	s24 =	sld [smem:$0x3FFE];
	[sflag:s23] =	ssyncadd.s32 $0xFFFFFFFF  }
0xa5: {  	s26 =	simm.s32 $execute0_lowered;
	[smem:$0x3FD2] =	sst s25  }
0xa6: {  	s4 =	sshll.u32 s26, $0x1;
	_ =	strace $0x80000049;
	[dreg:$0x1] =	wrdreg $0xFFFFFFFF  }
0xa7: {  	s28 =	simm.s32 $_size_execute0_lowered;
	s2 =	sadd.s32 s2, s4;
	[dreg:$0x0] =	wrdreg $0x0  }
0xa8: {  	s4 =	sshll.u32 s28, $0x1;
	[dreg:$0x2] =	wrdreg s2  }
0xa9: {  	[dreg:$0x3] =	wrdreg s4  }
0xaa: {  	[dreg:$0x4] =	wrdreg $0xC0  }
0xab: {  	_ =	task [dreg:s6], $0x5FFFF  }
0xac: {  	[dreg:$0x1] =	wrdreg $0xFFFFFFFF  }
0xad: {  	[dreg:$0x0] =	wrdreg $0x60  }
0xae: {  	[dreg:$0x2] =	wrdreg s24  }
0xaf: {  	[dreg:$0x3] =	wrdreg $0xD0000  }
0xb0: {  	[dreg:$0x4] =	wrdreg $0x9  }
0xb1: {  	_ =	task.clear_ibuf [dreg:s6], $0x5FFFF;
	_ =	strace $0x90000049  }
0xb2: {  	s29 =	simm.s32 $0x9;
	_ =	strace $0x8000004B  }
0xb3: {  	_ =	swait.ge [sflag:s29], $0x1  }
0xb4: {  	[sflag:s29] =	ssyncadd.s32 $0xFFFFFFFF  }
0xb5: {  	_ =	strace $0x9000004B  }
0xb6: {  	_ =	sfence  }
0xb7: {  	s30 =	sld [smem:$0x0];
	_ =	sdelay $0x2  }
0xb8: {  	s31 =	sshll.u32 s1, $0xD;
	s1 =	sshrl.u32 s1, $0x2  }
0xb9: {  	s3 =	sand.u32 $0x4000, s31;
	s1 =	sadd.s32 s1, s30  }
0xba: {  	s0 =	sor.u32 s3, s0;
	s1 =	sshll.u32 s1, $0x11  }
0xbb: {  	s0 =	sor.u32 s1, s0  }
0xbc: {  	s0 =	sadd.s32 $0x8F2B, s0  }
0xbd: {  	[sflag:s0] =	ssyncadd.remote.s32 $0x1  }
0xbe: {  	_ =	sfence.sel $0xFFFF  }
0xbf: {  	[dreg:$0x0] =	wrdreg $0xFFFFFFFF;
	(pc) =	sbr.abs _section_cstart, $3  }
0xc0: {  	[dreg:$0x1] =	wrdreg $0xFFFFFFFF  }
0xc1: {  	_ =	task.clear_ibuf [dreg:s6], $0x2FFFF;
	_ =	strace $0x9FFFFFFF  }
0xc2: {  	(tm) =	ssettm $0x7FFFFFFF  }
0xc3: {  	_ =	shalt  }
tec
execute0_lowered:
.L_overlay_start_1:
0x0: {  	(tag) =	ssettag $0x1  }
0x1: {  	s0 =	srdreg.scid;
	s3 =	rddreg [dreg:$0x0]  }
0x2: {  	s8 =	stileid.u32;
	s2 =	rddreg [dreg:$0x1];
	s4 =	simm.s32 $0x0  }
0x3: {  	s10 =	simm.s32 $0x9;
	s14 =	simm.s32 $0x80;
	s29 =	simm.s32 $0x8800  }
0x4: {  	s30 =	simm.s32 $0x1;
	s19 =	simm.s32 $0x9000;
	s28 =	simm.s32 $0xA000  }
0x5: {  	s21 =	simm.s32 $0xB000;
	s31 =	simm.s32 $0xB800;
	s17 =	simm.s32 $0xC800  }
0x6: {  	s16 =	simm.s32 $0x5;
	s11 =	simm.s32 $0x6;
	s9 =	simm.s32 $0x8  }
0x7: {  	s18 =	simm.s32 $0x5800;
	s20 =	simm.s32 $0x6000;
	s0 =	sand.u32 $0x1, s0  }
0x8: {  	s1 =	sshll.u32 s8, $0x1;
	s5 =	smul.u32 $0x2800, s8;
	[smem:$0x7FF] =	sst s4  }
0x9: {  	s4 =	sadd.s32 $0x1B400, s3;
	s26 =	sshll.u32 s8, $0x6;
	s8 =	simm.s32 $0x7  }
0xa: {  	s1 =	sor.u32 s0, s1;
	s6 =	smul.u32 $0x28000, s0;
	_ =	strace $0x8000004A  }
0xb: {  	s0 =	ssub.s32 $0x2, s0;
	s13 =	sor.u32 $0x1C09, s26;
	s26 =	simm.s32 $0x8000  }
0xc: {  	s1 =	smul.u32 $0x500, s1;
	s7 =	sshrl.u32 s5, $0x3;
	s22 =	sshrl.u32 s0, $0x1  }
0xd: {  	s24 =	sadd.s32 s5, s2;
	[dreg:$0x8] =	wrdreg s13;
	s6 =	sadd.s32 s5, s6  }
0xe: {  	s7 =	sadd.s32 s7, s3;
	s0 =	ssub.s32 s0, s22;
	s15 =	sshrl.u32 s24, $0x3  }
0xf: {  	s22 =	simm.s32 $0x7000;
	s24 =	simm.s32 $0x7800;
	s5 =	simm.s32 $0x3  }
0x10: {  	s1 =	sadd.s32 s1, s3;
	s6 =	sshrl.u32 s6, $0x3;
	s25 =	sadd.s32 $0x16400, s7  }
0x11: {  	s0 =	smax.u32 s0, $0x1;
	s7 =	simm.s32 $0x4;
	[dreg:$0x9] =	wrdreg s15  }
.Ltmp0:
0x12: {  	s3 =	sadd.s32 s6, s3;
	[dreg:$0x5] =	wrdreg s25;
	(pc) =	sbr.rel .LBB2_1-.Ltmp0, $4  }
0x13: {  	s23 =	sadd.s32 $0xC400, s1;
	s1 =	sadd.s32 $0x2400, s1;
	[dreg:$0x7] =	wrdreg s0  }
0x14: {  	s0 =	simm.s32 $0x2;
	s25 =	simm.s32 $0xC000;
	[dreg:$0x3] =	wrdreg s23  }
0x15: {  	s6 =	simm.s32 $0x0;
	[dreg:$0x4] =	wrdreg s1;
	s3 =	sadd.s32 $0x20400, s3  }
0x16: {  	s23 =	simm.s32 $0x9800;
	s1 =	simm.s32 $0xA800;
	[dreg:$0x6] =	wrdreg s3  }
.LBB2_4:
0x17: {  	s16 =	simm.s32 $0x5  }
0x18: {  	_ =	swait.ge [sflag:s16], $0x2000  }
0x19: {  	[sflag:s16] =	ssyncset.done $0x0  }
0x1a: {  	[sflag:s16] =	ssyncadd.s32 $0xFFFFE000  }
0x1b: {  	_ =	swait.ge [sflag:s11], $0x2000  }
0x1c: {  	[sflag:s11] =	ssyncset.done $0x0  }
0x1d: {  	[sflag:s11] =	ssyncadd.s32 $0xFFFFE000  }
0x1e: {  	_ =	swait.ge [sflag:s8], $0x2000  }
0x1f: {  	[sflag:s8] =	ssyncset.done $0x0  }
0x20: {  	[sflag:s8] =	ssyncadd.s32 $0xFFFFE000  }
0x21: {  	_ =	swait.ge [sflag:s9], $0x2000  }
0x22: {  	[sflag:s9] =	ssyncset.done $0x0  }
0x23: {  	[sflag:s9] =	ssyncadd.s32 $0xFFFFE000  }
0x24: {  	[bflag:$0x0] =	sbarrier.arrive $0xFFFF  }
0x25: {  	s3 =	rddreg [dreg:$0x6]  }
0x26: {  	s13 =	rddreg [dreg:$0x8]  }
0x27: {  	s10 =	simm.s32 $0x9;
	s15 =	rddreg [dreg:$0x9]  }
0x28: {  	[hbm:s3], [sflag:s13] =	dma.local [spmem:s15], $0x500  }
0x29: {  	_ =	swait.ge [sflag:s10], $0x500  }
0x2a: {  	s6 =	rddreg [dreg:$0xa]  }
0x2b: {  	s12 =	rddreg [dreg:$0x7];
	s6 =	sadd.s32 $0x1, s6  }
0x2c: {  	p0 =	sne.s32 s6, s12  }
.Ltmp1:
0x2d: {  	_ = 	snop;
	(pc) =	sbr.rel @!p0 .LBB2_5-.Ltmp1, $3  }
0x2e: {  	_ =	sdelay $0x1  }
0x2f: {  	[sflag:s10] =	ssyncset.done $0x0  }
0x30: {  	[sflag:s10] =	ssyncadd.s32 $0xFFFFFB00  }
.LBB2_1:
0x31: {  	[dreg:$0xa] =	wrdreg s6  }
0x32: {  	s3 =	simm.s32 $0x0;
	s12 =	rddreg [dreg:$0x3]  }
0x33: {  	[tilespmem:s3], [sflag:$0x9] =	stream.linear.gather [hbm4b:s12+s3], $0x2800, $0x38;
	[tilespmem:$0xF800] =	vst v63  }
0x34: {  	_ =	swait.ge [sflag:s10], $0x2800  }
0x35: {  	[sflag:s10] =	ssyncset.done $0x0  }
0x36: {  	s12 =	simm.s32 $0x2800;
	s6 =	rddreg [dreg:$0x4];
	[sflag:s10] =	ssyncadd.s32 $0xFFFFD800  }
0x37: {  	[tilespmem:s12], [sflag:$0x9] =	stream.linear.gather [hbm4b:s6+s3], $0x2800, $0x38;
	[tilespmem:$0xF800] =	vst v63  }
0x38: {  	_ =	swait.ge [sflag:s10], $0x2800  }
0x39: {  	[sflag:s10] =	ssyncset.done $0x0  }
0x3a: {  	s6 =	rddreg [dreg:$0x5];
	[sflag:s10] =	ssyncadd.s32 $0xFFFFD800  }
0x3b: {  	[spmem:s15], [sflag:s13] =	dma.local [hbm:s6], $0x500  }
0x3c: {  	_ =	swait.ge [sflag:s10], $0x500  }
0x3d: {  	[sflag:s10] =	ssyncset.done $0x0  }
0x3e: {  	[sflag:s10] =	ssyncadd.s32 $0xFFFFFB00  }
0x3f: {  	s6 =	simm.s32 $0x5000;
	[bflag:$0x0] =	sbarrier.arrive $0xFFFF  }
0x40: {  	[tilespmem:s6], [sflag:$0x1] =	stream.indirect.gather [hbm4b:s4+s14], $0x10, s3, s14, $0xb8;
	[tilespmem:$0xF800] =	vst v63  }
0x41: {  	s3 =	simm.s32 $0x5800  }
0x42: {  	[tilespmem:s3], [sflag:$0x1] =	stream.indirect.gather [hbm4b:s4+s14], $0x10, s14, s14, $0xb8;
	[tilespmem:$0xF800] =	vst v63  }
0x43: {  	s15 =	simm.s32 $0x100;
	s13 =	simm.s32 $0x6000  }
0x44: {  	[tilespmem:s13], [sflag:$0x1] =	stream.indirect.gather [hbm4b:s4+s14], $0x10, s15, s14, $0xb8;
	[tilespmem:$0xF800] =	vst v63  }
0x45: {  	s10 =	simm.s32 $0x180;
	s15 =	simm.s32 $0x6800  }
0x46: {  	[tilespmem:s15], [sflag:$0x1] =	stream.indirect.gather [hbm4b:s4+s14], $0x10, s10, s14, $0xb8;
	[tilespmem:$0xF800] =	vst v63  }
0x47: {  	s10 =	simm.s32 $0x200  }
0x48: {  	[tilespmem:s22], [sflag:$0x2] =	stream.indirect.gather [hbm4b:s4+s14], $0x10, s10, s14, $0xb8;
	[tilespmem:$0xF800] =	vst v63  }
0x49: {  	s10 =	simm.s32 $0x280  }
0x4a: {  	[tilespmem:s24], [sflag:$0x2] =	stream.indirect.gather [hbm4b:s4+s14], $0x10, s10, s14, $0xb8;
	[tilespmem:$0xF800] =	vst v63  }
0x4b: {  	s10 =	simm.s32 $0x300  }
0x4c: {  	[tilespmem:s26], [sflag:$0x2] =	stream.indirect.gather [hbm4b:s4+s14], $0x10, s10, s14, $0xb8;
	[tilespmem:$0xF800] =	vst v63  }
0x4d: {  	s10 =	simm.s32 $0x380  }
0x4e: {  	[tilespmem:s29], [sflag:$0x2] =	stream.indirect.gather [hbm4b:s4+s14], $0x10, s10, s14, $0xb8;
	[tilespmem:$0xF800] =	vst v63  }
0x4f: {  	_ =	swait.ge [sflag:s30], $0x2000  }
0x50: {  	[sflag:s30] =	ssyncset.done $0x0  }
0x51: {  	[sflag:s30] =	ssyncadd.s32 $0xFFFFE000  }
0x52: {  	[spmem:s2] =	stream.indirect.scatter.add.f32 [tilespmem:s6], [sflag:$0x5], $0x10, s12, s14, $0xb8;
	[tilespmem:$0xF800] =	vst v63  }
0x53: {  	s12 =	simm.s32 $0x2880  }
0x54: {  	[spmem:s2] =	stream.indirect.scatter.add.f32 [tilespmem:s3], [sflag:$0x5], $0x10, s12, s14, $0xb8;
	[tilespmem:$0xF800] =	vst v63  }
0x55: {  	s12 =	simm.s32 $0x2900  }
0x56: {  	[spmem:s2] =	stream.indirect.scatter.add.f32 [tilespmem:s13], [sflag:$0x5], $0x10, s12, s14, $0xb8;
	[tilespmem:$0xF800] =	vst v63  }
0x57: {  	s12 =	simm.s32 $0x2980  }
0x58: {  	[spmem:s2] =	stream.indirect.scatter.add.f32 [tilespmem:s15], [sflag:$0x5], $0x10, s12, s14, $0xb8;
	[tilespmem:$0xF800] =	vst v63  }
0x59: {  	s12 =	simm.s32 $0x400  }
0x5a: {  	[tilespmem:s19], [sflag:$0x3] =	stream.indirect.gather [hbm4b:s4+s14], $0x10, s12, s14, $0xb8;
	[tilespmem:$0xF800] =	vst v63  }
0x5b: {  	s12 =	simm.s32 $0x480  }
0x5c: {  	[tilespmem:s23], [sflag:$0x3] =	stream.indirect.gather [hbm4b:s4+s14], $0x10, s12, s14, $0xb8;
	[tilespmem:$0xF800] =	vst v63  }
0x5d: {  	s12 =	simm.s32 $0x500  }
0x5e: {  	[tilespmem:s28], [sflag:$0x3] =	stream.indirect.gather [hbm4b:s4+s14], $0x10, s12, s14, $0xb8;
	[tilespmem:$0xF800] =	vst v63  }
0x5f: {  	s12 =	simm.s32 $0x580  }
0x60: {  	[tilespmem:s1], [sflag:$0x3] =	stream.indirect.gather [hbm4b:s4+s14], $0x10, s12, s14, $0xb8;
	[tilespmem:$0xF800] =	vst v63  }
0x61: {  	_ =	swait.ge [sflag:s0], $0x2000  }
0x62: {  	[sflag:s0] =	ssyncset.done $0x0  }
0x63: {  	s12 =	simm.s32 $0x2A00;
	[sflag:s0] =	ssyncadd.s32 $0xFFFFE000  }
0x64: {  	[spmem:s2] =	stream.indirect.scatter.add.f32 [tilespmem:s22], [sflag:$0x6], $0x10, s12, s14, $0xb8;
	[tilespmem:$0xF800] =	vst v63  }
0x65: {  	s12 =	simm.s32 $0x2A80  }
0x66: {  	[spmem:s2] =	stream.indirect.scatter.add.f32 [tilespmem:s24], [sflag:$0x6], $0x10, s12, s14, $0xb8;
	[tilespmem:$0xF800] =	vst v63  }
0x67: {  	s12 =	simm.s32 $0x2B00  }
0x68: {  	[spmem:s2] =	stream.indirect.scatter.add.f32 [tilespmem:s26], [sflag:$0x6], $0x10, s12, s14, $0xb8;
	[tilespmem:$0xF800] =	vst v63  }
0x69: {  	s12 =	simm.s32 $0x2B80  }
0x6a: {  	[spmem:s2] =	stream.indirect.scatter.add.f32 [tilespmem:s29], [sflag:$0x6], $0x10, s12, s14, $0xb8;
	[tilespmem:$0xF800] =	vst v63  }
0x6b: {  	s12 =	simm.s32 $0x600  }
0x6c: {  	[tilespmem:s21], [sflag:$0x4] =	stream.indirect.gather [hbm4b:s4+s14], $0x10, s12, s14, $0xb8;
	[tilespmem:$0xF800] =	vst v63  }
0x6d: {  	s12 =	simm.s32 $0x680  }
0x6e: {  	[tilespmem:s31], [sflag:$0x4] =	stream.indirect.gather [hbm4b:s4+s14], $0x10, s12, s14, $0xb8;
	[tilespmem:$0xF800] =	vst v63  }
0x6f: {  	s12 =	simm.s32 $0x700  }
0x70: {  	[tilespmem:s25], [sflag:$0x4] =	stream.indirect.gather [hbm4b:s4+s14], $0x10, s12, s14, $0xb8;
	[tilespmem:$0xF800] =	vst v63  }
0x71: {  	s12 =	simm.s32 $0x780  }
0x72: {  	[tilespmem:s17], [sflag:$0x4] =	stream.indirect.gather [hbm4b:s4+s14], $0x10, s12, s14, $0xb8;
	[tilespmem:$0xF800] =	vst v63  }
0x73: {  	_ =	swait.ge [sflag:s5], $0x2000  }
0x74: {  	[sflag:s5] =	ssyncset.done $0x0  }
0x75: {  	s12 =	simm.s32 $0x2C00;
	[sflag:s5] =	ssyncadd.s32 $0xFFFFE000  }
0x76: {  	[spmem:s2] =	stream.indirect.scatter.add.f32 [tilespmem:s19], [sflag:$0x7], $0x10, s12, s14, $0xb8;
	[tilespmem:$0xF800] =	vst v63  }
0x77: {  	s12 =	simm.s32 $0x2C80  }
0x78: {  	[spmem:s2] =	stream.indirect.scatter.add.f32 [tilespmem:s23], [sflag:$0x7], $0x10, s12, s14, $0xb8;
	[tilespmem:$0xF800] =	vst v63  }
0x79: {  	s12 =	simm.s32 $0x2D00  }
0x7a: {  	[spmem:s2] =	stream.indirect.scatter.add.f32 [tilespmem:s28], [sflag:$0x7], $0x10, s12, s14, $0xb8;
	[tilespmem:$0xF800] =	vst v63  }
0x7b: {  	s12 =	simm.s32 $0x2D80  }
0x7c: {  	[spmem:s2] =	stream.indirect.scatter.add.f32 [tilespmem:s1], [sflag:$0x7], $0x10, s12, s14, $0xb8;
	[tilespmem:$0xF800] =	vst v63  }
0x7d: {  	_ =	swait.ge [sflag:s16], $0x2000  }
0x7e: {  	[sflag:s16] =	ssyncset.done $0x0  }
0x7f: {  	s12 =	simm.s32 $0x800;
	[sflag:s16] =	ssyncadd.s32 $0xFFFFE000  }
0x80: {  	[tilespmem:s6], [sflag:$0x1] =	stream.indirect.gather [hbm4b:s4+s14], $0x10, s12, s14, $0xb8;
	[tilespmem:$0xF800] =	vst v63  }
0x81: {  	s16 =	simm.s32 $0x880  }
0x82: {  	[tilespmem:s3], [sflag:$0x1] =	stream.indirect.gather [hbm4b:s4+s14], $0x10, s16, s14, $0xb8;
	[tilespmem:$0xF800] =	vst v63  }
0x83: {  	s6 =	simm.s32 $0x900  }
0x84: {  	[tilespmem:s13], [sflag:$0x1] =	stream.indirect.gather [hbm4b:s4+s14], $0x10, s6, s14, $0xb8;
	[tilespmem:$0xF800] =	vst v63  }
0x85: {  	s10 =	simm.s32 $0x980  }
0x86: {  	[tilespmem:s15], [sflag:$0x1] =	stream.indirect.gather [hbm4b:s4+s14], $0x10, s10, s14, $0xb8;
	[tilespmem:$0xF800] =	vst v63  }
0x87: {  	_ =	swait.ge [sflag:s7], $0x2000  }
0x88: {  	[sflag:s7] =	ssyncset.done $0x0  }
0x89: {  	s12 =	simm.s32 $0x2E00;
	[sflag:s7] =	ssyncadd.s32 $0xFFFFE000  }
0x8a: {  	[spmem:s2] =	stream.indirect.scatter.add.f32 [tilespmem:s21], [sflag:$0x8], $0x10, s12, s14, $0xb8;
	[tilespmem:$0xF800] =	vst v63  }
0x8b: {  	s13 =	simm.s32 $0x2E80  }
0x8c: {  	[spmem:s2] =	stream.indirect.scatter.add.f32 [tilespmem:s31], [sflag:$0x8], $0x10, s13, s14, $0xb8;
	[tilespmem:$0xF800] =	vst v63  }
0x8d: {  	s15 =	simm.s32 $0x2F00  }
0x8e: {  	[spmem:s2] =	stream.indirect.scatter.add.f32 [tilespmem:s25], [sflag:$0x8], $0x10, s15, s14, $0xb8;
	[tilespmem:$0xF800] =	vst v63  }
0x8f: {  	s6 =	simm.s32 $0x2F80  }
0x90: {  	[spmem:s2] =	stream.indirect.scatter.add.f32 [tilespmem:s17], [sflag:$0x8], $0x10, s6, s14, $0xb8;
	[tilespmem:$0xF800] =	vst v63  }
0x91: {  	_ =	swait.ge [sflag:s11], $0x2000  }
0x92: {  	[sflag:s11] =	ssyncset.done $0x0  }
0x93: {  	s10 =	simm.s32 $0xA00;
	[sflag:s11] =	ssyncadd.s32 $0xFFFFE000  }
0x94: {  	[tilespmem:s22], [sflag:$0x2] =	stream.indirect.gather [hbm4b:s4+s14], $0x10, s10, s14, $0xb8;
	[tilespmem:$0xF800] =	vst v63  }
0x95: {  	s12 =	simm.s32 $0xA80  }
0x96: {  	[tilespmem:s24], [sflag:$0x2] =	stream.indirect.gather [hbm4b:s4+s14], $0x10, s12, s14, $0xb8;
	[tilespmem:$0xF800] =	vst v63  }
0x97: {  	s13 =	simm.s32 $0xB00  }
0x98: {  	[tilespmem:s26], [sflag:$0x2] =	stream.indirect.gather [hbm4b:s4+s14], $0x10, s13, s14, $0xb8;
	[tilespmem:$0xF800] =	vst v63  }
0x99: {  	s16 =	simm.s32 $0x6800;
	s15 =	simm.s32 $0xB80;
	s12 =	simm.s32 $0x0  }
0x9a: {  	[tilespmem:s29], [sflag:$0x2] =	stream.indirect.gather [hbm4b:s4+s14], $0x10, s15, s14, $0xb8;
	[tilespmem:$0xF800] =	vst v63  }
.LBB2_2:
0x9b: {  	_ =	swait.ge [sflag:s30], $0x2000  }
0x9c: {  	s13 =	sshra.s32 s12, $0x2;
	[sflag:s30] =	ssyncset.done $0x0  }
0x9d: {  	s3 =	simm.s32 $0x5000;
	s6 =	sadd.s32 $0x3000, s13;
	[sflag:s30] =	ssyncadd.s32 $0xFFFFE000  }
0x9e: {  	[spmem:s2] =	stream.indirect.scatter.add.f32 [tilespmem:s3], [sflag:$0x5], $0x10, s6, s14, $0xb8;
	[tilespmem:$0xF800] =	vst v63  }
0x9f: {  	s10 =	sadd.s32 $0x3080, s13  }
0xa0: {  	[spmem:s2] =	stream.indirect.scatter.add.f32 [tilespmem:s18], [sflag:$0x5], $0x10, s10, s14, $0xb8;
	[tilespmem:$0xF800] =	vst v63  }
0xa1: {  	s15 =	sadd.s32 $0x3100, s13  }
0xa2: {  	[spmem:s2] =	stream.indirect.scatter.add.f32 [tilespmem:s20], [sflag:$0x5], $0x10, s15, s14, $0xb8;
	[tilespmem:$0xF800] =	vst v63  }
0xa3: {  	s3 =	sadd.s32 $0x3180, s13  }
0xa4: {  	[spmem:s2] =	stream.indirect.scatter.add.f32 [tilespmem:s16], [sflag:$0x5], $0x10, s3, s14, $0xb8;
	[tilespmem:$0xF800] =	vst v63  }
0xa5: {  	_ =	swait.ge [sflag:s8], $0x2000  }
0xa6: {  	[sflag:s8] =	ssyncset.done $0x0  }
0xa7: {  	s10 =	sadd.s32 $0xC00, s13;
	[sflag:s8] =	ssyncadd.s32 $0xFFFFE000  }
0xa8: {  	[tilespmem:s19], [sflag:$0x3] =	stream.indirect.gather [hbm4b:s4+s14], $0x10, s10, s14, $0xb8;
	[tilespmem:$0xF800] =	vst v63  }
0xa9: {  	s15 =	sadd.s32 $0xC80, s13  }
0xaa: {  	[tilespmem:s23], [sflag:$0x3] =	stream.indirect.gather [hbm4b:s4+s14], $0x10, s15, s14, $0xb8;
	[tilespmem:$0xF800] =	vst v63  }
0xab: {  	s3 =	sadd.s32 $0xD00, s13  }
0xac: {  	[tilespmem:s28], [sflag:$0x3] =	stream.indirect.gather [hbm4b:s4+s14], $0x10, s3, s14, $0xb8;
	[tilespmem:$0xF800] =	vst v63  }
0xad: {  	s10 =	sadd.s32 $0xD80, s13  }
0xae: {  	[tilespmem:s1], [sflag:$0x3] =	stream.indirect.gather [hbm4b:s4+s14], $0x10, s10, s14, $0xb8;
	[tilespmem:$0xF800] =	vst v63  }
0xaf: {  	_ =	swait.ge [sflag:s0], $0x2000  }
0xb0: {  	[sflag:s0] =	ssyncset.done $0x0  }
0xb1: {  	s15 =	sadd.s32 $0x3200, s13;
	[sflag:s0] =	ssyncadd.s32 $0xFFFFE000  }
0xb2: {  	[spmem:s2] =	stream.indirect.scatter.add.f32 [tilespmem:s22], [sflag:$0x6], $0x10, s15, s14, $0xb8;
	[tilespmem:$0xF800] =	vst v63  }
0xb3: {  	s3 =	sadd.s32 $0x3280, s13  }
0xb4: {  	[spmem:s2] =	stream.indirect.scatter.add.f32 [tilespmem:s24], [sflag:$0x6], $0x10, s3, s14, $0xb8;
	[tilespmem:$0xF800] =	vst v63  }
0xb5: {  	s10 =	sadd.s32 $0x3300, s13  }
0xb6: {  	[spmem:s2] =	stream.indirect.scatter.add.f32 [tilespmem:s26], [sflag:$0x6], $0x10, s10, s14, $0xb8;
	[tilespmem:$0xF800] =	vst v63  }
0xb7: {  	s15 =	sadd.s32 $0x3380, s13  }
0xb8: {  	[spmem:s2] =	stream.indirect.scatter.add.f32 [tilespmem:s29], [sflag:$0x6], $0x10, s15, s14, $0xb8;
	[tilespmem:$0xF800] =	vst v63  }
0xb9: {  	_ =	swait.ge [sflag:s9], $0x2000  }
0xba: {  	[sflag:s9] =	ssyncset.done $0x0  }
0xbb: {  	s3 =	sadd.s32 $0xE00, s13;
	[sflag:s9] =	ssyncadd.s32 $0xFFFFE000  }
0xbc: {  	[tilespmem:s21], [sflag:$0x4] =	stream.indirect.gather [hbm4b:s4+s14], $0x10, s3, s14, $0xb8;
	[tilespmem:$0xF800] =	vst v63  }
0xbd: {  	s10 =	sadd.s32 $0xE80, s13  }
0xbe: {  	[tilespmem:s31], [sflag:$0x4] =	stream.indirect.gather [hbm4b:s4+s14], $0x10, s10, s14, $0xb8;
	[tilespmem:$0xF800] =	vst v63  }
0xbf: {  	s15 =	sadd.s32 $0xF00, s13  }
0xc0: {  	[tilespmem:s25], [sflag:$0x4] =	stream.indirect.gather [hbm4b:s4+s14], $0x10, s15, s14, $0xb8;
	[tilespmem:$0xF800] =	vst v63  }
0xc1: {  	s3 =	sadd.s32 $0xF80, s13  }
0xc2: {  	[tilespmem:s17], [sflag:$0x4] =	stream.indirect.gather [hbm4b:s4+s14], $0x10, s3, s14, $0xb8;
	[tilespmem:$0xF800] =	vst v63  }
0xc3: {  	_ =	swait.ge [sflag:s5], $0x2000  }
0xc4: {  	[sflag:s5] =	ssyncset.done $0x0  }
0xc5: {  	s10 =	sadd.s32 $0x3400, s13;
	[sflag:s5] =	ssyncadd.s32 $0xFFFFE000  }
0xc6: {  	[spmem:s2] =	stream.indirect.scatter.add.f32 [tilespmem:s19], [sflag:$0x7], $0x10, s10, s14, $0xb8;
	[tilespmem:$0xF800] =	vst v63  }
0xc7: {  	s15 =	sadd.s32 $0x3480, s13  }
0xc8: {  	[spmem:s2] =	stream.indirect.scatter.add.f32 [tilespmem:s23], [sflag:$0x7], $0x10, s15, s14, $0xb8;
	[tilespmem:$0xF800] =	vst v63  }
0xc9: {  	p0 =	seq.s32 s12, $0x6000;
	s3 =	sadd.s32 $0x3500, s13  }
0xca: {  	[spmem:s2] =	stream.indirect.scatter.add.f32 [tilespmem:s28], [sflag:$0x7], $0x10, s3, s14, $0xb8;
	[tilespmem:$0xF800] =	vst v63  }
0xcb: {  	s6 =	simm.s32 @!p0 $0x5;
	s10 =	sadd.s32 $0x3580, s13  }
0xcc: {  	[spmem:s2] =	stream.indirect.scatter.add.f32 [tilespmem:s1], [sflag:$0x7], $0x10, s10, s14, $0xb8;
	[tilespmem:$0xF800] =	vst v63  }
0xcd: {  	_ =	swait.ge @!p0 [sflag:s6], $0x2000  }
0xce: {  	[sflag:s6] =	ssyncset.done @!p0 $0x0  }
0xcf: {  	[sflag:s6] =	ssyncadd.s32 @!p0 $0xFFFFE000;
	s6 =	sshra.s32 @!p0 s12, $0x2  }
0xd0: {  	s15 =	simm.s32 @!p0 $0x5000;
	s3 =	simm.s32 @!p0 $0x80;
	s10 =	sadd.s32 @!p0 $0x1000, s6  }
0xd1: {  	[tilespmem:s15], [sflag:$0x1] =	stream.indirect.gather @!p0 [hbm4b:s4+s3], $0x10, s10, s3, $0xb8;
	[tilespmem:$0xF800] =	vst v63  }
0xd2: {  	s10 =	sadd.s32 @!p0 $0x1080, s6;
	s15 =	simm.s32 @!p0 $0x5800  }
0xd3: {  	[tilespmem:s15], [sflag:$0x1] =	stream.indirect.gather @!p0 [hbm4b:s4+s3], $0x10, s10, s3, $0xb8;
	[tilespmem:$0xF800] =	vst v63  }
0xd4: {  	s10 =	sadd.s32 @!p0 $0x1100, s6;
	s15 =	simm.s32 @!p0 $0x6000  }
0xd5: {  	[tilespmem:s15], [sflag:$0x1] =	stream.indirect.gather @!p0 [hbm4b:s4+s3], $0x10, s10, s3, $0xb8;
	[tilespmem:$0xF800] =	vst v63  }
0xd6: {  	s6 =	sadd.s32 @!p0 $0x1180, s6;
	s10 =	simm.s32 @!p0 $0x6800  }
0xd7: {  	[tilespmem:s10], [sflag:$0x1] =	stream.indirect.gather @!p0 [hbm4b:s4+s3], $0x10, s6, s3, $0xb8;
	[tilespmem:$0xF800] =	vst v63  }
0xd8: {  	_ =	swait.ge [sflag:s7], $0x2000  }
0xd9: {  	[sflag:s7] =	ssyncset.done $0x0  }
0xda: {  	s15 =	sadd.s32 $0x3600, s13;
	[sflag:s7] =	ssyncadd.s32 $0xFFFFE000  }
0xdb: {  	[spmem:s2] =	stream.indirect.scatter.add.f32 [tilespmem:s21], [sflag:$0x8], $0x10, s15, s14, $0xb8;
	[tilespmem:$0xF800] =	vst v63  }
0xdc: {  	s6 =	sadd.s32 $0x3680, s13  }
0xdd: {  	[spmem:s2] =	stream.indirect.scatter.add.f32 [tilespmem:s31], [sflag:$0x8], $0x10, s6, s14, $0xb8;
	[tilespmem:$0xF800] =	vst v63  }
.Ltmp2:
0xde: {  	_ = 	snop;
	(pc) =	sbr.rel @p0 .LBB2_4-.Ltmp2, $4  }
0xdf: {  	s10 =	sadd.s32 $0x3700, s13  }
0xe0: {  	[spmem:s2] =	stream.indirect.scatter.add.f32 [tilespmem:s25], [sflag:$0x8], $0x10, s10, s14, $0xb8;
	[tilespmem:$0xF800] =	vst v63  }
0xe1: {  	s15 =	sadd.s32 $0x3780, s13  }
0xe2: {  	[spmem:s2] =	stream.indirect.scatter.add.f32 [tilespmem:s17], [sflag:$0x8], $0x10, s15, s14, $0xb8;
	[tilespmem:$0xF800] =	vst v63  }
0xe3: {  	_ =	swait.ge [sflag:s11], $0x2000  }
0xe4: {  	[sflag:s11] =	ssyncset.done $0x0  }
0xe5: {  	s3 =	sadd.s32 $0x1200, s13;
	[sflag:s11] =	ssyncadd.s32 $0xFFFFE000  }
0xe6: {  	[tilespmem:s22], [sflag:$0x2] =	stream.indirect.gather [hbm4b:s4+s14], $0x10, s3, s14, $0xb8;
	[tilespmem:$0xF800] =	vst v63  }
0xe7: {  	s6 =	sadd.s32 $0x1280, s13  }
0xe8: {  	[tilespmem:s24], [sflag:$0x2] =	stream.indirect.gather [hbm4b:s4+s14], $0x10, s6, s14, $0xb8;
	[tilespmem:$0xF800] =	vst v63  }
.Ltmp3:
0xe9: {  	_ = 	snop;
	(pc) =	sbr.rel .LBB2_2-.Ltmp3, $4  }
0xea: {  	s10 =	sadd.s32 $0x1300, s13  }
0xeb: {  	[tilespmem:s26], [sflag:$0x2] =	stream.indirect.gather [hbm4b:s4+s14], $0x10, s10, s14, $0xb8;
	[tilespmem:$0xF800] =	vst v63  }
0xec: {  	s15 =	sadd.s32 $0x1380, s13;
	s12 =	sadd.s32 $0x2000, s12  }
0xed: {  	[tilespmem:s29], [sflag:$0x2] =	stream.indirect.gather [hbm4b:s4+s14], $0x10, s15, s14, $0xb8;
	[tilespmem:$0xF800] =	vst v63  }
.LBB2_5:
0xee: {  	_ =	sfence.sel $0x180000  }
0xef: {  	[bflag:$0x0] =	sbarrier.arrive $0xFFFF  }
0xf0: {  	_ =	strace $0x9000004A  }
0xf1: {  	s0 =	stileid.u32;
	[bflag:$0x2] =	sbarrier.arrive $0xFFFF  }
0xf2: {  	p0 =	sne.s32 s0, $0x0;
	s0 =	rddreg [dreg:$0x2]  }
0xf3: {  	s0 =	sadd.s32 @!p0 $0x100000, s0  }
0xf4: {  	[sflag:s0] =	ssyncadd.tile.s32 @!p0 $0x1;
	_ =	shalt  }
.Lfunc_end2:
_tile_overlayer_lowered:
.L_overlay_start_2:
0xf5: {  	(tag) =	ssettag $0x2  }
0xf6: {  	s0 =	rddreg [dreg:$0x0];
	s2 =	stileid.u32  }
0xf7: {  	s1 =	rddreg [dreg:$0x1];
	p0 =	sne.s32 s2, $0x0  }
0xf8: {  	s3 =	rddreg [dreg:$0x2];
	[bflag:$0x3] =	sbarrier.arrive $0xFFFF;
	s2 =	simm.s32 @!p0 $0x1C09  }
0xf9: {  	[timem:s3], [sflag:s2] =	dma.local @!p0 [hbm:s0], s1  }
0xfa: {  	s0 =	simm.s32 @!p0 $0x9  }
0xfb: {  	_ =	swait.ge @!p0 [sflag:s0], s1  }
0xfc: {  	s1 =	ssub.s32 @!p0 $0x0, s1;
	[sflag:s0] =	ssyncset.done @!p0 $0x0  }
0xfd: {  	[sflag:s0] =	ssyncadd.s32 @!p0 s1  }
0xfe: {  	[bflag:$0x3] =	sbarrier.arrive $0xFFFF  }
0xff: {  	_ =	shalt  }

// kernel: kernel.14.cloned.1.call-start
scs
__scs_entry_jumppad:
0x0: {  	(pc) =	sbr.rel $0x88, $3  }
0x1: {  	(tag) =	ssettag $0x0;
	lr =	simm.s32 $0x1  }
0x2: {  	[smem:$0x3F9B] =	sst lr;
	_ =	strace $0xD0000000  }
0x3: {  	_ = 	snop  }
0x4: {  	_ = 	snop  }
0x5: {  	_ = 	snop  }
0x6: {  	_ = 	snop  }
0x7: {  	_ = 	snop  }
__scs_overlays_trampoline_lowered:
0x8: {  	[smem:$0x3FAA] =	sst s0  }
0x9: {  	[smem:$0x3FAB] =	sst s1  }
0xa: {  	[smem:$0x3FAC] =	sst s2  }
0xb: {  	[smem:$0x3FAD] =	sst s3  }
0xc: {  	[smem:$0x3FAE] =	sst s4  }
0xd: {  	[smem:$0x3FAF] =	sst s5  }
0xe: {  	[smem:$0x3FB0] =	sst s6  }
0xf: {  	[smem:$0x3FB1] =	sst s7  }
0x10: {  	[smem:$0x3FB2] =	sst s8  }
0x11: {  	[smem:$0x3FB3] =	sst s9;
	s0 =	simm.s32 @!p0 $0x0  }
0x12: {  	s1 =	sld [smem:$0x3F99];
	s0 =	simm.s32 @p0 $0x1  }
0x13: {  	[smem:$0x3FB4] =	sst s0;
	s0 =	simm.s32 @!p1 $0x0  }
0x14: {  	s2 =	sld [smem:$0x3F98];
	s0 =	simm.s32 @p1 $0x1  }
0x15: {  	[smem:$0x3FB5] =	sst s0;
	s0 =	simm.s32 @!p2 $0x0  }
0x16: {  	s3 =	sld [smem:$0x3FDB];
	s0 =	simm.s32 @p2 $0x1  }
0x17: {  	s4 =	simm.s32 $0x1BF5;
	[smem:$0x3FB7] =	sst s0  }
0x18: {  	s0 =	sld [smem:$0x3F9A];
	_ =	swait.ge [sflag:s4], $0x0  }
0x19: {  	s7 =	sld [smem:$0x3F9B]  }
0x1a: {  	s8 =	sadd.s32 $0xFFFFE003, lr  }
0x1b: {  	s9 =	sadd.s32 $0xFFFFFEF7, lr;
	s5 =	simm.s32 $0xFFFFFFFF;
	p2 =	slt.u32 s8, $0xFFFFF086  }
0x1c: {  	p1 =	slt.u32 s9, $0xF7A;
	s5 =	simm.s32 @!p2 $0x0  }
0x1d: {  	s5 =	simm.s32 @p1 $0x1;
	p0 =	seq.s32 s7, s2  }
0x1e: {  	s7 =	smul.u32 @!p0 $0xF7A, s2;
	p2 =	seq.s32 @!p0 s5, $0x0  }
0x1f: {  	s9 =	smul.u32 $0xF7A, s1;
	s8 =	simm.s32 @!p0 $0x1BF5;
	p2 =	por !p2, p0  }
0x20: {  	[sflag:s8] =	ssyncset.s32 @!p0 $0xFFFFF086;
	s6 =	sadd.s32 @!p0 s3, s7;
	s7 =	simm.s32 @!p0 $0x108  }
0x21: {  	s3 =	sadd.s32 s3, s9;
	s6 =	sadd.s32 @!p0 $0x88, s6;
	s7 =	simm.s32 @p2 $0x1082  }
0x22: {  	[simem:s7], [sflag:s8] =	dma.local @!p0 [hbm:s6], $0xF7A  }
0x23: {  	s9 =	sor.u32 $0xD0000000, s2;
	s6 =	simm.s32 $0x108;
	_ =	swait.ge @!p0 [sflag:s8], $0x0  }
0x24: {  	s3 =	sadd.s32 $0x88, s3;
	s6 =	simm.s32 @!p1 $0x1082;
	[sflag:s4] =	ssyncset.s32 $0xFFFFF086  }
0x25: {  	[simem:s6], [sflag:s4] =	dma.local [hbm:s3], $0xF7A  }
0x26: {  	[smem:$0x3F9B] =	sst s1;
	(tag) =	ssettag s2;
	_ =	strace s9  }
0x27: {  	s1 =	sld [smem:$0x3FAB]  }
0x28: {  	s2 =	sld [smem:$0x3FAC]  }
0x29: {  	s4 =	sld [smem:$0x3FAE]  }
0x2a: {  	p0 =	seq.s32 s5, $0x0;
	s5 =	sld [smem:$0x3FAF]  }
0x2b: {  	s6 =	sld [smem:$0x3FB0]  }
0x2c: {  	s7 =	sld [smem:$0x3FB1]  }
0x2d: {  	s3 =	simm.s32 $0x108;
	s8 =	sld [smem:$0x3FB2]  }
0x2e: {  	s3 =	simm.s32 @!p0 $0x1082;
	s9 =	sld [smem:$0x3FB3]  }
0x2f: {  	lr =	sadd.s32 s0, s3;
	s0 =	sld [smem:$0x3FAA]  }
0x30: {  	s3 =	sld [smem:$0x3FAD]  }
0x31: {  	[smem:$0x3FB6] =	sst s10  }
0x32: {  	s10 =	sld [smem:$0x3FB4];
	_ =	sdelay $0x3  }
0x33: {  	p0 =	seq.s32 s10, $0x1;
	s10 =	sld [smem:$0x3FB6];
	_ =	sdelay $0x3  }
0x34: {  	[smem:$0x3FB6] =	sst s10  }
0x35: {  	s10 =	sld [smem:$0x3FB5];
	_ =	sdelay $0x3  }
0x36: {  	p1 =	seq.s32 s10, $0x1;
	s10 =	sld [smem:$0x3FB6];
	_ =	sdelay $0x3  }
0x37: {  	[smem:$0x3FB6] =	sst s10  }
0x38: {  	s10 =	sld [smem:$0x3FB7]  }
0x39: {  	_ = 	snop;
	(pc) =	sbr.ind lr, $3  }
0x3a: {  	_ = 	snop  }
0x3b: {  	_ = 	snop  }
0x3c: {  	p2 =	seq.s32 s10, $0x1;
	s10 =	sld [smem:$0x3FB6]  }
0x3d: {  	_ =	shalt  }
0x3e: {  	_ =	shalt  }
0x3f: {  	_ =	shalt  }
0x40: {  	_ =	shalt  }
0x41: {  	_ =	shalt  }
0x42: {  	_ =	shalt  }
0x43: {  	_ =	shalt  }
0x44: {  	_ =	shalt  }
0x45: {  	_ =	shalt  }
0x46: {  	_ =	shalt  }
0x47: {  	_ =	shalt  }
0x48: {  	_ =	shalt  }
0x49: {  	_ =	shalt  }
0x4a: {  	_ =	shalt  }
0x4b: {  	_ =	shalt  }
0x4c: {  	_ =	shalt  }
0x4d: {  	_ =	shalt  }
0x4e: {  	_ =	shalt  }
0x4f: {  	_ =	shalt  }
0x50: {  	_ =	shalt  }
0x51: {  	_ =	shalt  }
0x52: {  	_ =	shalt  }
0x53: {  	_ =	shalt  }
0x54: {  	_ =	shalt  }
0x55: {  	_ =	shalt  }
0x56: {  	_ =	shalt  }
0x57: {  	_ =	shalt  }
0x58: {  	_ =	shalt  }
0x59: {  	_ =	shalt  }
0x5a: {  	_ =	shalt  }
0x5b: {  	_ =	shalt  }
0x5c: {  	_ =	shalt  }
0x5d: {  	_ =	shalt  }
0x5e: {  	_ =	shalt  }
0x5f: {  	_ =	shalt  }
0x60: {  	_ =	shalt  }
0x61: {  	_ =	shalt  }
0x62: {  	_ =	shalt  }
0x63: {  	_ =	shalt  }
0x64: {  	_ =	shalt  }
0x65: {  	_ =	shalt  }
0x66: {  	_ =	shalt  }
0x67: {  	_ =	shalt  }
0x68: {  	_ =	shalt  }
0x69: {  	_ =	shalt  }
0x6a: {  	_ =	shalt  }
0x6b: {  	_ =	shalt  }
0x6c: {  	_ =	shalt  }
0x6d: {  	_ =	shalt  }
0x6e: {  	_ =	shalt  }
0x6f: {  	_ =	shalt  }
0x70: {  	_ =	shalt  }
0x71: {  	_ =	shalt  }
0x72: {  	_ =	shalt  }
0x73: {  	_ =	shalt  }
0x74: {  	_ =	shalt  }
0x75: {  	_ =	shalt  }
0x76: {  	_ =	shalt  }
0x77: {  	_ =	shalt  }
0x78: {  	_ =	shalt  }
0x79: {  	_ =	shalt  }
0x7a: {  	_ =	shalt  }
0x7b: {  	_ =	shalt  }
0x7c: {  	_ =	shalt  }
0x7d: {  	_ =	shalt  }
0x7e: {  	_ =	shalt  }
0x7f: {  	_ =	shalt  }
0x80: {  	_ =	shalt  }
0x81: {  	_ =	shalt  }
0x82: {  	_ =	shalt  }
0x83: {  	_ =	shalt  }
0x84: {  	_ =	shalt  }
0x85: {  	_ =	shalt  }
0x86: {  	_ =	shalt  }
0x87: {  	_ =	shalt  }
.Lfunc_end0:
.L_simem_size_0:
called_computation.2_lowered:
.L_overlay_start_0:
0x88: {  	s2 =	sld [smem:$0x3FD9]  }
0x89: {  	s3 =	sld [smem:$0x3FFE];
	_ =	sdelay $0x1  }
0x8a: {  	s1 =	srdreg.scid  }
0x8b: {  	s0 =	sand.u32 $0x1, s1  }
0x8c: {  	s16 =	sshll.u32 s0, $0xA;
	s2 =	sadd.s32 s3, s2  }
0x8d: {  	s2 =	sadd.s32 s2, s16  }
0x8e: {  	[smem:$0x3FC2] =	sst s2  }
0x8f: {  	_ = 	snop  }
0x90: {  	(tm) =	ssettm $0x1  }
0x91: {  	s17 =	sld [smem:$0x3FFB];
	_ =	sdelay $0x3  }
0x92: {  	_ =	strace s17  }
0x93: {  	s2 =	sld [smem:$0x3FFC];
	_ =	sdelay $0x3  }
0x94: {  	_ =	strace s2  }
0x95: {  	s2 =	sld [smem:$0x3FFD];
	_ =	sdelay $0x3  }
0x96: {  	_ =	strace s2  }
0x97: {  	_ =	strace $0x8FFFFFFF  }
0x98: {  	s18 =	sld [smem:$0x3FDB];
	_ =	sdelay $0x1  }
0x99: {  	s19 =	simm.s32 $_scs_section_size  }
0x9a: {  	s4 =	simm.s32 $_size__tile_overlayer_lowered;
	s5 =	simm.s32 $_tile_overlayer_lowered  }
0x9b: {  	s22 =	simm.s32 $0x1BFF;
	s21 =	sshll.u32 s5, $0x1;
	s2 =	sadd.s32 s19, s18  }
0x9c: {  	s6 =	simm.s32 $0x0;
	s20 =	sshll.u32 s4, $0x1;
	s4 =	sadd.s32 s21, s2  }
0x9d: {  	[timem:s6], [sflag:s22] =	dma.local [hbm:s4], s20  }
0x9e: {  	_ =	swait.ge [sflag:s22], s20  }
0x9f: {  	s3 =	ssub.s32 $0x0, s20;
	[sflag:s22] =	ssyncset.done $0x0  }
0xa0: {  	[sflag:s22] =	ssyncadd.s32 s3;
	_ =	sdelay $0x1  }
0xa1: {  	s23 =	simm.s32 $0x1B8B  }
0xa2: {  	_ =	swait.ge [sflag:s23], $0x1  }
0xa3: {  	[sflag:s23] =	ssyncset.done $0x0  }
0xa4: {  	s25 =	simm.s32 $0x1B8E;
	s24 =	sld [smem:$0x3FFE];
	[sflag:s23] =	ssyncadd.s32 $0xFFFFFFFF  }
0xa5: {  	s26 =	simm.s32 $execute0_lowered;
	[smem:$0x3FD2] =	sst s25  }
0xa6: {  	s4 =	sshll.u32 s26, $0x1;
	_ =	strace $0x8000004C;
	[dreg:$0x1] =	wrdreg $0xFFFFFFFF  }
0xa7: {  	s28 =	simm.s32 $_size_execute0_lowered;
	s2 =	sadd.s32 s2, s4;
	[dreg:$0x0] =	wrdreg $0x0  }
0xa8: {  	s4 =	sshll.u32 s28, $0x1;
	[dreg:$0x2] =	wrdreg s2  }
0xa9: {  	[dreg:$0x3] =	wrdreg s4  }
0xaa: {  	[dreg:$0x4] =	wrdreg $0xC0  }
0xab: {  	_ =	task [dreg:s6], $0x5FFFF  }
0xac: {  	[dreg:$0x1] =	wrdreg $0xFFFFFFFF  }
0xad: {  	[dreg:$0x0] =	wrdreg $0x60  }
0xae: {  	[dreg:$0x2] =	wrdreg s24  }
0xaf: {  	[dreg:$0x3] =	wrdreg $0xD0000  }
0xb0: {  	[dreg:$0x4] =	wrdreg $0x9  }
0xb1: {  	_ =	task.clear_ibuf [dreg:s6], $0x5FFFF;
	_ =	strace $0x9000004C  }
0xb2: {  	s29 =	simm.s32 $0x9;
	_ =	strace $0x8000004E  }
0xb3: {  	_ =	swait.ge [sflag:s29], $0x1  }
0xb4: {  	[sflag:s29] =	ssyncadd.s32 $0xFFFFFFFF  }
0xb5: {  	_ =	strace $0x9000004E  }
0xb6: {  	_ =	sfence  }
0xb7: {  	s30 =	sld [smem:$0x0];
	_ =	sdelay $0x2  }
0xb8: {  	s31 =	sshll.u32 s1, $0xD;
	s1 =	sshrl.u32 s1, $0x2  }
0xb9: {  	s3 =	sand.u32 $0x4000, s31;
	s1 =	sadd.s32 s1, s30  }
0xba: {  	s0 =	sor.u32 s3, s0;
	s1 =	sshll.u32 s1, $0x11  }
0xbb: {  	s0 =	sor.u32 s1, s0  }
0xbc: {  	s0 =	sadd.s32 $0x8F2B, s0  }
0xbd: {  	[sflag:s0] =	ssyncadd.remote.s32 $0x1  }
0xbe: {  	_ =	sfence.sel $0xFFFF  }
0xbf: {  	[dreg:$0x0] =	wrdreg $0xFFFFFFFF;
	(pc) =	sbr.abs _section_cstart, $3  }
0xc0: {  	[dreg:$0x1] =	wrdreg $0xFFFFFFFF  }
0xc1: {  	_ =	task.clear_ibuf [dreg:s6], $0x2FFFF;
	_ =	strace $0x9FFFFFFF  }
0xc2: {  	(tm) =	ssettm $0x7FFFFFFF  }
0xc3: {  	_ =	shalt  }
tec
execute0_lowered:
.L_overlay_start_1:
0x0: {  	(tag) =	ssettag $0x1  }
0x1: {  	s0 =	srdreg.scid;
	s3 =	rddreg [dreg:$0x0]  }
0x2: {  	s8 =	stileid.u32;
	s2 =	rddreg [dreg:$0x1];
	s4 =	simm.s32 $0x0  }
0x3: {  	s10 =	simm.s32 $0x9;
	s14 =	simm.s32 $0x80;
	s29 =	simm.s32 $0x8800  }
0x4: {  	s30 =	simm.s32 $0x1;
	s19 =	simm.s32 $0x9000;
	s28 =	simm.s32 $0xA000  }
0x5: {  	s21 =	simm.s32 $0xB000;
	s31 =	simm.s32 $0xB800;
	s17 =	simm.s32 $0xC800  }
0x6: {  	s16 =	simm.s32 $0x5;
	s11 =	simm.s32 $0x6;
	s9 =	simm.s32 $0x8  }
0x7: {  	s18 =	simm.s32 $0x5800;
	s20 =	simm.s32 $0x6000;
	s0 =	sand.u32 $0x1, s0  }
0x8: {  	s1 =	sshll.u32 s8, $0x1;
	s5 =	smul.u32 $0x2800, s8;
	[smem:$0x7FF] =	sst s4  }
0x9: {  	s4 =	sadd.s32 $0x1B400, s3;
	s26 =	sshll.u32 s8, $0x6;
	s8 =	simm.s32 $0x7  }
0xa: {  	s1 =	sor.u32 s0, s1;
	s6 =	smul.u32 $0x28000, s0;
	_ =	strace $0x8000004D  }
0xb: {  	s0 =	ssub.s32 $0x2, s0;
	s13 =	sor.u32 $0x1C09, s26;
	s26 =	simm.s32 $0x8000  }
0xc: {  	s1 =	smul.u32 $0x500, s1;
	s7 =	sshrl.u32 s5, $0x3;
	s22 =	sshrl.u32 s0, $0x1  }
0xd: {  	s24 =	sadd.s32 s5, s2;
	[dreg:$0x8] =	wrdreg s13;
	s6 =	sadd.s32 s5, s6  }
0xe: {  	s7 =	sadd.s32 s7, s3;
	s0 =	ssub.s32 s0, s22;
	s15 =	sshrl.u32 s24, $0x3  }
0xf: {  	s22 =	simm.s32 $0x7000;
	s24 =	simm.s32 $0x7800;
	s5 =	simm.s32 $0x3  }
0x10: {  	s1 =	sadd.s32 s1, s3;
	s6 =	sshrl.u32 s6, $0x3;
	s25 =	sadd.s32 $0x16400, s7  }
0x11: {  	s0 =	smax.u32 s0, $0x1;
	s7 =	simm.s32 $0x4;
	[dreg:$0x9] =	wrdreg s15  }
.Ltmp0:
0x12: {  	s3 =	sadd.s32 s6, s3;
	[dreg:$0x5] =	wrdreg s25;
	(pc) =	sbr.rel .LBB2_1-.Ltmp0, $4  }
0x13: {  	s23 =	sadd.s32 $0xC400, s1;
	s1 =	sadd.s32 $0x2400, s1;
	[dreg:$0x7] =	wrdreg s0  }
0x14: {  	s0 =	simm.s32 $0x2;
	s25 =	simm.s32 $0xC000;
	[dreg:$0x3] =	wrdreg s23  }
0x15: {  	s6 =	simm.s32 $0x0;
	[dreg:$0x4] =	wrdreg s1;
	s3 =	sadd.s32 $0x20400, s3  }
0x16: {  	s23 =	simm.s32 $0x9800;
	s1 =	simm.s32 $0xA800;
	[dreg:$0x6] =	wrdreg s3  }
.LBB2_4:
0x17: {  	s16 =	simm.s32 $0x5  }
0x18: {  	_ =	swait.ge [sflag:s16], $0x2000  }
0x19: {  	[sflag:s16] =	ssyncset.done $0x0  }
0x1a: {  	[sflag:s16] =	ssyncadd.s32 $0xFFFFE000  }
0x1b: {  	_ =	swait.ge [sflag:s11], $0x2000  }
0x1c: {  	[sflag:s11] =	ssyncset.done $0x0  }
0x1d: {  	[sflag:s11] =	ssyncadd.s32 $0xFFFFE000  }
0x1e: {  	_ =	swait.ge [sflag:s8], $0x2000  }
0x1f: {  	[sflag:s8] =	ssyncset.done $0x0  }
0x20: {  	[sflag:s8] =	ssyncadd.s32 $0xFFFFE000  }
0x21: {  	_ =	swait.ge [sflag:s9], $0x2000  }
0x22: {  	[sflag:s9] =	ssyncset.done $0x0  }
0x23: {  	[sflag:s9] =	ssyncadd.s32 $0xFFFFE000  }
0x24: {  	[bflag:$0x0] =	sbarrier.arrive $0xFFFF  }
0x25: {  	s3 =	rddreg [dreg:$0x6]  }
0x26: {  	s13 =	rddreg [dreg:$0x8]  }
0x27: {  	s10 =	simm.s32 $0x9;
	s15 =	rddreg [dreg:$0x9]  }
0x28: {  	[hbm:s3], [sflag:s13] =	dma.local [spmem:s15], $0x500  }
0x29: {  	_ =	swait.ge [sflag:s10], $0x500  }
0x2a: {  	s6 =	rddreg [dreg:$0xa]  }
0x2b: {  	s12 =	rddreg [dreg:$0x7];
	s6 =	sadd.s32 $0x1, s6  }
0x2c: {  	p0 =	sne.s32 s6, s12  }
.Ltmp1:
0x2d: {  	_ = 	snop;
	(pc) =	sbr.rel @!p0 .LBB2_5-.Ltmp1, $3  }
0x2e: {  	_ =	sdelay $0x1  }
0x2f: {  	[sflag:s10] =	ssyncset.done $0x0  }
0x30: {  	[sflag:s10] =	ssyncadd.s32 $0xFFFFFB00  }
.LBB2_1:
0x31: {  	[dreg:$0xa] =	wrdreg s6  }
0x32: {  	s3 =	simm.s32 $0x0;
	s12 =	rddreg [dreg:$0x3]  }
0x33: {  	[tilespmem:s3], [sflag:$0x9] =	stream.linear.gather [hbm4b:s12+s3], $0x2800, $0x38;
	[tilespmem:$0xF800] =	vst v63  }
0x34: {  	_ =	swait.ge [sflag:s10], $0x2800  }
0x35: {  	[sflag:s10] =	ssyncset.done $0x0  }
0x36: {  	s12 =	simm.s32 $0x2800;
	s6 =	rddreg [dreg:$0x4];
	[sflag:s10] =	ssyncadd.s32 $0xFFFFD800  }
0x37: {  	[tilespmem:s12], [sflag:$0x9] =	stream.linear.gather [hbm4b:s6+s3], $0x2800, $0x38;
	[tilespmem:$0xF800] =	vst v63  }
0x38: {  	_ =	swait.ge [sflag:s10], $0x2800  }
0x39: {  	[sflag:s10] =	ssyncset.done $0x0  }
0x3a: {  	s6 =	rddreg [dreg:$0x5];
	[sflag:s10] =	ssyncadd.s32 $0xFFFFD800  }
0x3b: {  	[spmem:s15], [sflag:s13] =	dma.local [hbm:s6], $0x500  }
0x3c: {  	_ =	swait.ge [sflag:s10], $0x500  }
0x3d: {  	[sflag:s10] =	ssyncset.done $0x0  }
0x3e: {  	[sflag:s10] =	ssyncadd.s32 $0xFFFFFB00  }
0x3f: {  	s6 =	simm.s32 $0x5000;
	[bflag:$0x0] =	sbarrier.arrive $0xFFFF  }
0x40: {  	[tilespmem:s6], [sflag:$0x1] =	stream.indirect.gather [hbm4b:s4+s14], $0x10, s3, s14, $0xb8;
	[tilespmem:$0xF800] =	vst v63  }
0x41: {  	s3 =	simm.s32 $0x5800  }
0x42: {  	[tilespmem:s3], [sflag:$0x1] =	stream.indirect.gather [hbm4b:s4+s14], $0x10, s14, s14, $0xb8;
	[tilespmem:$0xF800] =	vst v63  }
0x43: {  	s15 =	simm.s32 $0x100;
	s13 =	simm.s32 $0x6000  }
0x44: {  	[tilespmem:s13], [sflag:$0x1] =	stream.indirect.gather [hbm4b:s4+s14], $0x10, s15, s14, $0xb8;
	[tilespmem:$0xF800] =	vst v63  }
0x45: {  	s10 =	simm.s32 $0x180;
	s15 =	simm.s32 $0x6800  }
0x46: {  	[tilespmem:s15], [sflag:$0x1] =	stream.indirect.gather [hbm4b:s4+s14], $0x10, s10, s14, $0xb8;
	[tilespmem:$0xF800] =	vst v63  }
0x47: {  	s10 =	simm.s32 $0x200  }
0x48: {  	[tilespmem:s22], [sflag:$0x2] =	stream.indirect.gather [hbm4b:s4+s14], $0x10, s10, s14, $0xb8;
	[tilespmem:$0xF800] =	vst v63  }
0x49: {  	s10 =	simm.s32 $0x280  }
0x4a: {  	[tilespmem:s24], [sflag:$0x2] =	stream.indirect.gather [hbm4b:s4+s14], $0x10, s10, s14, $0xb8;
	[tilespmem:$0xF800] =	vst v63  }
0x4b: {  	s10 =	simm.s32 $0x300  }
0x4c: {  	[tilespmem:s26], [sflag:$0x2] =	stream.indirect.gather [hbm4b:s4+s14], $0x10, s10, s14, $0xb8;
	[tilespmem:$0xF800] =	vst v63  }
0x4d: {  	s10 =	simm.s32 $0x380  }
0x4e: {  	[tilespmem:s29], [sflag:$0x2] =	stream.indirect.gather [hbm4b:s4+s14], $0x10, s10, s14, $0xb8;
	[tilespmem:$0xF800] =	vst v63  }
0x4f: {  	_ =	swait.ge [sflag:s30], $0x2000  }
0x50: {  	[sflag:s30] =	ssyncset.done $0x0  }
0x51: {  	[sflag:s30] =	ssyncadd.s32 $0xFFFFE000  }
0x52: {  	[spmem:s2] =	stream.indirect.scatter.add.f32 [tilespmem:s6], [sflag:$0x5], $0x10, s12, s14, $0xb8;
	[tilespmem:$0xF800] =	vst v63  }
0x53: {  	s12 =	simm.s32 $0x2880  }
0x54: {  	[spmem:s2] =	stream.indirect.scatter.add.f32 [tilespmem:s3], [sflag:$0x5], $0x10, s12, s14, $0xb8;
	[tilespmem:$0xF800] =	vst v63  }
0x55: {  	s12 =	simm.s32 $0x2900  }
0x56: {  	[spmem:s2] =	stream.indirect.scatter.add.f32 [tilespmem:s13], [sflag:$0x5], $0x10, s12, s14, $0xb8;
	[tilespmem:$0xF800] =	vst v63  }
0x57: {  	s12 =	simm.s32 $0x2980  }
0x58: {  	[spmem:s2] =	stream.indirect.scatter.add.f32 [tilespmem:s15], [sflag:$0x5], $0x10, s12, s14, $0xb8;
	[tilespmem:$0xF800] =	vst v63  }
0x59: {  	s12 =	simm.s32 $0x400  }
0x5a: {  	[tilespmem:s19], [sflag:$0x3] =	stream.indirect.gather [hbm4b:s4+s14], $0x10, s12, s14, $0xb8;
	[tilespmem:$0xF800] =	vst v63  }
0x5b: {  	s12 =	simm.s32 $0x480  }
0x5c: {  	[tilespmem:s23], [sflag:$0x3] =	stream.indirect.gather [hbm4b:s4+s14], $0x10, s12, s14, $0xb8;
	[tilespmem:$0xF800] =	vst v63  }
0x5d: {  	s12 =	simm.s32 $0x500  }
0x5e: {  	[tilespmem:s28], [sflag:$0x3] =	stream.indirect.gather [hbm4b:s4+s14], $0x10, s12, s14, $0xb8;
	[tilespmem:$0xF800] =	vst v63  }
0x5f: {  	s12 =	simm.s32 $0x580  }
0x60: {  	[tilespmem:s1], [sflag:$0x3] =	stream.indirect.gather [hbm4b:s4+s14], $0x10, s12, s14, $0xb8;
	[tilespmem:$0xF800] =	vst v63  }
0x61: {  	_ =	swait.ge [sflag:s0], $0x2000  }
0x62: {  	[sflag:s0] =	ssyncset.done $0x0  }
0x63: {  	s12 =	simm.s32 $0x2A00;
	[sflag:s0] =	ssyncadd.s32 $0xFFFFE000  }
0x64: {  	[spmem:s2] =	stream.indirect.scatter.add.f32 [tilespmem:s22], [sflag:$0x6], $0x10, s12, s14, $0xb8;
	[tilespmem:$0xF800] =	vst v63  }
0x65: {  	s12 =	simm.s32 $0x2A80  }
0x66: {  	[spmem:s2] =	stream.indirect.scatter.add.f32 [tilespmem:s24], [sflag:$0x6], $0x10, s12, s14, $0xb8;
	[tilespmem:$0xF800] =	vst v63  }
0x67: {  	s12 =	simm.s32 $0x2B00  }
0x68: {  	[spmem:s2] =	stream.indirect.scatter.add.f32 [tilespmem:s26], [sflag:$0x6], $0x10, s12, s14, $0xb8;
	[tilespmem:$0xF800] =	vst v63  }
0x69: {  	s12 =	simm.s32 $0x2B80  }
0x6a: {  	[spmem:s2] =	stream.indirect.scatter.add.f32 [tilespmem:s29], [sflag:$0x6], $0x10, s12, s14, $0xb8;
	[tilespmem:$0xF800] =	vst v63  }
0x6b: {  	s12 =	simm.s32 $0x600  }
0x6c: {  	[tilespmem:s21], [sflag:$0x4] =	stream.indirect.gather [hbm4b:s4+s14], $0x10, s12, s14, $0xb8;
	[tilespmem:$0xF800] =	vst v63  }
0x6d: {  	s12 =	simm.s32 $0x680  }
0x6e: {  	[tilespmem:s31], [sflag:$0x4] =	stream.indirect.gather [hbm4b:s4+s14], $0x10, s12, s14, $0xb8;
	[tilespmem:$0xF800] =	vst v63  }
0x6f: {  	s12 =	simm.s32 $0x700  }
0x70: {  	[tilespmem:s25], [sflag:$0x4] =	stream.indirect.gather [hbm4b:s4+s14], $0x10, s12, s14, $0xb8;
	[tilespmem:$0xF800] =	vst v63  }
0x71: {  	s12 =	simm.s32 $0x780  }
0x72: {  	[tilespmem:s17], [sflag:$0x4] =	stream.indirect.gather [hbm4b:s4+s14], $0x10, s12, s14, $0xb8;
	[tilespmem:$0xF800] =	vst v63  }
0x73: {  	_ =	swait.ge [sflag:s5], $0x2000  }
0x74: {  	[sflag:s5] =	ssyncset.done $0x0  }
0x75: {  	s12 =	simm.s32 $0x2C00;
	[sflag:s5] =	ssyncadd.s32 $0xFFFFE000  }
0x76: {  	[spmem:s2] =	stream.indirect.scatter.add.f32 [tilespmem:s19], [sflag:$0x7], $0x10, s12, s14, $0xb8;
	[tilespmem:$0xF800] =	vst v63  }
0x77: {  	s12 =	simm.s32 $0x2C80  }
0x78: {  	[spmem:s2] =	stream.indirect.scatter.add.f32 [tilespmem:s23], [sflag:$0x7], $0x10, s12, s14, $0xb8;
	[tilespmem:$0xF800] =	vst v63  }
0x79: {  	s12 =	simm.s32 $0x2D00  }
0x7a: {  	[spmem:s2] =	stream.indirect.scatter.add.f32 [tilespmem:s28], [sflag:$0x7], $0x10, s12, s14, $0xb8;
	[tilespmem:$0xF800] =	vst v63  }
0x7b: {  	s12 =	simm.s32 $0x2D80  }
0x7c: {  	[spmem:s2] =	stream.indirect.scatter.add.f32 [tilespmem:s1], [sflag:$0x7], $0x10, s12, s14, $0xb8;
	[tilespmem:$0xF800] =	vst v63  }
0x7d: {  	_ =	swait.ge [sflag:s16], $0x2000  }
0x7e: {  	[sflag:s16] =	ssyncset.done $0x0  }
0x7f: {  	s12 =	simm.s32 $0x800;
	[sflag:s16] =	ssyncadd.s32 $0xFFFFE000  }
0x80: {  	[tilespmem:s6], [sflag:$0x1] =	stream.indirect.gather [hbm4b:s4+s14], $0x10, s12, s14, $0xb8;
	[tilespmem:$0xF800] =	vst v63  }
0x81: {  	s16 =	simm.s32 $0x880  }
0x82: {  	[tilespmem:s3], [sflag:$0x1] =	stream.indirect.gather [hbm4b:s4+s14], $0x10, s16, s14, $0xb8;
	[tilespmem:$0xF800] =	vst v63  }
0x83: {  	s6 =	simm.s32 $0x900  }
0x84: {  	[tilespmem:s13], [sflag:$0x1] =	stream.indirect.gather [hbm4b:s4+s14], $0x10, s6, s14, $0xb8;
	[tilespmem:$0xF800] =	vst v63  }
0x85: {  	s10 =	simm.s32 $0x980  }
0x86: {  	[tilespmem:s15], [sflag:$0x1] =	stream.indirect.gather [hbm4b:s4+s14], $0x10, s10, s14, $0xb8;
	[tilespmem:$0xF800] =	vst v63  }
0x87: {  	_ =	swait.ge [sflag:s7], $0x2000  }
0x88: {  	[sflag:s7] =	ssyncset.done $0x0  }
0x89: {  	s12 =	simm.s32 $0x2E00;
	[sflag:s7] =	ssyncadd.s32 $0xFFFFE000  }
0x8a: {  	[spmem:s2] =	stream.indirect.scatter.add.f32 [tilespmem:s21], [sflag:$0x8], $0x10, s12, s14, $0xb8;
	[tilespmem:$0xF800] =	vst v63  }
0x8b: {  	s13 =	simm.s32 $0x2E80  }
0x8c: {  	[spmem:s2] =	stream.indirect.scatter.add.f32 [tilespmem:s31], [sflag:$0x8], $0x10, s13, s14, $0xb8;
	[tilespmem:$0xF800] =	vst v63  }
0x8d: {  	s15 =	simm.s32 $0x2F00  }
0x8e: {  	[spmem:s2] =	stream.indirect.scatter.add.f32 [tilespmem:s25], [sflag:$0x8], $0x10, s15, s14, $0xb8;
	[tilespmem:$0xF800] =	vst v63  }
0x8f: {  	s6 =	simm.s32 $0x2F80  }
0x90: {  	[spmem:s2] =	stream.indirect.scatter.add.f32 [tilespmem:s17], [sflag:$0x8], $0x10, s6, s14, $0xb8;
	[tilespmem:$0xF800] =	vst v63  }
0x91: {  	_ =	swait.ge [sflag:s11], $0x2000  }
0x92: {  	[sflag:s11] =	ssyncset.done $0x0  }
0x93: {  	s10 =	simm.s32 $0xA00;
	[sflag:s11] =	ssyncadd.s32 $0xFFFFE000  }
0x94: {  	[tilespmem:s22], [sflag:$0x2] =	stream.indirect.gather [hbm4b:s4+s14], $0x10, s10, s14, $0xb8;
	[tilespmem:$0xF800] =	vst v63  }
0x95: {  	s12 =	simm.s32 $0xA80  }
0x96: {  	[tilespmem:s24], [sflag:$0x2] =	stream.indirect.gather [hbm4b:s4+s14], $0x10, s12, s14, $0xb8;
	[tilespmem:$0xF800] =	vst v63  }
0x97: {  	s13 =	simm.s32 $0xB00  }
0x98: {  	[tilespmem:s26], [sflag:$0x2] =	stream.indirect.gather [hbm4b:s4+s14], $0x10, s13, s14, $0xb8;
	[tilespmem:$0xF800] =	vst v63  }
0x99: {  	s16 =	simm.s32 $0x6800;
	s15 =	simm.s32 $0xB80;
	s12 =	simm.s32 $0x0  }
0x9a: {  	[tilespmem:s29], [sflag:$0x2] =	stream.indirect.gather [hbm4b:s4+s14], $0x10, s15, s14, $0xb8;
	[tilespmem:$0xF800] =	vst v63  }
.LBB2_2:
0x9b: {  	_ =	swait.ge [sflag:s30], $0x2000  }
0x9c: {  	s13 =	sshra.s32 s12, $0x2;
	[sflag:s30] =	ssyncset.done $0x0  }
0x9d: {  	s3 =	simm.s32 $0x5000;
	s6 =	sadd.s32 $0x3000, s13;
	[sflag:s30] =	ssyncadd.s32 $0xFFFFE000  }
0x9e: {  	[spmem:s2] =	stream.indirect.scatter.add.f32 [tilespmem:s3], [sflag:$0x5], $0x10, s6, s14, $0xb8;
	[tilespmem:$0xF800] =	vst v63  }
0x9f: {  	s10 =	sadd.s32 $0x3080, s13  }
0xa0: {  	[spmem:s2] =	stream.indirect.scatter.add.f32 [tilespmem:s18], [sflag:$0x5], $0x10, s10, s14, $0xb8;
	[tilespmem:$0xF800] =	vst v63  }
0xa1: {  	s15 =	sadd.s32 $0x3100, s13  }
0xa2: {  	[spmem:s2] =	stream.indirect.scatter.add.f32 [tilespmem:s20], [sflag:$0x5], $0x10, s15, s14, $0xb8;
	[tilespmem:$0xF800] =	vst v63  }
0xa3: {  	s3 =	sadd.s32 $0x3180, s13  }
0xa4: {  	[spmem:s2] =	stream.indirect.scatter.add.f32 [tilespmem:s16], [sflag:$0x5], $0x10, s3, s14, $0xb8;
	[tilespmem:$0xF800] =	vst v63  }
0xa5: {  	_ =	swait.ge [sflag:s8], $0x2000  }
0xa6: {  	[sflag:s8] =	ssyncset.done $0x0  }
0xa7: {  	s10 =	sadd.s32 $0xC00, s13;
	[sflag:s8] =	ssyncadd.s32 $0xFFFFE000  }
0xa8: {  	[tilespmem:s19], [sflag:$0x3] =	stream.indirect.gather [hbm4b:s4+s14], $0x10, s10, s14, $0xb8;
	[tilespmem:$0xF800] =	vst v63  }
0xa9: {  	s15 =	sadd.s32 $0xC80, s13  }
0xaa: {  	[tilespmem:s23], [sflag:$0x3] =	stream.indirect.gather [hbm4b:s4+s14], $0x10, s15, s14, $0xb8;
	[tilespmem:$0xF800] =	vst v63  }
0xab: {  	s3 =	sadd.s32 $0xD00, s13  }
0xac: {  	[tilespmem:s28], [sflag:$0x3] =	stream.indirect.gather [hbm4b:s4+s14], $0x10, s3, s14, $0xb8;
	[tilespmem:$0xF800] =	vst v63  }
0xad: {  	s10 =	sadd.s32 $0xD80, s13  }
0xae: {  	[tilespmem:s1], [sflag:$0x3] =	stream.indirect.gather [hbm4b:s4+s14], $0x10, s10, s14, $0xb8;
	[tilespmem:$0xF800] =	vst v63  }
0xaf: {  	_ =	swait.ge [sflag:s0], $0x2000  }
0xb0: {  	[sflag:s0] =	ssyncset.done $0x0  }
0xb1: {  	s15 =	sadd.s32 $0x3200, s13;
	[sflag:s0] =	ssyncadd.s32 $0xFFFFE000  }
0xb2: {  	[spmem:s2] =	stream.indirect.scatter.add.f32 [tilespmem:s22], [sflag:$0x6], $0x10, s15, s14, $0xb8;
	[tilespmem:$0xF800] =	vst v63  }
0xb3: {  	s3 =	sadd.s32 $0x3280, s13  }
0xb4: {  	[spmem:s2] =	stream.indirect.scatter.add.f32 [tilespmem:s24], [sflag:$0x6], $0x10, s3, s14, $0xb8;
	[tilespmem:$0xF800] =	vst v63  }
0xb5: {  	s10 =	sadd.s32 $0x3300, s13  }
0xb6: {  	[spmem:s2] =	stream.indirect.scatter.add.f32 [tilespmem:s26], [sflag:$0x6], $0x10, s10, s14, $0xb8;
	[tilespmem:$0xF800] =	vst v63  }
0xb7: {  	s15 =	sadd.s32 $0x3380, s13  }
0xb8: {  	[spmem:s2] =	stream.indirect.scatter.add.f32 [tilespmem:s29], [sflag:$0x6], $0x10, s15, s14, $0xb8;
	[tilespmem:$0xF800] =	vst v63  }
0xb9: {  	_ =	swait.ge [sflag:s9], $0x2000  }
0xba: {  	[sflag:s9] =	ssyncset.done $0x0  }
0xbb: {  	s3 =	sadd.s32 $0xE00, s13;
	[sflag:s9] =	ssyncadd.s32 $0xFFFFE000  }
0xbc: {  	[tilespmem:s21], [sflag:$0x4] =	stream.indirect.gather [hbm4b:s4+s14], $0x10, s3, s14, $0xb8;
	[tilespmem:$0xF800] =	vst v63  }
0xbd: {  	s10 =	sadd.s32 $0xE80, s13  }
0xbe: {  	[tilespmem:s31], [sflag:$0x4] =	stream.indirect.gather [hbm4b:s4+s14], $0x10, s10, s14, $0xb8;
	[tilespmem:$0xF800] =	vst v63  }
0xbf: {  	s15 =	sadd.s32 $0xF00, s13  }
0xc0: {  	[tilespmem:s25], [sflag:$0x4] =	stream.indirect.gather [hbm4b:s4+s14], $0x10, s15, s14, $0xb8;
	[tilespmem:$0xF800] =	vst v63  }
0xc1: {  	s3 =	sadd.s32 $0xF80, s13  }
0xc2: {  	[tilespmem:s17], [sflag:$0x4] =	stream.indirect.gather [hbm4b:s4+s14], $0x10, s3, s14, $0xb8;
	[tilespmem:$0xF800] =	vst v63  }
0xc3: {  	_ =	swait.ge [sflag:s5], $0x2000  }
0xc4: {  	[sflag:s5] =	ssyncset.done $0x0  }
0xc5: {  	s10 =	sadd.s32 $0x3400, s13;
	[sflag:s5] =	ssyncadd.s32 $0xFFFFE000  }
0xc6: {  	[spmem:s2] =	stream.indirect.scatter.add.f32 [tilespmem:s19], [sflag:$0x7], $0x10, s10, s14, $0xb8;
	[tilespmem:$0xF800] =	vst v63  }
0xc7: {  	s15 =	sadd.s32 $0x3480, s13  }
0xc8: {  	[spmem:s2] =	stream.indirect.scatter.add.f32 [tilespmem:s23], [sflag:$0x7], $0x10, s15, s14, $0xb8;
	[tilespmem:$0xF800] =	vst v63  }
0xc9: {  	p0 =	seq.s32 s12, $0x6000;
	s3 =	sadd.s32 $0x3500, s13  }
0xca: {  	[spmem:s2] =	stream.indirect.scatter.add.f32 [tilespmem:s28], [sflag:$0x7], $0x10, s3, s14, $0xb8;
	[tilespmem:$0xF800] =	vst v63  }
0xcb: {  	s6 =	simm.s32 @!p0 $0x5;
	s10 =	sadd.s32 $0x3580, s13  }
0xcc: {  	[spmem:s2] =	stream.indirect.scatter.add.f32 [tilespmem:s1], [sflag:$0x7], $0x10, s10, s14, $0xb8;
	[tilespmem:$0xF800] =	vst v63  }
0xcd: {  	_ =	swait.ge @!p0 [sflag:s6], $0x2000  }
0xce: {  	[sflag:s6] =	ssyncset.done @!p0 $0x0  }
0xcf: {  	[sflag:s6] =	ssyncadd.s32 @!p0 $0xFFFFE000;
	s6 =	sshra.s32 @!p0 s12, $0x2  }
0xd0: {  	s15 =	simm.s32 @!p0 $0x5000;
	s3 =	simm.s32 @!p0 $0x80;
	s10 =	sadd.s32 @!p0 $0x1000, s6  }
0xd1: {  	[tilespmem:s15], [sflag:$0x1] =	stream.indirect.gather @!p0 [hbm4b:s4+s3], $0x10, s10, s3, $0xb8;
	[tilespmem:$0xF800] =	vst v63  }
0xd2: {  	s10 =	sadd.s32 @!p0 $0x1080, s6;
	s15 =	simm.s32 @!p0 $0x5800  }
0xd3: {  	[tilespmem:s15], [sflag:$0x1] =	stream.indirect.gather @!p0 [hbm4b:s4+s3], $0x10, s10, s3, $0xb8;
	[tilespmem:$0xF800] =	vst v63  }
0xd4: {  	s10 =	sadd.s32 @!p0 $0x1100, s6;
	s15 =	simm.s32 @!p0 $0x6000  }
0xd5: {  	[tilespmem:s15], [sflag:$0x1] =	stream.indirect.gather @!p0 [hbm4b:s4+s3], $0x10, s10, s3, $0xb8;
	[tilespmem:$0xF800] =	vst v63  }
0xd6: {  	s6 =	sadd.s32 @!p0 $0x1180, s6;
	s10 =	simm.s32 @!p0 $0x6800  }
0xd7: {  	[tilespmem:s10], [sflag:$0x1] =	stream.indirect.gather @!p0 [hbm4b:s4+s3], $0x10, s6, s3, $0xb8;
	[tilespmem:$0xF800] =	vst v63  }
0xd8: {  	_ =	swait.ge [sflag:s7], $0x2000  }
0xd9: {  	[sflag:s7] =	ssyncset.done $0x0  }
0xda: {  	s15 =	sadd.s32 $0x3600, s13;
	[sflag:s7] =	ssyncadd.s32 $0xFFFFE000  }
0xdb: {  	[spmem:s2] =	stream.indirect.scatter.add.f32 [tilespmem:s21], [sflag:$0x8], $0x10, s15, s14, $0xb8;
	[tilespmem:$0xF800] =	vst v63  }
0xdc: {  	s6 =	sadd.s32 $0x3680, s13  }
0xdd: {  	[spmem:s2] =	stream.indirect.scatter.add.f32 [tilespmem:s31], [sflag:$0x8], $0x10, s6, s14, $0xb8;
	[tilespmem:$0xF800] =	vst v63  }
.Ltmp2:
0xde: {  	_ = 	snop;
	(pc) =	sbr.rel @p0 .LBB2_4-.Ltmp2, $4  }
0xdf: {  	s10 =	sadd.s32 $0x3700, s13  }
0xe0: {  	[spmem:s2] =	stream.indirect.scatter.add.f32 [tilespmem:s25], [sflag:$0x8], $0x10, s10, s14, $0xb8;
	[tilespmem:$0xF800] =	vst v63  }
0xe1: {  	s15 =	sadd.s32 $0x3780, s13  }
0xe2: {  	[spmem:s2] =	stream.indirect.scatter.add.f32 [tilespmem:s17], [sflag:$0x8], $0x10, s15, s14, $0xb8;
	[tilespmem:$0xF800] =	vst v63  }
0xe3: {  	_ =	swait.ge [sflag:s11], $0x2000  }
0xe4: {  	[sflag:s11] =	ssyncset.done $0x0  }
0xe5: {  	s3 =	sadd.s32 $0x1200, s13;
	[sflag:s11] =	ssyncadd.s32 $0xFFFFE000  }
0xe6: {  	[tilespmem:s22], [sflag:$0x2] =	stream.indirect.gather [hbm4b:s4+s14], $0x10, s3, s14, $0xb8;
	[tilespmem:$0xF800] =	vst v63  }
0xe7: {  	s6 =	sadd.s32 $0x1280, s13  }
0xe8: {  	[tilespmem:s24], [sflag:$0x2] =	stream.indirect.gather [hbm4b:s4+s14], $0x10, s6, s14, $0xb8;
	[tilespmem:$0xF800] =	vst v63  }
.Ltmp3:
0xe9: {  	_ = 	snop;
	(pc) =	sbr.rel .LBB2_2-.Ltmp3, $4  }
0xea: {  	s10 =	sadd.s32 $0x1300, s13  }
0xeb: {  	[tilespmem:s26], [sflag:$0x2] =	stream.indirect.gather [hbm4b:s4+s14], $0x10, s10, s14, $0xb8;
	[tilespmem:$0xF800] =	vst v63  }
0xec: {  	s15 =	sadd.s32 $0x1380, s13;
	s12 =	sadd.s32 $0x2000, s12  }
0xed: {  	[tilespmem:s29], [sflag:$0x2] =	stream.indirect.gather [hbm4b:s4+s14], $0x10, s15, s14, $0xb8;
	[tilespmem:$0xF800] =	vst v63  }
.LBB2_5:
0xee: {  	_ =	sfence.sel $0x180000  }
0xef: {  	[bflag:$0x0] =	sbarrier.arrive $0xFFFF  }
0xf0: {  	_ =	strace $0x9000004D  }
0xf1: {  	s0 =	stileid.u32;
	[bflag:$0x2] =	sbarrier.arrive $0xFFFF  }
0xf2: {  	p0 =	sne.s32 s0, $0x0;
	s0 =	rddreg [dreg:$0x2]  }
0xf3: {  	s0 =	sadd.s32 @!p0 $0x100000, s0  }
0xf4: {  	[sflag:s0] =	ssyncadd.tile.s32 @!p0 $0x1;
	_ =	shalt  }
.Lfunc_end2:
_tile_overlayer_lowered:
.L_overlay_start_2:
0xf5: {  	(tag) =	ssettag $0x2  }
0xf6: {  	s0 =	rddreg [dreg:$0x0];
	s2 =	stileid.u32  }
0xf7: {  	s1 =	rddreg [dreg:$0x1];
	p0 =	sne.s32 s2, $0x0  }
0xf8: {  	s3 =	rddreg [dreg:$0x2];
	[bflag:$0x3] =	sbarrier.arrive $0xFFFF;
	s2 =	simm.s32 @!p0 $0x1C09  }
0xf9: {  	[timem:s3], [sflag:s2] =	dma.local @!p0 [hbm:s0], s1  }
0xfa: {  	s0 =	simm.s32 @!p0 $0x9  }
0xfb: {  	_ =	swait.ge @!p0 [sflag:s0], s1  }
0xfc: {  	s1 =	ssub.s32 @!p0 $0x0, s1;
	[sflag:s0] =	ssyncset.done @!p0 $0x0  }
0xfd: {  	[sflag:s0] =	ssyncadd.s32 @!p0 s1  }
0xfe: {  	[bflag:$0x3] =	sbarrier.arrive $0xFFFF  }
0xff: {  	_ =	shalt  }

// kernel: kernel.8.cloned.1.call-start
scs
__scs_entry_jumppad:
0x0: {  	(pc) =	sbr.rel $0x88, $3  }
0x1: {  	(tag) =	ssettag $0x0;
	lr =	simm.s32 $0x1  }
0x2: {  	[smem:$0x3F9B] =	sst lr;
	_ =	strace $0xD0000000  }
0x3: {  	_ = 	snop  }
0x4: {  	_ = 	snop  }
0x5: {  	_ = 	snop  }
0x6: {  	_ = 	snop  }
0x7: {  	_ = 	snop  }
__scs_overlays_trampoline_lowered:
0x8: {  	[smem:$0x3FAA] =	sst s0  }
0x9: {  	[smem:$0x3FAB] =	sst s1  }
0xa: {  	[smem:$0x3FAC] =	sst s2  }
0xb: {  	[smem:$0x3FAD] =	sst s3  }
0xc: {  	[smem:$0x3FAE] =	sst s4  }
0xd: {  	[smem:$0x3FAF] =	sst s5  }
0xe: {  	[smem:$0x3FB0] =	sst s6  }
0xf: {  	[smem:$0x3FB1] =	sst s7  }
0x10: {  	[smem:$0x3FB2] =	sst s8  }
0x11: {  	[smem:$0x3FB3] =	sst s9;
	s0 =	simm.s32 @!p0 $0x0  }
0x12: {  	s1 =	sld [smem:$0x3F99];
	s0 =	simm.s32 @p0 $0x1  }
0x13: {  	[smem:$0x3FB4] =	sst s0;
	s0 =	simm.s32 @!p1 $0x0  }
0x14: {  	s2 =	sld [smem:$0x3F98];
	s0 =	simm.s32 @p1 $0x1  }
0x15: {  	[smem:$0x3FB5] =	sst s0;
	s0 =	simm.s32 @!p2 $0x0  }
0x16: {  	s3 =	sld [smem:$0x3FDB];
	s0 =	simm.s32 @p2 $0x1  }
0x17: {  	s4 =	simm.s32 $0x1BF5;
	[smem:$0x3FB7] =	sst s0  }
0x18: {  	s0 =	sld [smem:$0x3F9A];
	_ =	swait.ge [sflag:s4], $0x0  }
0x19: {  	s7 =	sld [smem:$0x3F9B]  }
0x1a: {  	s8 =	sadd.s32 $0xFFFFE003, lr  }
0x1b: {  	s9 =	sadd.s32 $0xFFFFFEF7, lr;
	s5 =	simm.s32 $0xFFFFFFFF;
	p2 =	slt.u32 s8, $0xFFFFF086  }
0x1c: {  	p1 =	slt.u32 s9, $0xF7A;
	s5 =	simm.s32 @!p2 $0x0  }
0x1d: {  	s5 =	simm.s32 @p1 $0x1;
	p0 =	seq.s32 s7, s2  }
0x1e: {  	s7 =	smul.u32 @!p0 $0xF7A, s2;
	p2 =	seq.s32 @!p0 s5, $0x0  }
0x1f: {  	s9 =	smul.u32 $0xF7A, s1;
	s8 =	simm.s32 @!p0 $0x1BF5;
	p2 =	por !p2, p0  }
0x20: {  	[sflag:s8] =	ssyncset.s32 @!p0 $0xFFFFF086;
	s6 =	sadd.s32 @!p0 s3, s7;
	s7 =	simm.s32 @!p0 $0x108  }
0x21: {  	s3 =	sadd.s32 s3, s9;
	s6 =	sadd.s32 @!p0 $0x88, s6;
	s7 =	simm.s32 @p2 $0x1082  }
0x22: {  	[simem:s7], [sflag:s8] =	dma.local @!p0 [hbm:s6], $0xF7A  }
0x23: {  	s9 =	sor.u32 $0xD0000000, s2;
	s6 =	simm.s32 $0x108;
	_ =	swait.ge @!p0 [sflag:s8], $0x0  }
0x24: {  	s3 =	sadd.s32 $0x88, s3;
	s6 =	simm.s32 @!p1 $0x1082;
	[sflag:s4] =	ssyncset.s32 $0xFFFFF086  }
0x25: {  	[simem:s6], [sflag:s4] =	dma.local [hbm:s3], $0xF7A  }
0x26: {  	[smem:$0x3F9B] =	sst s1;
	(tag) =	ssettag s2;
	_ =	strace s9  }
0x27: {  	s1 =	sld [smem:$0x3FAB]  }
0x28: {  	s2 =	sld [smem:$0x3FAC]  }
0x29: {  	s4 =	sld [smem:$0x3FAE]  }
0x2a: {  	p0 =	seq.s32 s5, $0x0;
	s5 =	sld [smem:$0x3FAF]  }
0x2b: {  	s6 =	sld [smem:$0x3FB0]  }
0x2c: {  	s7 =	sld [smem:$0x3FB1]  }
0x2d: {  	s3 =	simm.s32 $0x108;
	s8 =	sld [smem:$0x3FB2]  }
0x2e: {  	s3 =	simm.s32 @!p0 $0x1082;
	s9 =	sld [smem:$0x3FB3]  }
0x2f: {  	lr =	sadd.s32 s0, s3;
	s0 =	sld [smem:$0x3FAA]  }
0x30: {  	s3 =	sld [smem:$0x3FAD]  }
0x31: {  	[smem:$0x3FB6] =	sst s10  }
0x32: {  	s10 =	sld [smem:$0x3FB4];
	_ =	sdelay $0x3  }
0x33: {  	p0 =	seq.s32 s10, $0x1;
	s10 =	sld [smem:$0x3FB6];
	_ =	sdelay $0x3  }
0x34: {  	[smem:$0x3FB6] =	sst s10  }
0x35: {  	s10 =	sld [smem:$0x3FB5];
	_ =	sdelay $0x3  }
0x36: {  	p1 =	seq.s32 s10, $0x1;
	s10 =	sld [smem:$0x3FB6];
	_ =	sdelay $0x3  }
0x37: {  	[smem:$0x3FB6] =	sst s10  }
0x38: {  	s10 =	sld [smem:$0x3FB7]  }
0x39: {  	_ = 	snop;
	(pc) =	sbr.ind lr, $3  }
0x3a: {  	_ = 	snop  }
0x3b: {  	_ = 	snop  }
0x3c: {  	p2 =	seq.s32 s10, $0x1;
	s10 =	sld [smem:$0x3FB6]  }
0x3d: {  	_ =	shalt  }
0x3e: {  	_ =	shalt  }
0x3f: {  	_ =	shalt  }
0x40: {  	_ =	shalt  }
0x41: {  	_ =	shalt  }
0x42: {  	_ =	shalt  }
0x43: {  	_ =	shalt  }
0x44: {  	_ =	shalt  }
0x45: {  	_ =	shalt  }
0x46: {  	_ =	shalt  }
0x47: {  	_ =	shalt  }
0x48: {  	_ =	shalt  }
0x49: {  	_ =	shalt  }
0x4a: {  	_ =	shalt  }
0x4b: {  	_ =	shalt  }
0x4c: {  	_ =	shalt  }
0x4d: {  	_ =	shalt  }
0x4e: {  	_ =	shalt  }
0x4f: {  	_ =	shalt  }
0x50: {  	_ =	shalt  }
0x51: {  	_ =	shalt  }
0x52: {  	_ =	shalt  }
0x53: {  	_ =	shalt  }
0x54: {  	_ =	shalt  }
0x55: {  	_ =	shalt  }
0x56: {  	_ =	shalt  }
0x57: {  	_ =	shalt  }
0x58: {  	_ =	shalt  }
0x59: {  	_ =	shalt  }
0x5a: {  	_ =	shalt  }
0x5b: {  	_ =	shalt  }
0x5c: {  	_ =	shalt  }
0x5d: {  	_ =	shalt  }
0x5e: {  	_ =	shalt  }
0x5f: {  	_ =	shalt  }
0x60: {  	_ =	shalt  }
0x61: {  	_ =	shalt  }
0x62: {  	_ =	shalt  }
0x63: {  	_ =	shalt  }
0x64: {  	_ =	shalt  }
0x65: {  	_ =	shalt  }
0x66: {  	_ =	shalt  }
0x67: {  	_ =	shalt  }
0x68: {  	_ =	shalt  }
0x69: {  	_ =	shalt  }
0x6a: {  	_ =	shalt  }
0x6b: {  	_ =	shalt  }
0x6c: {  	_ =	shalt  }
0x6d: {  	_ =	shalt  }
0x6e: {  	_ =	shalt  }
0x6f: {  	_ =	shalt  }
0x70: {  	_ =	shalt  }
0x71: {  	_ =	shalt  }
0x72: {  	_ =	shalt  }
0x73: {  	_ =	shalt  }
0x74: {  	_ =	shalt  }
0x75: {  	_ =	shalt  }
0x76: {  	_ =	shalt  }
0x77: {  	_ =	shalt  }
0x78: {  	_ =	shalt  }
0x79: {  	_ =	shalt  }
0x7a: {  	_ =	shalt  }
0x7b: {  	_ =	shalt  }
0x7c: {  	_ =	shalt  }
0x7d: {  	_ =	shalt  }
0x7e: {  	_ =	shalt  }
0x7f: {  	_ =	shalt  }
0x80: {  	_ =	shalt  }
0x81: {  	_ =	shalt  }
0x82: {  	_ =	shalt  }
0x83: {  	_ =	shalt  }
0x84: {  	_ =	shalt  }
0x85: {  	_ =	shalt  }
0x86: {  	_ =	shalt  }
0x87: {  	_ =	shalt  }
.Lfunc_end0:
.L_simem_size_0:
called_computation_lowered:
.L_overlay_start_0:
0x88: {  	s2 =	sld [smem:$0x3FD9]  }
0x89: {  	s3 =	sld [smem:$0x3FFE];
	_ =	sdelay $0x1  }
0x8a: {  	s1 =	srdreg.scid  }
0x8b: {  	s0 =	sand.u32 $0x1, s1  }
0x8c: {  	s17 =	sshll.u32 s0, $0xA;
	s2 =	sadd.s32 s3, s2  }
0x8d: {  	s2 =	sadd.s32 s2, s17  }
0x8e: {  	[smem:$0x3FC2] =	sst s2  }
0x8f: {  	_ = 	snop  }
0x90: {  	s2 =	sld [smem:$0x3FD0];
	(tm) =	ssettm $0x1  }
0x91: {  	s18 =	sld [smem:$0x3FFB];
	_ =	sdelay $0x3  }
0x92: {  	_ =	strace s18  }
0x93: {  	s3 =	sld [smem:$0x3FFC];
	_ =	sdelay $0x3  }
0x94: {  	_ =	strace s3  }
0x95: {  	s3 =	sld [smem:$0x3FFD];
	_ =	sdelay $0x3  }
0x96: {  	_ =	strace s3  }
0x97: {  	_ =	strace $0x8FFFFFFF  }
0x98: {  	s19 =	sld [smem:$0x3FDB];
	_ =	sdelay $0x1  }
0x99: {  	s4 =	simm.s32 $_scs_section_size  }
0x9a: {  	s5 =	simm.s32 $_size__tile_overlayer_lowered;
	s6 =	simm.s32 $_tile_overlayer_lowered  }
0x9b: {  	s22 =	simm.s32 $0x1BFF;
	s21 =	sshll.u32 s6, $0x1;
	s3 =	sadd.s32 s4, s19  }
0x9c: {  	s7 =	simm.s32 $0x0;
	s20 =	sshll.u32 s5, $0x1;
	s5 =	sadd.s32 s21, s3  }
0x9d: {  	[timem:s7], [sflag:s22] =	dma.local [hbm:s5], s20  }
0x9e: {  	_ =	swait.ge [sflag:s22], s20  }
0x9f: {  	s4 =	ssub.s32 $0x0, s20;
	[sflag:s22] =	ssyncset.done $0x0  }
0xa0: {  	[sflag:s22] =	ssyncadd.s32 s4;
	_ =	sdelay $0x1  }
0xa1: {  	s23 =	simm.s32 $0x1B8B  }
0xa2: {  	_ =	swait.ge [sflag:s23], $0x1  }
0xa3: {  	[sflag:s23] =	ssyncset.done $0x0  }
0xa4: {  	s25 =	simm.s32 $0x1B8E;
	s24 =	sld [smem:$0x3FFE];
	[sflag:s23] =	ssyncadd.s32 $0xFFFFFFFF  }
0xa5: {  	s26 =	simm.s32 $execute0_lowered;
	[smem:$0x3FD2] =	sst s25  }
0xa6: {  	s5 =	sshll.u32 s26, $0x1;
	_ =	strace $0x80000046;
	[dreg:$0x1] =	wrdreg $0xFFFFFFFF  }
0xa7: {  	s28 =	simm.s32 $_size_execute0_lowered;
	s3 =	sadd.s32 s3, s5;
	[dreg:$0x0] =	wrdreg $0x0  }
0xa8: {  	s5 =	sshll.u32 s28, $0x1;
	[dreg:$0x2] =	wrdreg s3  }
0xa9: {  	[dreg:$0x3] =	wrdreg s5  }
0xaa: {  	[dreg:$0x4] =	wrdreg $0xC0  }
0xab: {  	_ =	task [dreg:s7], $0x5FFFF  }
0xac: {  	[dreg:$0x1] =	wrdreg $0xFFFFFFFF  }
0xad: {  	[dreg:$0x0] =	wrdreg $0x60  }
0xae: {  	[dreg:$0x2] =	wrdreg s24  }
0xaf: {  	[dreg:$0x3] =	wrdreg s2  }
0xb0: {  	[dreg:$0x4] =	wrdreg $0x30000  }
0xb1: {  	[dreg:$0x5] =	wrdreg $0x9  }
0xb2: {  	_ =	task.clear_ibuf [dreg:s7], $0x6FFFF;
	_ =	strace $0x90000046  }
0xb3: {  	s29 =	simm.s32 $0x9;
	_ =	strace $0x80000048  }
0xb4: {  	_ =	swait.ge [sflag:s29], $0x1  }
0xb5: {  	[sflag:s29] =	ssyncadd.s32 $0xFFFFFFFF  }
0xb6: {  	_ =	strace $0x90000048  }
0xb7: {  	_ =	sfence  }
0xb8: {  	s30 =	sld [smem:$0x0];
	_ =	sdelay $0x2  }
0xb9: {  	s31 =	sshll.u32 s1, $0xD;
	s1 =	sshrl.u32 s1, $0x2  }
0xba: {  	s3 =	sand.u32 $0x4000, s31;
	s1 =	sadd.s32 s1, s30  }
0xbb: {  	s0 =	sor.u32 s3, s0;
	s1 =	sshll.u32 s1, $0x11  }
0xbc: {  	s0 =	sor.u32 s1, s0  }
0xbd: {  	s0 =	sadd.s32 $0x8F2B, s0  }
0xbe: {  	[sflag:s0] =	ssyncadd.remote.s32 $0x1  }
0xbf: {  	_ =	sfence.sel $0xFFFF  }
0xc0: {  	[dreg:$0x0] =	wrdreg $0xFFFFFFFF;
	(pc) =	sbr.abs _section_cstart, $3  }
0xc1: {  	[dreg:$0x1] =	wrdreg $0xFFFFFFFF  }
0xc2: {  	_ =	task.clear_ibuf [dreg:s7], $0x2FFFF;
	_ =	strace $0x9FFFFFFF  }
0xc3: {  	(tm) =	ssettm $0x7FFFFFFF  }
tec
execute0_lowered:
.L_overlay_start_1:
0x0: {  	(tag) =	ssettag $0x1  }
0x1: {  	s1 =	srdreg.scid;
	s5 =	rddreg [dreg:$0x0]  }
0x2: {  	s0 =	stileid.u32;
	s2 =	rddreg [dreg:$0x1]  }
0x3: {  	s3 =	rddreg [dreg:$0x2];
	s4 =	simm.s32 $0x0;
	s13 =	simm.s32 $0x80  }
0x4: {  	s14 =	simm.s32 $0x1;
	s15 =	simm.s32 $0x0;
	s6 =	sand.u32 $0x1, s1  }
0x5: {  	s30 =	sshll.u32 s0, $0x1;
	s8 =	smul.u32 $0x2800, s0;
	[smem:$0x7FF] =	sst s4  }
0x6: {  	s31 =	sshll.u32 s0, $0x6;
	s1 =	sor.u32 s6, s30;
	s9 =	smul.u32 $0x28000, s6  }
0x7: {  	s6 =	ssub.s32 $0x2, s6;
	s7 =	smul.u32 $0x500, s1;
	s1 =	rddreg [dreg:$0x3]  }
0x8: {  	_ =	strace $0x80000047;
	s10 =	sshrl.u32 s8, $0x3;
	s11 =	sshrl.u32 s6, $0x1  }
0x9: {  	s12 =	sadd.s32 s8, s3;
	s9 =	sadd.s32 s8, s9;
	s10 =	sadd.s32 s10, s5  }
0xa: {  	s11 =	ssub.s32 s6, s11;
	s12 =	sshrl.u32 s12, $0x3;
	s7 =	sadd.s32 s7, s5  }
0xb: {  	s9 =	sshrl.u32 s9, $0x3;
	s6 =	sadd.s32 $0x16400, s10;
	s8 =	smax.u32 s11, $0x1  }
0xc: {  	s10 =	simm.s32 $0x2800;
	s11 =	sor.u32 $0x1C02, s31;
	s9 =	sadd.s32 s9, s5  }
0xd: {  	s5 =	sadd.s32 $0x2400, s7;
	s7 =	sadd.s32 $0x1B400, s9;
	s9 =	simm.s32 $0x2  }
.LBB2_1:
0xe: {  	[tilespmem:s4], [sflag:$0x2] =	stream.linear.gather [hbm4b:s5+s4], $0x2800, $0x38;
	[tilespmem:$0x5800] =	vst v63  }
0xf: {  	_ =	swait.ge [sflag:s9], $0x2800  }
0x10: {  	[sflag:s9] =	ssyncset.done $0x0  }
0x11: {  	[sflag:s9] =	ssyncadd.s32 $0xFFFFD800  }
0x12: {  	[tilespmem:s10], [sflag:$0x2] =	stream.linear.gather [hbm4b:s2+s4], $0x800, $0x38;
	[tilespmem:$0x5800] =	vst v63  }
0x13: {  	_ =	swait.ge [sflag:s9], $0x800  }
0x14: {  	[sflag:s9] =	ssyncset.done $0x0  }
0x15: {  	[sflag:s9] =	ssyncadd.s32 $0xFFFFF800  }
0x16: {  	[spmem:s12], [sflag:s11] =	dma.local [hbm:s6], $0x500  }
0x17: {  	_ =	swait.ge [sflag:s9], $0x500  }
0x18: {  	[sflag:s9] =	ssyncset.done $0x0  }
0x19: {  	[sflag:s9] =	ssyncadd.s32 $0xFFFFFB00  }
0x1a: {  	s16 =	simm.s32 $0x200;
	s17 =	simm.s32 $0x0;
	[bflag:$0x0] =	sbarrier.arrive $0xFFFF  }
.LBB2_2:
0x1b: {  	[spmem:s3] =	stream.indirect.scatter.add.f32 [tilespmem:s10], [sflag:$0x1], $0x10, s17, s13, $0xb8;
	[tilespmem:$0x5800] =	vst v63  }
0x1c: {  	s17 =	smov.u32 s16;
	p0 =	sne.s32 s16, $0x9E00  }
.Ltmp0:
0x1d: {  	s16 =	sadd.s32 $0x200, s16;
	(pc) =	sbr.rel @p0 .LBB2_2-.Ltmp0, $2  }
0x1e: {  	_ =	sdelay $0x2  }
0x1f: {  	s17 =	sshra.s32 s17, $0x2  }
0x20: {  	[spmem:s3] =	stream.indirect.scatter.add.f32 [tilespmem:s10], [sflag:$0x1], $0x10, s17, s13, $0xb8;
	[tilespmem:$0x5800] =	vst v63  }
0x21: {  	_ =	swait.ge [sflag:s14], $0x2800  }
0x22: {  	[sflag:s14] =	ssyncset.done $0x0  }
0x23: {  	[sflag:s14] =	ssyncadd.s32 $0xFFFFD800  }
0x24: {  	_ =	swait.ge [sflag:s14], $0x2800  }
0x25: {  	[sflag:s14] =	ssyncset.done $0x0  }
0x26: {  	[sflag:s14] =	ssyncadd.s32 $0xFFFFD800  }
0x27: {  	_ =	swait.ge [sflag:s14], $0x2800  }
0x28: {  	[sflag:s14] =	ssyncset.done $0x0  }
0x29: {  	[sflag:s14] =	ssyncadd.s32 $0xFFFFD800  }
0x2a: {  	_ =	swait.ge [sflag:s14], $0x2800  }
0x2b: {  	[sflag:s14] =	ssyncset.done $0x0  }
0x2c: {  	[sflag:s14] =	ssyncadd.s32 $0xFFFFD800  }
0x2d: {  	_ =	swait.ge [sflag:s14], $0x2800  }
0x2e: {  	[sflag:s14] =	ssyncset.done $0x0  }
0x2f: {  	[sflag:s14] =	ssyncadd.s32 $0xFFFFD800  }
0x30: {  	_ =	swait.ge [sflag:s14], $0x2800  }
0x31: {  	[sflag:s14] =	ssyncset.done $0x0  }
0x32: {  	[sflag:s14] =	ssyncadd.s32 $0xFFFFD800  }
0x33: {  	_ =	swait.ge [sflag:s14], $0x2800  }
0x34: {  	[sflag:s14] =	ssyncset.done $0x0  }
0x35: {  	[sflag:s14] =	ssyncadd.s32 $0xFFFFD800  }
0x36: {  	_ =	swait.ge [sflag:s14], $0x2800  }
0x37: {  	[sflag:s14] =	ssyncset.done $0x0  }
0x38: {  	[sflag:s14] =	ssyncadd.s32 $0xFFFFD800  }
0x39: {  	_ =	swait.ge [sflag:s14], $0x2800  }
0x3a: {  	[sflag:s14] =	ssyncset.done $0x0  }
0x3b: {  	[sflag:s14] =	ssyncadd.s32 $0xFFFFD800  }
0x3c: {  	_ =	swait.ge [sflag:s14], $0x2800  }
0x3d: {  	[sflag:s14] =	ssyncset.done $0x0  }
0x3e: {  	[sflag:s14] =	ssyncadd.s32 $0xFFFFD800  }
0x3f: {  	_ =	swait.ge [sflag:s14], $0x2800  }
0x40: {  	[sflag:s14] =	ssyncset.done $0x0  }
0x41: {  	[sflag:s14] =	ssyncadd.s32 $0xFFFFD800  }
0x42: {  	_ =	swait.ge [sflag:s14], $0x2800  }
0x43: {  	[sflag:s14] =	ssyncset.done $0x0  }
0x44: {  	[sflag:s14] =	ssyncadd.s32 $0xFFFFD800  }
0x45: {  	_ =	swait.ge [sflag:s14], $0x2800  }
0x46: {  	[sflag:s14] =	ssyncset.done $0x0  }
0x47: {  	[sflag:s14] =	ssyncadd.s32 $0xFFFFD800  }
0x48: {  	_ =	swait.ge [sflag:s14], $0x2800  }
0x49: {  	[sflag:s14] =	ssyncset.done $0x0  }
0x4a: {  	[sflag:s14] =	ssyncadd.s32 $0xFFFFD800  }
0x4b: {  	_ =	swait.ge [sflag:s14], $0x2800  }
0x4c: {  	[sflag:s14] =	ssyncset.done $0x0  }
0x4d: {  	[sflag:s14] =	ssyncadd.s32 $0xFFFFD800  }
0x4e: {  	_ =	swait.ge [sflag:s14], $0x2800  }
0x4f: {  	s15 =	sadd.s32 $0x1, s15;
	[sflag:s14] =	ssyncset.done $0x0  }
0x50: {  	p0 =	sne.s32 s15, s8;
	[sflag:s14] =	ssyncadd.s32 $0xFFFFD800  }
.Ltmp1:
0x51: {  	[bflag:$0x0] =	sbarrier.arrive $0xFFFF;
	(pc) =	sbr.rel @p0 .LBB2_1-.Ltmp1, $4  }
0x52: {  	[hbm:s7], [sflag:s11] =	dma.local [spmem:s12], $0x500  }
0x53: {  	_ =	swait.ge [sflag:s9], $0x500  }
0x54: {  	[sflag:s9] =	ssyncset.done $0x0  }
0x55: {  	[sflag:s9] =	ssyncadd.s32 $0xFFFFFB00  }
0x56: {  	_ =	sfence.sel $0x180000  }
0x57: {  	[bflag:$0x0] =	sbarrier.arrive $0xFFFF  }
0x58: {  	p0 =	sne.s32 s0, $0x0;
	_ =	strace $0x90000047  }
0x59: {  	s0 =	sadd.s32 @!p0 $0x100000, s1;
	[bflag:$0x2] =	sbarrier.arrive $0xFFFF  }
0x5a: {  	[sflag:s0] =	ssyncadd.tile.s32 @!p0 $0x1;
	_ =	shalt  }
.Lfunc_end2:
_tile_overlayer_lowered:
.L_overlay_start_2:
0x5b: {  	(tag) =	ssettag $0x2  }
0x5c: {  	s0 =	rddreg [dreg:$0x0];
	s2 =	stileid.u32  }
0x5d: {  	s1 =	rddreg [dreg:$0x1];
	p0 =	sne.s32 s2, $0x0  }
0x5e: {  	s3 =	rddreg [dreg:$0x2];
	[bflag:$0x3] =	sbarrier.arrive $0xFFFF;
	s2 =	simm.s32 @!p0 $0x1C02  }
0x5f: {  	[timem:s3], [sflag:s2] =	dma.local @!p0 [hbm:s0], s1  }
0x60: {  	s0 =	simm.s32 @!p0 $0x2  }
0x61: {  	_ =	swait.ge @!p0 [sflag:s0], s1  }
0x62: {  	s1 =	ssub.s32 @!p0 $0x0, s1;
	[sflag:s0] =	ssyncset.done @!p0 $0x0  }
0x63: {  	[sflag:s0] =	ssyncadd.s32 @!p0 s1  }
0x64: {  	[bflag:$0x3] =	sbarrier.arrive $0xFFFF  }
0x65: {  	_ =	shalt  }

</sc_bundles>
